<compile_context>
chip_gen: v7x
topology: tpu7x:2x2x1
jax: 0.10.2.dev20260603
libtpu: 0.0.44.dev20260713+nightly
codegen_flags: <defaults>
</compile_context>

<pallas_src>
import functools

import jax
import jax.numpy as jnp
from jax import lax
from jax.experimental import pallas as pl
from jax.experimental.pallas import tpu as pltpu
from jax.experimental.pallas import tpu_sc as plsc

N = 10000
E = 320000
D = 128
G = 64
OUT = 5

NC = 2
NS = 16
NW = NC * NS
EPW = E // NW
CH = 125
NCH = EPW // CH
GRPC = 16
NGRP = NCH // GRPC
NBUF = 2
NPT = 624
NTAIL = N - NPT * NS
ND = N

RPW = 312
PCH = 64
PNCH = 6

_mesh = plsc.VectorSubcoreMesh(
    core_axis_name="c", subcore_axis_name="s", num_cores=NC, num_subcores=NS)


@functools.partial(
    pl.kernel,
    out_type=jax.ShapeDtypeStruct((NC, N, D), jnp.float32),
    mesh=_mesh,
    scratch_types=[
        pltpu.VMEM((GRPC, CH), jnp.int32),
        pltpu.VMEM((GRPC, CH), jnp.int32),
        pltpu.VMEM((NBUF, CH, D), jnp.float32),
        pltpu.VMEM_SHARED((ND, D), jnp.float32),
    ] + [pltpu.SemaphoreType.DMA] * (2 * NBUF + 1),
)
def _sc_scatter(x_hbm, src_hbm, dst_hbm, out_hbm,
                sidx_v, didx_v, rows_v, agg_sh, *sems):
    gsems = sems[:NBUF]
    ssems = sems[NBUF:2 * NBUF]
    zsem = sems[2 * NBUF]
    c = lax.axis_index("c")
    s = lax.axis_index("s")
    w = s * NC + c

    @pl.loop(0, CH)
    def _(i):
        for cc in range(D // 16):
            rows_v[0, i, pl.ds(cc * 16, 16)] = jnp.zeros((16,), jnp.float32)

    ZC = NPT // CH
    ZT = NPT - ZC * CH

    for k in range(ZC):
        pltpu.async_copy(rows_v.at[0], agg_sh.at[pl.ds(s * NPT + k * CH, CH)],
                         zsem)
    pltpu.async_copy(rows_v.at[0, pl.ds(0, ZT)],
                     agg_sh.at[pl.ds(s * NPT + ZC * CH, ZT)], zsem)

    @pl.when(s == 0)
    def _():
        pltpu.async_copy(rows_v.at[0, pl.ds(0, NTAIL)],
                         agg_sh.at[pl.ds(NPT * NS, NTAIL)], zsem)

    for k in range(ZC):
        pltpu.make_async_copy(
            rows_v.at[0], agg_sh.at[pl.ds(s * NPT, CH)], zsem).wait()
    pltpu.make_async_copy(rows_v.at[0, pl.ds(0, ZT)],
                          agg_sh.at[pl.ds(s * NPT, ZT)], zsem).wait()

    @pl.when(s == 0)
    def _():
        pltpu.make_async_copy(
            rows_v.at[0, pl.ds(0, NTAIL)],
            agg_sh.at[pl.ds(NPT * NS, NTAIL)], zsem).wait()

    plsc.subcore_barrier()

    def gather_start(jj, b):
        pltpu.async_copy(x_hbm.at[sidx_v.at[jj]], rows_v.at[b], gsems[b])

    def gather_wait(jj, b):
        pltpu.make_async_copy(
            x_hbm.at[sidx_v.at[jj]], rows_v.at[b], gsems[b]).wait()

    def scatter_start(jj, b):
        pltpu.async_copy(rows_v.at[b], agg_sh.at[didx_v.at[jj]], ssems[b],
                         add=True)

    def scatter_wait(jj, b):
        pltpu.make_async_copy(
            rows_v.at[b], agg_sh.at[didx_v.at[jj]], ssems[b]).wait()

    @pl.loop(0, NGRP)
    def _(g):
        base = (w * NGRP + g) * GRPC
        pltpu.sync_copy(src_hbm.at[pl.ds(base, GRPC)], sidx_v)
        pltpu.sync_copy(dst_hbm.at[pl.ds(base, GRPC)], didx_v)
        gather_start(0, 0)

        @pl.loop(0, GRPC // NBUF)
        def _(i):
            for b in range(NBUF):
                jj = i * NBUF + b
                gather_wait(jj, b)
                scatter_start(jj, b)
                bn = 1 - b
                if b == 0:
                    @pl.when(jj >= 1)
                    def _():
                        scatter_wait(jj - 1, bn)
                    gather_start(jj + 1, bn)
                else:
                    scatter_wait(jj - 1, bn)

                    @pl.when(jj + 1 < GRPC)
                    def _():
                        gather_start(jj + 1, bn)

        scatter_wait(GRPC - 1, (GRPC - 1) % NBUF)

    plsc.subcore_barrier()
    pltpu.sync_copy(agg_sh.at[pl.ds(s * NPT, NPT)],
                    out_hbm.at[c, pl.ds(s * NPT, NPT)])

    @pl.when(s == 0)
    def _():
        pltpu.sync_copy(agg_sh.at[pl.ds(NPT * NS, NTAIL)],
                        out_hbm.at[c, pl.ds(NPT * NS, NTAIL)])


def _mlp_body(x_ref, a_ref, w1_ref, b1_ref, g_ref, be_ref, w2_ref, b2_ref,
              out_ref):
    h = x_ref[...] + a_ref[0] + a_ref[1]
    z = lax.dot_general(h, w1_ref[...], (((1,), (1,)), ((), ())),
                        preferred_element_type=jnp.float32)
    cbn = 1.0 / jnp.sqrt(jnp.float32(1.0 + 1e-5))
    scale = g_ref[...] * cbn
    z = z * scale + (b1_ref[...] * scale + be_ref[...])
    z = jnp.maximum(z, 0.0)
    z = lax.dot_general(z, w2_ref[...], (((1,), (1,)), ((), ())),
                        preferred_element_type=jnp.float32)
    out_ref[...] = jnp.maximum(z + b2_ref[...], 0.0)


_MLP_ROWS = 1000

_tc_mlp = pl.pallas_call(
    _mlp_body,
    grid=(N // _MLP_ROWS,),
    in_specs=[
        pl.BlockSpec((_MLP_ROWS, D), lambda i: (i, 0)),
        pl.BlockSpec((NC, _MLP_ROWS, D), lambda i: (0, i, 0)),
        pl.BlockSpec((D, D), lambda i: (0, 0)),
        pl.BlockSpec((1, D), lambda i: (0, 0)),
        pl.BlockSpec((1, D), lambda i: (0, 0)),
        pl.BlockSpec((1, D), lambda i: (0, 0)),
        pl.BlockSpec((D, D), lambda i: (0, 0)),
        pl.BlockSpec((1, D), lambda i: (0, 0)),
    ],
    out_specs=pl.BlockSpec((_MLP_ROWS, D), lambda i: (i, 0)),
    out_shape=jax.ShapeDtypeStruct((N, D), jnp.float32),
)


def _mlp_pool_body(s_ref, x_ref, a_ref, w1_ref, b1_ref, g_ref, be_ref,
                   w2_ref, b2_ref, wl_ref, bl_ref, out_ref,
                   acc_ref):
    i = pl.program_id(0)

    @pl.when(i == 0)
    def _():
        acc_ref[...] = jnp.full((G, D), -jnp.inf, jnp.float32)

    h = x_ref[...] + a_ref[0] + a_ref[1]
    z = lax.dot_general(h, w1_ref[...], (((1,), (1,)), ((), ())),
                        preferred_element_type=jnp.float32)
    cbn = 1.0 / jnp.sqrt(jnp.float32(1.0 + 1e-5))
    scale = g_ref[...] * cbn
    z = z * scale + (b1_ref[...] * scale + be_ref[...])
    z = jnp.maximum(z, 0.0)
    z = lax.dot_general(z, w2_ref[...], (((1,), (1,)), ((), ())),
                        preferred_element_type=jnp.float32)
    z = jnp.maximum(z + b2_ref[...], 0.0)

    base = i * _MLP_ROWS
    lo = s_ref[base]
    hi = s_ref[base + _MLP_ROWS - 1]
    rowid = lax.broadcasted_iota(jnp.int32, (_MLP_ROWS, D), 0)

    def lower_bound(gval):
        def bstep(_, st):
            l, h = st
            mid = (l + h) // 2
            v = s_ref[base + mid]
            return (jnp.where(v < gval, mid + 1, l),
                    jnp.where(v < gval, h, mid))

        return lax.fori_loop(0, 10, bstep, (jnp.int32(0),
                                            jnp.int32(_MLP_ROWS)))[0]

    def seg(gi, seg_start):
        seg_end = lower_bound(gi + 1)
        m = (rowid >= seg_start) & (rowid < seg_end)
        sm = jnp.max(jnp.where(m, z, -jnp.inf), axis=0, keepdims=True)
        acc_ref[pl.ds(gi, 1), :] = jnp.maximum(acc_ref[pl.ds(gi, 1), :], sm)
        return seg_end

    lax.fori_loop(lo, hi + 1, seg, jnp.int32(0))

    @pl.when(i == N // _MLP_ROWS - 1)
    def _():
        out_ref[...] = lax.dot_general(
            acc_ref[...], wl_ref[...], (((1,), (1,)), ((), ())),
            preferred_element_type=jnp.float32) + bl_ref[...]


_tc_mlp_pool = pl.pallas_call(
    _mlp_pool_body,
    grid_spec=pltpu.PrefetchScalarGridSpec(
        num_scalar_prefetch=1,
        grid=(N // _MLP_ROWS,),
        in_specs=[
            pl.BlockSpec((_MLP_ROWS, D), lambda i, s: (i, 0)),
            pl.BlockSpec((NC, _MLP_ROWS, D), lambda i, s: (0, i, 0)),
            pl.BlockSpec((D, D), lambda i, s: (0, 0)),
            pl.BlockSpec((1, D), lambda i, s: (0, 0)),
            pl.BlockSpec((1, D), lambda i, s: (0, 0)),
            pl.BlockSpec((1, D), lambda i, s: (0, 0)),
            pl.BlockSpec((D, D), lambda i, s: (0, 0)),
            pl.BlockSpec((1, D), lambda i, s: (0, 0)),
            pl.BlockSpec((OUT, D), lambda i, s: (0, 0)),
            pl.BlockSpec((1, OUT), lambda i, s: (0, 0)),
        ],
        out_specs=pl.BlockSpec((G, OUT), lambda i, s: (0, 0)),
        scratch_shapes=[pltpu.VMEM((G, D), jnp.float32)],
    ),
    out_shape=jax.ShapeDtypeStruct((G, OUT), jnp.float32),
)


def kernel(x, edge_index, batch, W1_0, b1_0, gamma_0, beta_0, W2_0, b2_0,
           W1_1, b1_1, gamma_1, beta_1, W2_1, b2_1, Wlin, blin):
    src_f = edge_index[0].reshape(E // CH, CH)
    dst_f = edge_index[1].reshape(E // CH, CH)

    agg = _sc_scatter(x, src_f, dst_f)
    h1 = _tc_mlp(x, agg, W1_0, b1_0.reshape(1, D), gamma_0.reshape(1, D),
                 beta_0.reshape(1, D), W2_0, b2_0.reshape(1, D))
    agg2 = _sc_scatter(h1, src_f, dst_f)
    return _tc_mlp_pool(
        batch, h1, agg2, W1_1, b1_1.reshape(1, D), gamma_1.reshape(1, D),
        beta_1.reshape(1, D), W2_1, b2_1.reshape(1, D),
        Wlin, blin.reshape(1, OUT))

# --- scband reference (transcript-rebuilt; emitter-appended) ---
"""Pipeline reference for scband-gin-4904852652849 (READ-ONLY COPY).

The authoritative reference and input builder live on the scoring server;
editing this copy changes nothing except your own understanding.
"""

import jax, jax.numpy as jnp
import numpy as np

N = 10000
E = 320000
D = 128
G = 64
OUT = 5


def setup_inputs(seed: int = 0):
    key = jax.random.key(seed)
    ks = jax.random.split(key, 16)
    inp = {}
    inp["x"] = jax.random.normal(ks[0], (N, D), dtype=jnp.float32)
    inp["edge_index"] = jax.random.randint(ks[1], (2, E), 0, N, dtype=jnp.int32)
    inp["batch"] = jnp.sort(jax.random.randint(ks[2], (N,), 0, G, dtype=jnp.int32))
    s = 0.05
    for i in range(2):
        inp[f"W1_{i}"] = jax.random.normal(ks[3 + 5 * i], (D, D), dtype=jnp.float32) * s
        inp[f"b1_{i}"] = jnp.zeros((D,), jnp.float32)
        inp[f"gamma_{i}"] = jnp.ones((D,), jnp.float32)
        inp[f"beta_{i}"] = jnp.zeros((D,), jnp.float32)
        inp[f"W2_{i}"] = jax.random.normal(ks[4 + 5 * i], (D, D), dtype=jnp.float32) * s
        inp[f"b2_{i}"] = jnp.zeros((D,), jnp.float32)
    inp["Wlin"] = jax.random.normal(ks[13], (OUT, D), dtype=jnp.float32) * s
    inp["blin"] = jnp.zeros((OUT,), jnp.float32)
    return inp


def _bn_eval(h, gamma, beta):
    # BatchNorm1d in eval mode with running_mean=0, running_var=1
    return h / jnp.sqrt(1.0 + 1e-5) * gamma + beta


def _gin_layer(x, edge_index, W1, b1, gamma, beta, W2, b2):
    src = edge_index[0]
    dst = edge_index[1]
    # sum aggregation of messages x_j into destination nodes (SparseCore gather + scatter-add)
    agg = jnp.zeros_like(x).at[dst].add(x[src])
    h = x + agg  # (1 + eps) * x + agg, eps = 0 (train_eps=False)
    # PyG MLP (num_layers=2): Linear -> BatchNorm -> ReLU -> Linear (plain last)
    h = h @ W1.T + b1
    h = _bn_eval(h, gamma, beta)
    h = jax.nn.relu(h)
    h = h @ W2.T + b2
    # GIN wrapper applies .relu() after each conv
    return jax.nn.relu(h)


def reference(x, edge_index, batch, W1_0, b1_0, gamma_0, beta_0, W2_0, b2_0,
              W1_1, b1_1, gamma_1, beta_1, W2_1, b2_1, Wlin, blin):
    h = _gin_layer(x, edge_index, W1_0, b1_0, gamma_0, beta_0, W2_0, b2_0)
    h = _gin_layer(h, edge_index, W1_1, b1_1, gamma_1, beta_1, W2_1, b2_1)
    pooled = jax.ops.segment_max(h, batch, num_segments=G)  # global_max_pool
    # dropout p=0.3 is identity in eval mode
    return pooled @ Wlin.T + blin

if __name__ == "__main__":
    import jax
    _d = setup_inputs()
    print(jax.jit(kernel)(*tuple(_d.values())))

</pallas_src>

<mosaic_0001>
#map = affine_map<(d0, d1) -> (0, 0)>
#map1 = affine_map<(d0, d1) -> (0, 0, 0)>
module attributes {stable_mosaic.version = 14 : i64} {
  func.func @_sc_scatter(%arg0: i32, %arg1: i32, %arg2: memref<10000x128xf32, #tpu.memory_space<hbm>>, %arg3: memref<2560x125xi32, #tpu.memory_space<hbm>>, %arg4: memref<2560x125xi32, #tpu.memory_space<hbm>>, %arg5: memref<2x10000x128xf32, #tpu.memory_space<hbm>>, %arg6: memref<16x125xi32, #tpu.memory_space<vmem>>, %arg7: memref<16x125xi32, #tpu.memory_space<vmem>>, %arg8: memref<2x125x128xf32, #tpu.memory_space<vmem>>, %arg9: memref<10000x128xf32, #tpu.memory_space<vmem_shared>>, %arg10: memref<!tpu.dma_semaphore, #tpu.memory_space<semaphore_mem>>, %arg11: memref<!tpu.dma_semaphore, #tpu.memory_space<semaphore_mem>>, %arg12: memref<!tpu.dma_semaphore, #tpu.memory_space<semaphore_mem>>, %arg13: memref<!tpu.dma_semaphore, #tpu.memory_space<semaphore_mem>>, %arg14: memref<!tpu.dma_semaphore, #tpu.memory_space<semaphore_mem>>) attributes {dimension_semantics = [#tpu.dimension_semantics<core_parallel>, #tpu.dimension_semantics<subcore_parallel>], iteration_bounds = array<i64: 2, 16>, scalar_prefetch = 0 : i64, scratch_operands = 9 : i64, tpu.core_type = #tpu.core_type<sc_vector_subcore>, window_params = [{transform_indices = #map}, {transform_indices = #map}, {transform_indices = #map}, {transform_indices = #map1}]} {
    %mul3A = arith.constant 2 : i32
    %mul3A_0 = arith.muli %arg1, %mul3A : i32
    %add3A = arith.addi %mul3A_0, %arg0 : i32
    %scan3A = arith.constant 0 : i32
    %scan3A_1 = arith.constant 125 : i32
    %scan3A_2 = arith.addi %scan3A, %scan3A_1 : i32
    %scan3A_3 = arith.constant 1 : i32
    scf.for %scan3A_185 = %scan3A to %scan3A_2 step %scan3A_3  : i32 {
      %mul3A_186 = arith.constant 1 : i32
      %mul3A_187 = arith.muli %scan3A_185, %mul3A_186 : i32
      %add3A_188 = arith.constant 0 : i32
      %add3A_189 = arith.addi %add3A_188, %mul3A_187 : i32
      %broadcast_in_dim3A = arith.constant 0.000000e+00 : f32
      %broadcast_in_dim3A_190 = vector.broadcast %broadcast_in_dim3A : f32 to vector<16xf32>
      %swap3A = arith.constant 0 : i32
      %swap3A_191 = arith.index_cast %swap3A : i32 to index
      %swap3A_192 = arith.index_cast %add3A_189 : i32 to index
      %swap3A_193 = arith.constant 0 : index
      %swap3A_194 = tpu.vector_load %arg8[%swap3A_191, %swap3A_192, %swap3A_193] {strides = array<i32>} : memref<2x125x128xf32, #tpu.memory_space<vmem>>, vector<1x1x16xf32>,
      %swap3A_195 = vector.shape_cast %swap3A_194 : vector<1x1x16xf32> to vector<16xf32>
      %swap3A_196 = vector.shape_cast %broadcast_in_dim3A_190 : vector<16xf32> to vector<1x1x16xf32>
      tpu.vector_store %arg8[%swap3A_191, %swap3A_192, %swap3A_193], %swap3A_196 {strides = array<i32>} : memref<2x125x128xf32, #tpu.memory_space<vmem>>, vector<1x1x16xf32>,
      %broadcast_in_dim3A_197 = arith.constant 0.000000e+00 : f32
      %broadcast_in_dim3A_198 = vector.broadcast %broadcast_in_dim3A_197 : f32 to vector<16xf32>
      %swap3A_199 = arith.constant 0 : i32
      %swap3A_200 = arith.index_cast %swap3A_199 : i32 to index
      %swap3A_201 = arith.index_cast %add3A_189 : i32 to index
      %swap3A_202 = arith.constant 16 : index
      %swap3A_203 = tpu.vector_load %arg8[%swap3A_200, %swap3A_201, %swap3A_202] {strides = array<i32>} : memref<2x125x128xf32, #tpu.memory_space<vmem>>, vector<1x1x16xf32>,
      %swap3A_204 = vector.shape_cast %swap3A_203 : vector<1x1x16xf32> to vector<16xf32>
      %swap3A_205 = vector.shape_cast %broadcast_in_dim3A_198 : vector<16xf32> to vector<1x1x16xf32>
      tpu.vector_store %arg8[%swap3A_200, %swap3A_201, %swap3A_202], %swap3A_205 {strides = array<i32>} : memref<2x125x128xf32, #tpu.memory_space<vmem>>, vector<1x1x16xf32>,
      %broadcast_in_dim3A_206 = arith.constant 0.000000e+00 : f32
      %broadcast_in_dim3A_207 = vector.broadcast %broadcast_in_dim3A_206 : f32 to vector<16xf32>
      %swap3A_208 = arith.constant 0 : i32
      %swap3A_209 = arith.index_cast %swap3A_208 : i32 to index
      %swap3A_210 = arith.index_cast %add3A_189 : i32 to index
      %swap3A_211 = arith.constant 32 : index
      %swap3A_212 = tpu.vector_load %arg8[%swap3A_209, %swap3A_210, %swap3A_211] {strides = array<i32>} : memref<2x125x128xf32, #tpu.memory_space<vmem>>, vector<1x1x16xf32>,
      %swap3A_213 = vector.shape_cast %swap3A_212 : vector<1x1x16xf32> to vector<16xf32>
      %swap3A_214 = vector.shape_cast %broadcast_in_dim3A_207 : vector<16xf32> to vector<1x1x16xf32>
      tpu.vector_store %arg8[%swap3A_209, %swap3A_210, %swap3A_211], %swap3A_214 {strides = array<i32>} : memref<2x125x128xf32, #tpu.memory_space<vmem>>, vector<1x1x16xf32>,
      %broadcast_in_dim3A_215 = arith.constant 0.000000e+00 : f32
      %broadcast_in_dim3A_216 = vector.broadcast %broadcast_in_dim3A_215 : f32 to vector<16xf32>
      %swap3A_217 = arith.constant 0 : i32
      %swap3A_218 = arith.index_cast %swap3A_217 : i32 to index
      %swap3A_219 = arith.index_cast %add3A_189 : i32 to index
      %swap3A_220 = arith.constant 48 : index
      %swap3A_221 = tpu.vector_load %arg8[%swap3A_218, %swap3A_219, %swap3A_220] {strides = array<i32>} : memref<2x125x128xf32, #tpu.memory_space<vmem>>, vector<1x1x16xf32>,
      %swap3A_222 = vector.shape_cast %swap3A_221 : vector<1x1x16xf32> to vector<16xf32>
      %swap3A_223 = vector.shape_cast %broadcast_in_dim3A_216 : vector<16xf32> to vector<1x1x16xf32>
      tpu.vector_store %arg8[%swap3A_218, %swap3A_219, %swap3A_220], %swap3A_223 {strides = array<i32>} : memref<2x125x128xf32, #tpu.memory_space<vmem>>, vector<1x1x16xf32>,
      %broadcast_in_dim3A_224 = arith.constant 0.000000e+00 : f32
      %broadcast_in_dim3A_225 = vector.broadcast %broadcast_in_dim3A_224 : f32 to vector<16xf32>
      %swap3A_226 = arith.constant 0 : i32
      %swap3A_227 = arith.index_cast %swap3A_226 : i32 to index
      %swap3A_228 = arith.index_cast %add3A_189 : i32 to index
      %swap3A_229 = arith.constant 64 : index
      %swap3A_230 = tpu.vector_load %arg8[%swap3A_227, %swap3A_228, %swap3A_229] {strides = array<i32>} : memref<2x125x128xf32, #tpu.memory_space<vmem>>, vector<1x1x16xf32>,
      %swap3A_231 = vector.shape_cast %swap3A_230 : vector<1x1x16xf32> to vector<16xf32>
      %swap3A_232 = vector.shape_cast %broadcast_in_dim3A_225 : vector<16xf32> to vector<1x1x16xf32>
      tpu.vector_store %arg8[%swap3A_227, %swap3A_228, %swap3A_229], %swap3A_232 {strides = array<i32>} : memref<2x125x128xf32, #tpu.memory_space<vmem>>, vector<1x1x16xf32>,
      %broadcast_in_dim3A_233 = arith.constant 0.000000e+00 : f32
      %broadcast_in_dim3A_234 = vector.broadcast %broadcast_in_dim3A_233 : f32 to vector<16xf32>
      %swap3A_235 = arith.constant 0 : i32
      %swap3A_236 = arith.index_cast %swap3A_235 : i32 to index
      %swap3A_237 = arith.index_cast %add3A_189 : i32 to index
      %swap3A_238 = arith.constant 80 : index
      %swap3A_239 = tpu.vector_load %arg8[%swap3A_236, %swap3A_237, %swap3A_238] {strides = array<i32>} : memref<2x125x128xf32, #tpu.memory_space<vmem>>, vector<1x1x16xf32>,
      %swap3A_240 = vector.shape_cast %swap3A_239 : vector<1x1x16xf32> to vector<16xf32>
      %swap3A_241 = vector.shape_cast %broadcast_in_dim3A_234 : vector<16xf32> to vector<1x1x16xf32>
      tpu.vector_store %arg8[%swap3A_236, %swap3A_237, %swap3A_238], %swap3A_241 {strides = array<i32>} : memref<2x125x128xf32, #tpu.memory_space<vmem>>, vector<1x1x16xf32>,
      %broadcast_in_dim3A_242 = arith.constant 0.000000e+00 : f32
      %broadcast_in_dim3A_243 = vector.broadcast %broadcast_in_dim3A_242 : f32 to vector<16xf32>
      %swap3A_244 = arith.constant 0 : i32
      %swap3A_245 = arith.index_cast %swap3A_244 : i32 to index
      %swap3A_246 = arith.index_cast %add3A_189 : i32 to index
      %swap3A_247 = arith.constant 96 : index
      %swap3A_248 = tpu.vector_load %arg8[%swap3A_245, %swap3A_246, %swap3A_247] {strides = array<i32>} : memref<2x125x128xf32, #tpu.memory_space<vmem>>, vector<1x1x16xf32>,
      %swap3A_249 = vector.shape_cast %swap3A_248 : vector<1x1x16xf32> to vector<16xf32>
      %swap3A_250 = vector.shape_cast %broadcast_in_dim3A_243 : vector<16xf32> to vector<1x1x16xf32>
      tpu.vector_store %arg8[%swap3A_245, %swap3A_246, %swap3A_247], %swap3A_250 {strides = array<i32>} : memref<2x125x128xf32, #tpu.memory_space<vmem>>, vector<1x1x16xf32>,
      %broadcast_in_dim3A_251 = arith.constant 0.000000e+00 : f32
      %broadcast_in_dim3A_252 = vector.broadcast %broadcast_in_dim3A_251 : f32 to vector<16xf32>
      %swap3A_253 = arith.constant 0 : i32
      %swap3A_254 = arith.index_cast %swap3A_253 : i32 to index
      %swap3A_255 = arith.index_cast %add3A_189 : i32 to index
      %swap3A_256 = arith.constant 112 : index
      %swap3A_257 = tpu.vector_load %arg8[%swap3A_254, %swap3A_255, %swap3A_256] {strides = array<i32>} : memref<2x125x128xf32, #tpu.memory_space<vmem>>, vector<1x1x16xf32>,
      %swap3A_258 = vector.shape_cast %swap3A_257 : vector<1x1x16xf32> to vector<16xf32>
      %swap3A_259 = vector.shape_cast %broadcast_in_dim3A_252 : vector<16xf32> to vector<1x1x16xf32>
      tpu.vector_store %arg8[%swap3A_254, %swap3A_255, %swap3A_256], %swap3A_259 {strides = array<i32>} : memref<2x125x128xf32, #tpu.memory_space<vmem>>, vector<1x1x16xf32>,
    }
    %scan3A_4 = arith.constant 125 : i32
    %mul3A_5 = arith.constant 624 : i32
    %mul3A_6 = arith.muli %arg1, %mul3A_5 : i32
    %add3A_7 = arith.constant 0 : i32
    %add3A_8 = arith.addi %mul3A_6, %add3A_7 : i32
    %dma_start3A = arith.constant 0 : i32
    %dma_start3A_9 = arith.constant 0 : i32
    %dma_start3A_10 = arith.constant 0 : i32
    %dma_start3A_11 = tpu.memref_slice %arg8[%dma_start3A, %dma_start3A_9, %dma_start3A_10] : memref<2x125x128xf32, #tpu.memory_space<vmem>> -> memref<1x125x128xf32, #tpu.memory_space<vmem>>
    %dma_start3A_12 = tpu.memref_squeeze %dma_start3A_11 : memref<1x125x128xf32, #tpu.memory_space<vmem>> -> memref<125x128xf32, #tpu.memory_space<vmem>>
    %dma_start3A_13 = arith.constant 0 : i32
    %dma_start3A_14 = tpu.memref_slice %arg9[%add3A_8, %dma_start3A_13] : memref<10000x128xf32, #tpu.memory_space<vmem_shared>> -> memref<125x128xf32, #tpu.memory_space<vmem_shared>>
    %dma_start3A_15 = arith.constant 0 : i32
    %dma_start3A_16 = tpu.memref_slice %arg9[%add3A_8, %dma_start3A_15] : memref<10000x128xf32, #tpu.memory_space<vmem_shared>> -> memref<125x128xf32, #tpu.memory_space<vmem_shared>>
    %dma_start3A_17 = arith.constant 0 : i32
    %dma_start3A_18 = arith.constant 0 : i32
    %dma_start3A_19 = tpu.memref_slice %arg8[%dma_start3A, %dma_start3A_17, %dma_start3A_18] : memref<2x125x128xf32, #tpu.memory_space<vmem>> -> memref<1x125x128xf32, #tpu.memory_space<vmem>>
    %dma_start3A_20 = tpu.memref_squeeze %dma_start3A_19 : memref<1x125x128xf32, #tpu.memory_space<vmem>> -> memref<125x128xf32, #tpu.memory_space<vmem>>
    tpu.enqueue_dma source(%dma_start3A_20 : memref<125x128xf32, #tpu.memory_space<vmem>>) target(%dma_start3A_16 : memref<125x128xf32, #tpu.memory_space<vmem_shared>>) target_semaphore(%arg14 : memref<!tpu.dma_semaphore, #tpu.memory_space<semaphore_mem>>)
    %mul3A_21 = arith.constant 624 : i32
    %mul3A_22 = arith.muli %arg1, %mul3A_21 : i32
    %add3A_23 = arith.constant 125 : i32
    %add3A_24 = arith.addi %mul3A_22, %add3A_23 : i32
    %dma_start3A_25 = arith.constant 0 : i32
    %dma_start3A_26 = arith.constant 0 : i32
    %dma_start3A_27 = arith.constant 0 : i32
    %dma_start3A_28 = tpu.memref_slice %arg8[%dma_start3A_25, %dma_start3A_26, %dma_start3A_27] : memref<2x125x128xf32, #tpu.memory_space<vmem>> -> memref<1x125x128xf32, #tpu.memory_space<vmem>>
    %dma_start3A_29 = tpu.memref_squeeze %dma_start3A_28 : memref<1x125x128xf32, #tpu.memory_space<vmem>> -> memref<125x128xf32, #tpu.memory_space<vmem>>
    %dma_start3A_30 = arith.constant 0 : i32
    %dma_start3A_31 = tpu.memref_slice %arg9[%add3A_24, %dma_start3A_30] : memref<10000x128xf32, #tpu.memory_space<vmem_shared>> -> memref<125x128xf32, #tpu.memory_space<vmem_shared>>
    %dma_start3A_32 = arith.constant 0 : i32
    %dma_start3A_33 = tpu.memref_slice %arg9[%add3A_24, %dma_start3A_32] : memref<10000x128xf32, #tpu.memory_space<vmem_shared>> -> memref<125x128xf32, #tpu.memory_space<vmem_shared>>
    %dma_start3A_34 = arith.constant 0 : i32
    %dma_start3A_35 = arith.constant 0 : i32
    %dma_start3A_36 = tpu.memref_slice %arg8[%dma_start3A_25, %dma_start3A_34, %dma_start3A_35] : memref<2x125x128xf32, #tpu.memory_space<vmem>> -> memref<1x125x128xf32, #tpu.memory_space<vmem>>
    %dma_start3A_37 = tpu.memref_squeeze %dma_start3A_36 : memref<1x125x128xf32, #tpu.memory_space<vmem>> -> memref<125x128xf32, #tpu.memory_space<vmem>>
    tpu.enqueue_dma source(%dma_start3A_37 : memref<125x128xf32, #tpu.memory_space<vmem>>) target(%dma_start3A_33 : memref<125x128xf32, #tpu.memory_space<vmem_shared>>) target_semaphore(%arg14 : memref<!tpu.dma_semaphore, #tpu.memory_space<semaphore_mem>>)
    %mul3A_38 = arith.constant 624 : i32
    %mul3A_39 = arith.muli %arg1, %mul3A_38 : i32
    %add3A_40 = arith.constant 250 : i32
    %add3A_41 = arith.addi %mul3A_39, %add3A_40 : i32
    %dma_start3A_42 = arith.constant 0 : i32
    %dma_start3A_43 = arith.constant 0 : i32
    %dma_start3A_44 = arith.constant 0 : i32
    %dma_start3A_45 = tpu.memref_slice %arg8[%dma_start3A_42, %dma_start3A_43, %dma_start3A_44] : memref<2x125x128xf32, #tpu.memory_space<vmem>> -> memref<1x125x128xf32, #tpu.memory_space<vmem>>
    %dma_start3A_46 = tpu.memref_squeeze %dma_start3A_45 : memref<1x125x128xf32, #tpu.memory_space<vmem>> -> memref<125x128xf32, #tpu.memory_space<vmem>>
    %dma_start3A_47 = arith.constant 0 : i32
    %dma_start3A_48 = tpu.memref_slice %arg9[%add3A_41, %dma_start3A_47] : memref<10000x128xf32, #tpu.memory_space<vmem_shared>> -> memref<125x128xf32, #tpu.memory_space<vmem_shared>>
    %dma_start3A_49 = arith.constant 0 : i32
    %dma_start3A_50 = tpu.memref_slice %arg9[%add3A_41, %dma_start3A_49] : memref<10000x128xf32, #tpu.memory_space<vmem_shared>> -> memref<125x128xf32, #tpu.memory_space<vmem_shared>>
    %dma_start3A_51 = arith.constant 0 : i32
    %dma_start3A_52 = arith.constant 0 : i32
    %dma_start3A_53 = tpu.memref_slice %arg8[%dma_start3A_42, %dma_start3A_51, %dma_start3A_52] : memref<2x125x128xf32, #tpu.memory_space<vmem>> -> memref<1x125x128xf32, #tpu.memory_space<vmem>>
    %dma_start3A_54 = tpu.memref_squeeze %dma_start3A_53 : memref<1x125x128xf32, #tpu.memory_space<vmem>> -> memref<125x128xf32, #tpu.memory_space<vmem>>
    tpu.enqueue_dma source(%dma_start3A_54 : memref<125x128xf32, #tpu.memory_space<vmem>>) target(%dma_start3A_50 : memref<125x128xf32, #tpu.memory_space<vmem_shared>>) target_semaphore(%arg14 : memref<!tpu.dma_semaphore, #tpu.memory_space<semaphore_mem>>)
    %mul3A_55 = arith.constant 624 : i32
    %mul3A_56 = arith.muli %arg1, %mul3A_55 : i32
    %add3A_57 = arith.constant 375 : i32
    %add3A_58 = arith.addi %mul3A_56, %add3A_57 : i32
    %dma_start3A_59 = arith.constant 0 : i32
    %dma_start3A_60 = arith.constant 0 : i32
    %dma_start3A_61 = arith.constant 0 : i32
    %dma_start3A_62 = tpu.memref_slice %arg8[%dma_start3A_59, %dma_start3A_60, %dma_start3A_61] : memref<2x125x128xf32, #tpu.memory_space<vmem>> -> memref<1x125x128xf32, #tpu.memory_space<vmem>>
    %dma_start3A_63 = tpu.memref_squeeze %dma_start3A_62 : memref<1x125x128xf32, #tpu.memory_space<vmem>> -> memref<125x128xf32, #tpu.memory_space<vmem>>
    %dma_start3A_64 = arith.constant 0 : i32
    %dma_start3A_65 = tpu.memref_slice %arg9[%add3A_58, %dma_start3A_64] : memref<10000x128xf32, #tpu.memory_space<vmem_shared>> -> memref<125x128xf32, #tpu.memory_space<vmem_shared>>
    %dma_start3A_66 = arith.constant 0 : i32
    %dma_start3A_67 = tpu.memref_slice %arg9[%add3A_58, %dma_start3A_66] : memref<10000x128xf32, #tpu.memory_space<vmem_shared>> -> memref<125x128xf32, #tpu.memory_space<vmem_shared>>
    %dma_start3A_68 = arith.constant 0 : i32
    %dma_start3A_69 = arith.constant 0 : i32
    %dma_start3A_70 = tpu.memref_slice %arg8[%dma_start3A_59, %dma_start3A_68, %dma_start3A_69] : memref<2x125x128xf32, #tpu.memory_space<vmem>> -> memref<1x125x128xf32, #tpu.memory_space<vmem>>
    %dma_start3A_71 = tpu.memref_squeeze %dma_start3A_70 : memref<1x125x128xf32, #tpu.memory_space<vmem>> -> memref<125x128xf32, #tpu.memory_space<vmem>>
    tpu.enqueue_dma source(%dma_start3A_71 : memref<125x128xf32, #tpu.memory_space<vmem>>) target(%dma_start3A_67 : memref<125x128xf32, #tpu.memory_space<vmem_shared>>) target_semaphore(%arg14 : memref<!tpu.dma_semaphore, #tpu.memory_space<semaphore_mem>>)
    %mul3A_72 = arith.constant 624 : i32
    %mul3A_73 = arith.muli %arg1, %mul3A_72 : i32
    %add3A_74 = arith.constant 500 : i32
    %add3A_75 = arith.addi %mul3A_73, %add3A_74 : i32
    %dma_start3A_76 = arith.constant 0 : i32
    %dma_start3A_77 = arith.constant 0 : i32
    %dma_start3A_78 = arith.constant 0 : i32
    %dma_start3A_79 = tpu.memref_slice %arg8[%dma_start3A_76, %dma_start3A_77, %dma_start3A_78] : memref<2x125x128xf32, #tpu.memory_space<vmem>> -> memref<1x124x128xf32, #tpu.memory_space<vmem>>
    %dma_start3A_80 = tpu.memref_squeeze %dma_start3A_79 : memref<1x124x128xf32, #tpu.memory_space<vmem>> -> memref<124x128xf32, #tpu.memory_space<vmem>>
    %dma_start3A_81 = arith.constant 0 : i32
    %dma_start3A_82 = tpu.memref_slice %arg9[%add3A_75, %dma_start3A_81] : memref<10000x128xf32, #tpu.memory_space<vmem_shared>> -> memref<124x128xf32, #tpu.memory_space<vmem_shared>>
    %dma_start3A_83 = arith.constant 0 : i32
    %dma_start3A_84 = tpu.memref_slice %arg9[%add3A_75, %dma_start3A_83] : memref<10000x128xf32, #tpu.memory_space<vmem_shared>> -> memref<124x128xf32, #tpu.memory_space<vmem_shared>>
    %dma_start3A_85 = arith.constant 0 : i32
    %dma_start3A_86 = arith.constant 0 : i32
    %dma_start3A_87 = tpu.memref_slice %arg8[%dma_start3A_76, %dma_start3A_85, %dma_start3A_86] : memref<2x125x128xf32, #tpu.memory_space<vmem>> -> memref<1x124x128xf32, #tpu.memory_space<vmem>>
    %dma_start3A_88 = tpu.memref_squeeze %dma_start3A_87 : memref<1x124x128xf32, #tpu.memory_space<vmem>> -> memref<124x128xf32, #tpu.memory_space<vmem>>
    tpu.enqueue_dma source(%dma_start3A_88 : memref<124x128xf32, #tpu.memory_space<vmem>>) target(%dma_start3A_84 : memref<124x128xf32, #tpu.memory_space<vmem_shared>>) target_semaphore(%arg14 : memref<!tpu.dma_semaphore, #tpu.memory_space<semaphore_mem>>)
    %eq3A = arith.constant 0 : i32
    %eq3A_89 = arith.cmpi eq, %arg1, %eq3A : i32
    %convert_element_type3A = arith.extui %eq3A_89 : i1 to i32
    %cond3A = arith.constant 0 : i32
    %cond3A_90 = arith.cmpi ne, %convert_element_type3A, %cond3A : i32
    scf.if %cond3A_90 {
      %dma_start3A_185 = arith.constant 0 : i32
      %dma_start3A_186 = arith.constant 0 : i32
      %dma_start3A_187 = arith.constant 0 : i32
      %dma_start3A_188 = tpu.memref_slice %arg8[%dma_start3A_185, %dma_start3A_186, %dma_start3A_187] : memref<2x125x128xf32, #tpu.memory_space<vmem>> -> memref<1x16x128xf32, #tpu.memory_space<vmem>>
      %dma_start3A_189 = tpu.memref_squeeze %dma_start3A_188 : memref<1x16x128xf32, #tpu.memory_space<vmem>> -> memref<16x128xf32, #tpu.memory_space<vmem>>
      %dma_start3A_190 = arith.constant 9984 : i32
      %dma_start3A_191 = arith.constant 0 : i32
      %dma_start3A_192 = tpu.memref_slice %arg9[%dma_start3A_190, %dma_start3A_191] : memref<10000x128xf32, #tpu.memory_space<vmem_shared>> -> memref<16x128xf32, #tpu.memory_space<vmem_shared>>
      %dma_start3A_193 = arith.constant 9984 : i32
      %dma_start3A_194 = arith.constant 0 : i32
      %dma_start3A_195 = tpu.memref_slice %arg9[%dma_start3A_193, %dma_start3A_194] : memref<10000x128xf32, #tpu.memory_space<vmem_shared>> -> memref<16x128xf32, #tpu.memory_space<vmem_shared>>
      %dma_start3A_196 = arith.constant 0 : i32
      %dma_start3A_197 = arith.constant 0 : i32
      %dma_start3A_198 = tpu.memref_slice %arg8[%dma_start3A_185, %dma_start3A_196, %dma_start3A_197] : memref<2x125x128xf32, #tpu.memory_space<vmem>> -> memref<1x16x128xf32, #tpu.memory_space<vmem>>
      %dma_start3A_199 = tpu.memref_squeeze %dma_start3A_198 : memref<1x16x128xf32, #tpu.memory_space<vmem>> -> memref<16x128xf32, #tpu.memory_space<vmem>>
      tpu.enqueue_dma source(%dma_start3A_199 : memref<16x128xf32, #tpu.memory_space<vmem>>) target(%dma_start3A_195 : memref<16x128xf32, #tpu.memory_space<vmem_shared>>) target_semaphore(%arg14 : memref<!tpu.dma_semaphore, #tpu.memory_space<semaphore_mem>>)
    } else {
    }
    %mul3A_91 = arith.constant 624 : i32
    %mul3A_92 = arith.muli %arg1, %mul3A_91 : i32
    %dma_wait3A = arith.constant 0 : i32
    %dma_wait3A_93 = arith.constant 0 : i32
    %dma_wait3A_94 = arith.constant 0 : i32
    %dma_wait3A_95 = tpu.memref_slice %arg8[%dma_wait3A, %dma_wait3A_93, %dma_wait3A_94] : memref<2x125x128xf32, #tpu.memory_space<vmem>> -> memref<1x125x128xf32, #tpu.memory_space<vmem>>
    %dma_wait3A_96 = tpu.memref_squeeze %dma_wait3A_95 : memref<1x125x128xf32, #tpu.memory_space<vmem>> -> memref<125x128xf32, #tpu.memory_space<vmem>>
    %dma_wait3A_97 = arith.constant 0 : i32
    %dma_wait3A_98 = tpu.memref_slice %arg9[%mul3A_92, %dma_wait3A_97] : memref<10000x128xf32, #tpu.memory_space<vmem_shared>> -> memref<125x128xf32, #tpu.memory_space<vmem_shared>>
    %dma_wait3A_99 = arith.constant 0 : i32
    %dma_wait3A_100 = tpu.memref_slice %arg9[%mul3A_92, %dma_wait3A_99] : memref<10000x128xf32, #tpu.memory_space<vmem_shared>> -> memref<125x128xf32, #tpu.memory_space<vmem_shared>>
    %dma_wait3A_101 = arith.constant 0 : i32
    %dma_wait3A_102 = arith.constant 0 : i32
    %dma_wait3A_103 = tpu.memref_slice %arg8[%dma_wait3A, %dma_wait3A_101, %dma_wait3A_102] : memref<2x125x128xf32, #tpu.memory_space<vmem>> -> memref<1x125x128xf32, #tpu.memory_space<vmem>>
    %dma_wait3A_104 = tpu.memref_squeeze %dma_wait3A_103 : memref<1x125x128xf32, #tpu.memory_space<vmem>> -> memref<125x128xf32, #tpu.memory_space<vmem>>
    tpu.wait_dma2 semaphore(%arg14 : memref<!tpu.dma_semaphore, #tpu.memory_space<semaphore_mem>>) src(%dma_wait3A_104 : memref<125x128xf32, #tpu.memory_space<vmem>>) dst(%dma_wait3A_100 : memref<125x128xf32, #tpu.memory_space<vmem_shared>>)
    %mul3A_105 = arith.constant 624 : i32
    %mul3A_106 = arith.muli %arg1, %mul3A_105 : i32
    %dma_wait3A_107 = arith.constant 0 : i32
    %dma_wait3A_108 = arith.constant 0 : i32
    %dma_wait3A_109 = arith.constant 0 : i32
    %dma_wait3A_110 = tpu.memref_slice %arg8[%dma_wait3A_107, %dma_wait3A_108, %dma_wait3A_109] : memref<2x125x128xf32, #tpu.memory_space<vmem>> -> memref<1x125x128xf32, #tpu.memory_space<vmem>>
    %dma_wait3A_111 = tpu.memref_squeeze %dma_wait3A_110 : memref<1x125x128xf32, #tpu.memory_space<vmem>> -> memref<125x128xf32, #tpu.memory_space<vmem>>
    %dma_wait3A_112 = arith.constant 0 : i32
    %dma_wait3A_113 = tpu.memref_slice %arg9[%mul3A_106, %dma_wait3A_112] : memref<10000x128xf32, #tpu.memory_space<vmem_shared>> -> memref<125x128xf32, #tpu.memory_space<vmem_shared>>
    %dma_wait3A_114 = arith.constant 0 : i32
    %dma_wait3A_115 = tpu.memref_slice %arg9[%mul3A_106, %dma_wait3A_114] : memref<10000x128xf32, #tpu.memory_space<vmem_shared>> -> memref<125x128xf32, #tpu.memory_space<vmem_shared>>
    %dma_wait3A_116 = arith.constant 0 : i32
    %dma_wait3A_117 = arith.constant 0 : i32
    %dma_wait3A_118 = tpu.memref_slice %arg8[%dma_wait3A_107, %dma_wait3A_116, %dma_wait3A_117] : memref<2x125x128xf32, #tpu.memory_space<vmem>> -> memref<1x125x128xf32, #tpu.memory_space<vmem>>
    %dma_wait3A_119 = tpu.memref_squeeze %dma_wait3A_118 : memref<1x125x128xf32, #tpu.memory_space<vmem>> -> memref<125x128xf32, #tpu.memory_space<vmem>>
    tpu.wait_dma2 semaphore(%arg14 : memref<!tpu.dma_semaphore, #tpu.memory_space<semaphore_mem>>) src(%dma_wait3A_119 : memref<125x128xf32, #tpu.memory_space<vmem>>) dst(%dma_wait3A_115 : memref<125x128xf32, #tpu.memory_space<vmem_shared>>)
    %mul3A_120 = arith.constant 624 : i32
    %mul3A_121 = arith.muli %arg1, %mul3A_120 : i32
    %dma_wait3A_122 = arith.constant 0 : i32
    %dma_wait3A_123 = arith.constant 0 : i32
    %dma_wait3A_124 = arith.constant 0 : i32
    %dma_wait3A_125 = tpu.memref_slice %arg8[%dma_wait3A_122, %dma_wait3A_123, %dma_wait3A_124] : memref<2x125x128xf32, #tpu.memory_space<vmem>> -> memref<1x125x128xf32, #tpu.memory_space<vmem>>
    %dma_wait3A_126 = tpu.memref_squeeze %dma_wait3A_125 : memref<1x125x128xf32, #tpu.memory_space<vmem>> -> memref<125x128xf32, #tpu.memory_space<vmem>>
    %dma_wait3A_127 = arith.constant 0 : i32
    %dma_wait3A_128 = tpu.memref_slice %arg9[%mul3A_121, %dma_wait3A_127] : memref<10000x128xf32, #tpu.memory_space<vmem_shared>> -> memref<125x128xf32, #tpu.memory_space<vmem_shared>>
    %dma_wait3A_129 = arith.constant 0 : i32
    %dma_wait3A_130 = tpu.memref_slice %arg9[%mul3A_121, %dma_wait3A_129] : memref<10000x128xf32, #tpu.memory_space<vmem_shared>> -> memref<125x128xf32, #tpu.memory_space<vmem_shared>>
    %dma_wait3A_131 = arith.constant 0 : i32
    %dma_wait3A_132 = arith.constant 0 : i32
    %dma_wait3A_133 = tpu.memref_slice %arg8[%dma_wait3A_122, %dma_wait3A_131, %dma_wait3A_132] : memref<2x125x128xf32, #tpu.memory_space<vmem>> -> memref<1x125x128xf32, #tpu.memory_space<vmem>>
    %dma_wait3A_134 = tpu.memref_squeeze %dma_wait3A_133 : memref<1x125x128xf32, #tpu.memory_space<vmem>> -> memref<125x128xf32, #tpu.memory_space<vmem>>
    tpu.wait_dma2 semaphore(%arg14 : memref<!tpu.dma_semaphore, #tpu.memory_space<semaphore_mem>>) src(%dma_wait3A_134 : memref<125x128xf32, #tpu.memory_space<vmem>>) dst(%dma_wait3A_130 : memref<125x128xf32, #tpu.memory_space<vmem_shared>>)
    %mul3A_135 = arith.constant 624 : i32
    %mul3A_136 = arith.muli %arg1, %mul3A_135 : i32
    %dma_wait3A_137 = arith.constant 0 : i32
    %dma_wait3A_138 = arith.constant 0 : i32
    %dma_wait3A_139 = arith.constant 0 : i32
    %dma_wait3A_140 = tpu.memref_slice %arg8[%dma_wait3A_137, %dma_wait3A_138, %dma_wait3A_139] : memref<2x125x128xf32, #tpu.memory_space<vmem>> -> memref<1x125x128xf32, #tpu.memory_space<vmem>>
    %dma_wait3A_141 = tpu.memref_squeeze %dma_wait3A_140 : memref<1x125x128xf32, #tpu.memory_space<vmem>> -> memref<125x128xf32, #tpu.memory_space<vmem>>
    %dma_wait3A_142 = arith.constant 0 : i32
    %dma_wait3A_143 = tpu.memref_slice %arg9[%mul3A_136, %dma_wait3A_142] : memref<10000x128xf32, #tpu.memory_space<vmem_shared>> -> memref<125x128xf32, #tpu.memory_space<vmem_shared>>
    %dma_wait3A_144 = arith.constant 0 : i32
    %dma_wait3A_145 = tpu.memref_slice %arg9[%mul3A_136, %dma_wait3A_144] : memref<10000x128xf32, #tpu.memory_space<vmem_shared>> -> memref<125x128xf32, #tpu.memory_space<vmem_shared>>
    %dma_wait3A_146 = arith.constant 0 : i32
    %dma_wait3A_147 = arith.constant 0 : i32
    %dma_wait3A_148 = tpu.memref_slice %arg8[%dma_wait3A_137, %dma_wait3A_146, %dma_wait3A_147] : memref<2x125x128xf32, #tpu.memory_space<vmem>> -> memref<1x125x128xf32, #tpu.memory_space<vmem>>
    %dma_wait3A_149 = tpu.memref_squeeze %dma_wait3A_148 : memref<1x125x128xf32, #tpu.memory_space<vmem>> -> memref<125x128xf32, #tpu.memory_space<vmem>>
    tpu.wait_dma2 semaphore(%arg14 : memref<!tpu.dma_semaphore, #tpu.memory_space<semaphore_mem>>) src(%dma_wait3A_149 : memref<125x128xf32, #tpu.memory_space<vmem>>) dst(%dma_wait3A_145 : memref<125x128xf32, #tpu.memory_space<vmem_shared>>)
    %mul3A_150 = arith.constant 624 : i32
    %mul3A_151 = arith.muli %arg1, %mul3A_150 : i32
    %dma_wait3A_152 = arith.constant 0 : i32
    %dma_wait3A_153 = arith.constant 0 : i32
    %dma_wait3A_154 = arith.constant 0 : i32
    %dma_wait3A_155 = tpu.memref_slice %arg8[%dma_wait3A_152, %dma_wait3A_153, %dma_wait3A_154] : memref<2x125x128xf32, #tpu.memory_space<vmem>> -> memref<1x124x128xf32, #tpu.memory_space<vmem>>
    %dma_wait3A_156 = tpu.memref_squeeze %dma_wait3A_155 : memref<1x124x128xf32, #tpu.memory_space<vmem>> -> memref<124x128xf32, #tpu.memory_space<vmem>>
    %dma_wait3A_157 = arith.constant 0 : i32
    %dma_wait3A_158 = tpu.memref_slice %arg9[%mul3A_151, %dma_wait3A_157] : memref<10000x128xf32, #tpu.memory_space<vmem_shared>> -> memref<124x128xf32, #tpu.memory_space<vmem_shared>>
    %dma_wait3A_159 = arith.constant 0 : i32
    %dma_wait3A_160 = tpu.memref_slice %arg9[%mul3A_151, %dma_wait3A_159] : memref<10000x128xf32, #tpu.memory_space<vmem_shared>> -> memref<124x128xf32, #tpu.memory_space<vmem_shared>>
    %dma_wait3A_161 = arith.constant 0 : i32
    %dma_wait3A_162 = arith.constant 0 : i32
    %dma_wait3A_163 = tpu.memref_slice %arg8[%dma_wait3A_152, %dma_wait3A_161, %dma_wait3A_162] : memref<2x125x128xf32, #tpu.memory_space<vmem>> -> memref<1x124x128xf32, #tpu.memory_space<vmem>>
    %dma_wait3A_164 = tpu.memref_squeeze %dma_wait3A_163 : memref<1x124x128xf32, #tpu.memory_space<vmem>> -> memref<124x128xf32, #tpu.memory_space<vmem>>
    tpu.wait_dma2 semaphore(%arg14 : memref<!tpu.dma_semaphore, #tpu.memory_space<semaphore_mem>>) src(%dma_wait3A_164 : memref<124x128xf32, #tpu.memory_space<vmem>>) dst(%dma_wait3A_160 : memref<124x128xf32, #tpu.memory_space<vmem_shared>>)
    %eq3A_165 = arith.constant 0 : i32
    %eq3A_166 = arith.cmpi eq, %arg1, %eq3A_165 : i32
    %convert_element_type3A_167 = arith.extui %eq3A_166 : i1 to i32
    %cond3A_168 = arith.constant 0 : i32
    %cond3A_169 = arith.cmpi ne, %convert_element_type3A_167, %cond3A_168 : i32
    scf.if %cond3A_169 {
      %dma_wait3A_185 = arith.constant 0 : i32
      %dma_wait3A_186 = arith.constant 0 : i32
      %dma_wait3A_187 = arith.constant 0 : i32
      %dma_wait3A_188 = tpu.memref_slice %arg8[%dma_wait3A_185, %dma_wait3A_186, %dma_wait3A_187] : memref<2x125x128xf32, #tpu.memory_space<vmem>> -> memref<1x16x128xf32, #tpu.memory_space<vmem>>
      %dma_wait3A_189 = tpu.memref_squeeze %dma_wait3A_188 : memref<1x16x128xf32, #tpu.memory_space<vmem>> -> memref<16x128xf32, #tpu.memory_space<vmem>>
      %dma_wait3A_190 = arith.constant 9984 : i32
      %dma_wait3A_191 = arith.constant 0 : i32
      %dma_wait3A_192 = tpu.memref_slice %arg9[%dma_wait3A_190, %dma_wait3A_191] : memref<10000x128xf32, #tpu.memory_space<vmem_shared>> -> memref<16x128xf32, #tpu.memory_space<vmem_shared>>
      %dma_wait3A_193 = arith.constant 9984 : i32
      %dma_wait3A_194 = arith.constant 0 : i32
      %dma_wait3A_195 = tpu.memref_slice %arg9[%dma_wait3A_193, %dma_wait3A_194] : memref<10000x128xf32, #tpu.memory_space<vmem_shared>> -> memref<16x128xf32, #tpu.memory_space<vmem_shared>>
      %dma_wait3A_196 = arith.constant 0 : i32
      %dma_wait3A_197 = arith.constant 0 : i32
      %dma_wait3A_198 = tpu.memref_slice %arg8[%dma_wait3A_185, %dma_wait3A_196, %dma_wait3A_197] : memref<2x125x128xf32, #tpu.memory_space<vmem>> -> memref<1x16x128xf32, #tpu.memory_space<vmem>>
      %dma_wait3A_199 = tpu.memref_squeeze %dma_wait3A_198 : memref<1x16x128xf32, #tpu.memory_space<vmem>> -> memref<16x128xf32, #tpu.memory_space<vmem>>
      tpu.wait_dma2 semaphore(%arg14 : memref<!tpu.dma_semaphore, #tpu.memory_space<semaphore_mem>>) src(%dma_wait3A_199 : memref<16x128xf32, #tpu.memory_space<vmem>>) dst(%dma_wait3A_195 : memref<16x128xf32, #tpu.memory_space<vmem_shared>>)
    } else {
    }
    %barrier3A = arith.constant 0 : index
    tpu.barrier barrier_id(%barrier3A)
    %scan3A_170 = arith.constant 0 : i32
    %scan3A_171 = arith.constant 5 : i32
    %scan3A_172 = arith.addi %scan3A_170, %scan3A_171 : i32
    %scan3A_173 = arith.constant 1 : i32
    scf.for %scan3A_185 = %scan3A_170 to %scan3A_172 step %scan3A_173  : i32 {
      %mul3A_186 = arith.constant 1 : i32
      %mul3A_187 = arith.muli %scan3A_185, %mul3A_186 : i32
      %add3A_188 = arith.constant 0 : i32
      %add3A_189 = arith.addi %add3A_188, %mul3A_187 : i32
      %mul3A_190 = arith.constant 5 : i32
      %mul3A_191 = arith.muli %add3A, %mul3A_190 : i32
      %add3A_192 = arith.addi %mul3A_191, %add3A_189 : i32
      %mul3A_193 = arith.constant 16 : i32
      %mul3A_194 = arith.muli %add3A_192, %mul3A_193 : i32
      "tpu.region"() ({
        %run_scoped3A = tpu.sem_alloc : memref<!tpu.dma_semaphore, #tpu.memory_space<semaphore_mem>>
        %dma_start3A_224 = arith.constant 0 : i32
        %dma_start3A_225 = tpu.memref_slice %arg3[%mul3A_194, %dma_start3A_224] : memref<2560x125xi32, #tpu.memory_space<hbm>> -> memref<16x125xi32, #tpu.memory_space<hbm>>
        %dma_start3A_226 = arith.constant 0 : i32
        %dma_start3A_227 = tpu.memref_slice %arg3[%mul3A_194, %dma_start3A_226] : memref<2560x125xi32, #tpu.memory_space<hbm>> -> memref<16x125xi32, #tpu.memory_space<hbm>>
        tpu.enqueue_dma source(%dma_start3A_227 : memref<16x125xi32, #tpu.memory_space<hbm>>) target(%arg6 : memref<16x125xi32, #tpu.memory_space<vmem>>) target_semaphore(%run_scoped3A : memref<!tpu.dma_semaphore, #tpu.memory_space<semaphore_mem>>)
        %dma_wait3A_228 = arith.constant 0 : i32
        %dma_wait3A_229 = tpu.memref_slice %arg3[%mul3A_194, %dma_wait3A_228] : memref<2560x125xi32, #tpu.memory_space<hbm>> -> memref<16x125xi32, #tpu.memory_space<hbm>>
        %dma_wait3A_230 = arith.constant 0 : i32
        %dma_wait3A_231 = tpu.memref_slice %arg3[%mul3A_194, %dma_wait3A_230] : memref<2560x125xi32, #tpu.memory_space<hbm>> -> memref<16x125xi32, #tpu.memory_space<hbm>>
        tpu.wait_dma2 semaphore(%run_scoped3A : memref<!tpu.dma_semaphore, #tpu.memory_space<semaphore_mem>>) src(%dma_wait3A_231 : memref<16x125xi32, #tpu.memory_space<hbm>>) dst(%arg6 : memref<16x125xi32, #tpu.memory_space<vmem>>)
        tpu.yield
      }) : () -> ()
      "tpu.region"() ({
        %run_scoped3A = tpu.sem_alloc : memref<!tpu.dma_semaphore, #tpu.memory_space<semaphore_mem>>
        %dma_start3A_224 = arith.constant 0 : i32
        %dma_start3A_225 = tpu.memref_slice %arg4[%mul3A_194, %dma_start3A_224] : memref<2560x125xi32, #tpu.memory_space<hbm>> -> memref<16x125xi32, #tpu.memory_space<hbm>>
        %dma_start3A_226 = arith.constant 0 : i32
        %dma_start3A_227 = tpu.memref_slice %arg4[%mul3A_194, %dma_start3A_226] : memref<2560x125xi32, #tpu.memory_space<hbm>> -> memref<16x125xi32, #tpu.memory_space<hbm>>
        tpu.enqueue_dma source(%dma_start3A_227 : memref<16x125xi32, #tpu.memory_space<hbm>>) target(%arg7 : memref<16x125xi32, #tpu.memory_space<vmem>>) target_semaphore(%run_scoped3A : memref<!tpu.dma_semaphore, #tpu.memory_space<semaphore_mem>>)
        %dma_wait3A_228 = arith.constant 0 : i32
        %dma_wait3A_229 = tpu.memref_slice %arg4[%mul3A_194, %dma_wait3A_228] : memref<2560x125xi32, #tpu.memory_space<hbm>> -> memref<16x125xi32, #tpu.memory_space<hbm>>
        %dma_wait3A_230 = arith.constant 0 : i32
        %dma_wait3A_231 = tpu.memref_slice %arg4[%mul3A_194, %dma_wait3A_230] : memref<2560x125xi32, #tpu.memory_space<hbm>> -> memref<16x125xi32, #tpu.memory_space<hbm>>
        tpu.wait_dma2 semaphore(%run_scoped3A : memref<!tpu.dma_semaphore, #tpu.memory_space<semaphore_mem>>) src(%dma_wait3A_231 : memref<16x125xi32, #tpu.memory_space<hbm>>) dst(%arg7 : memref<16x125xi32, #tpu.memory_space<vmem>>)
        tpu.yield
      }) : () -> ()
      %dma_start3A_195 = arith.constant 0 : i32
      %dma_start3A_196 = arith.constant 0 : i32
      %dma_start3A_197 = arith.constant 0 : i32
      %dma_start3A_198 = arith.constant 0 : i32
      %dma_start3A_199 = tpu.memref_slice %arg8[%dma_start3A_196, %dma_start3A_197, %dma_start3A_198] : memref<2x125x128xf32, #tpu.memory_space<vmem>> -> memref<1x125x128xf32, #tpu.memory_space<vmem>>
      %dma_start3A_200 = tpu.memref_squeeze %dma_start3A_199 : memref<1x125x128xf32, #tpu.memory_space<vmem>> -> memref<125x128xf32, #tpu.memory_space<vmem>>
      %dma_start3A_201 = arith.constant 0 : i32
      %dma_start3A_202 = tpu.memref_slice %arg6[%dma_start3A_195, %dma_start3A_201] : memref<16x125xi32, #tpu.memory_space<vmem>> -> memref<1x125xi32, #tpu.memory_space<vmem>>
      %dma_start3A_203 = tpu.memref_squeeze %dma_start3A_202 : memref<1x125xi32, #tpu.memory_space<vmem>> -> memref<125xi32, #tpu.memory_space<vmem>>
      %dma_start3A_204 = arith.constant 0 : i32
      %dma_start3A_205 = arith.constant 0 : i32
      %dma_start3A_206 = tpu.memref_slice %arg2[%dma_start3A_204, %dma_start3A_205] : memref<10000x128xf32, #tpu.memory_space<hbm>> -> memref<10000x128xf32, #tpu.memory_space<hbm>>
      tpu.enqueue_indirect_dma source(%dma_start3A_206 : memref<10000x128xf32, #tpu.memory_space<hbm>>) target(%dma_start3A_200 : memref<125x128xf32, #tpu.memory_space<vmem>>) offsets(%dma_start3A_203 : memref<125xi32, #tpu.memory_space<vmem>>) semaphore(%arg10 : memref<!tpu.dma_semaphore, #tpu.memory_space<semaphore_mem>>)
      %scan3A_207 = arith.constant 0 : i32
      %scan3A_208 = arith.constant 8 : i32
      %scan3A_209 = arith.addi %scan3A_207, %scan3A_208 : i32
      %scan3A_210 = arith.constant 1 : i32
      scf.for %scan3A_224 = %scan3A_207 to %scan3A_209 step %scan3A_210  : i32 {
        %mul3A_225 = arith.constant 1 : i32
        %mul3A_226 = arith.muli %scan3A_224, %mul3A_225 : i32
        %add3A_227 = arith.constant 0 : i32
        %add3A_228 = arith.addi %add3A_227, %mul3A_226 : i32
        %mul3A_229 = arith.constant 2 : i32
        %mul3A_230 = arith.muli %add3A_228, %mul3A_229 : i32
        %add3A_231 = arith.constant 0 : i32
        %add3A_232 = arith.addi %mul3A_230, %add3A_231 : i32
        %dma_wait3A_233 = arith.constant 0 : i32
        %dma_wait3A_234 = arith.constant 0 : i32
        %dma_wait3A_235 = arith.constant 0 : i32
        %dma_wait3A_236 = tpu.memref_slice %arg8[%dma_wait3A_233, %dma_wait3A_234, %dma_wait3A_235] : memref<2x125x128xf32, #tpu.memory_space<vmem>> -> memref<1x125x128xf32, #tpu.memory_space<vmem>>
        %dma_wait3A_237 = tpu.memref_squeeze %dma_wait3A_236 : memref<1x125x128xf32, #tpu.memory_space<vmem>> -> memref<125x128xf32, #tpu.memory_space<vmem>>
        %dma_wait3A_238 = arith.constant 0 : i32
        %dma_wait3A_239 = tpu.memref_slice %arg6[%add3A_232, %dma_wait3A_238] : memref<16x125xi32, #tpu.memory_space<vmem>> -> memref<1x125xi32, #tpu.memory_space<vmem>>
        %dma_wait3A_240 = tpu.memref_squeeze %dma_wait3A_239 : memref<1x125xi32, #tpu.memory_space<vmem>> -> memref<125xi32, #tpu.memory_space<vmem>>
        %dma_wait3A_241 = arith.constant 0 : i32
        %dma_wait3A_242 = arith.constant 0 : i32
        %dma_wait3A_243 = tpu.memref_slice %arg2[%dma_wait3A_241, %dma_wait3A_242] : memref<10000x128xf32, #tpu.memory_space<hbm>> -> memref<10000x128xf32, #tpu.memory_space<hbm>>
        tpu.wait_indirect_dma semaphore(%arg10 : memref<!tpu.dma_semaphore, #tpu.memory_space<semaphore_mem>>) src(%dma_wait3A_243 : memref<10000x128xf32, #tpu.memory_space<hbm>>) dst(%dma_wait3A_237 : memref<125x128xf32, #tpu.memory_space<vmem>>)
        %dma_start3A_244 = arith.constant 0 : i32
        %dma_start3A_245 = arith.constant 0 : i32
        %dma_start3A_246 = arith.constant 0 : i32
        %dma_start3A_247 = tpu.memref_slice %arg8[%dma_start3A_244, %dma_start3A_245, %dma_start3A_246] : memref<2x125x128xf32, #tpu.memory_space<vmem>> -> memref<1x125x128xf32, #tpu.memory_space<vmem>>
        %dma_start3A_248 = tpu.memref_squeeze %dma_start3A_247 : memref<1x125x128xf32, #tpu.memory_space<vmem>> -> memref<125x128xf32, #tpu.memory_space<vmem>>
        %dma_start3A_249 = arith.constant 0 : i32
        %dma_start3A_250 = tpu.memref_slice %arg7[%add3A_232, %dma_start3A_249] : memref<16x125xi32, #tpu.memory_space<vmem>> -> memref<1x125xi32, #tpu.memory_space<vmem>>
        %dma_start3A_251 = tpu.memref_squeeze %dma_start3A_250 : memref<1x125xi32, #tpu.memory_space<vmem>> -> memref<125xi32, #tpu.memory_space<vmem>>
        %dma_start3A_252 = arith.constant 0 : i32
        %dma_start3A_253 = arith.constant 0 : i32
        %dma_start3A_254 = tpu.memref_slice %arg9[%dma_start3A_252, %dma_start3A_253] : memref<10000x128xf32, #tpu.memory_space<vmem_shared>> -> memref<10000x128xf32, #tpu.memory_space<vmem_shared>>
        tpu.enqueue_indirect_dma source(%dma_start3A_248 : memref<125x128xf32, #tpu.memory_space<vmem>>) target(%dma_start3A_254 : memref<10000x128xf32, #tpu.memory_space<vmem_shared>>) offsets(%dma_start3A_251 : memref<125xi32, #tpu.memory_space<vmem>>) semaphore(%arg12 : memref<!tpu.dma_semaphore, #tpu.memory_space<semaphore_mem>>) {add = true}
        %ge3A = arith.constant 1 : i32
        %ge3A_255 = arith.cmpi sge, %add3A_232, %ge3A : i32
        %convert_element_type3A_256 = arith.extui %ge3A_255 : i1 to i32
        %cond3A_257 = arith.constant 0 : i32
        %cond3A_258 = arith.cmpi ne, %convert_element_type3A_256, %cond3A_257 : i32
        scf.if %cond3A_258 {
          %sub3A_316 = arith.constant 1 : i32
          %sub3A_317 = arith.subi %add3A_232, %sub3A_316 : i32
          %dma_wait3A_318 = arith.constant 1 : i32
          %dma_wait3A_319 = arith.constant 0 : i32
          %dma_wait3A_320 = arith.constant 0 : i32
          %dma_wait3A_321 = tpu.memref_slice %arg8[%dma_wait3A_318, %dma_wait3A_319, %dma_wait3A_320] : memref<2x125x128xf32, #tpu.memory_space<vmem>> -> memref<1x125x128xf32, #tpu.memory_space<vmem>>
          %dma_wait3A_322 = tpu.memref_squeeze %dma_wait3A_321 : memref<1x125x128xf32, #tpu.memory_space<vmem>> -> memref<125x128xf32, #tpu.memory_space<vmem>>
          %dma_wait3A_323 = arith.constant 0 : i32
          %dma_wait3A_324 = tpu.memref_slice %arg7[%sub3A_317, %dma_wait3A_323] : memref<16x125xi32, #tpu.memory_space<vmem>> -> memref<1x125xi32, #tpu.memory_space<vmem>>
          %dma_wait3A_325 = tpu.memref_squeeze %dma_wait3A_324 : memref<1x125xi32, #tpu.memory_space<vmem>> -> memref<125xi32, #tpu.memory_space<vmem>>
          %dma_wait3A_326 = arith.constant 0 : i32
          %dma_wait3A_327 = arith.constant 0 : i32
          %dma_wait3A_328 = tpu.memref_slice %arg9[%dma_wait3A_326, %dma_wait3A_327] : memref<10000x128xf32, #tpu.memory_space<vmem_shared>> -> memref<10000x128xf32, #tpu.memory_space<vmem_shared>>
          tpu.wait_indirect_dma semaphore(%arg13 : memref<!tpu.dma_semaphore, #tpu.memory_space<semaphore_mem>>) src(%dma_wait3A_322 : memref<125x128xf32, #tpu.memory_space<vmem>>) dst(%dma_wait3A_328 : memref<10000x128xf32, #tpu.memory_space<vmem_shared>>)
        } else {
        }
        %add3A_259 = arith.constant 1 : i32
        %add3A_260 = arith.addi %add3A_232, %add3A_259 : i32
        %dma_start3A_261 = arith.constant 1 : i32
        %dma_start3A_262 = arith.constant 0 : i32
        %dma_start3A_263 = arith.constant 0 : i32
        %dma_start3A_264 = tpu.memref_slice %arg8[%dma_start3A_261, %dma_start3A_262, %dma_start3A_263] : memref<2x125x128xf32, #tpu.memory_space<vmem>> -> memref<1x125x128xf32, #tpu.memory_space<vmem>>
        %dma_start3A_265 = tpu.memref_squeeze %dma_start3A_264 : memref<1x125x128xf32, #tpu.memory_space<vmem>> -> memref<125x128xf32, #tpu.memory_space<vmem>>
        %dma_start3A_266 = arith.constant 0 : i32
        %dma_start3A_267 = tpu.memref_slice %arg6[%add3A_260, %dma_start3A_266] : memref<16x125xi32, #tpu.memory_space<vmem>> -> memref<1x125xi32, #tpu.memory_space<vmem>>
        %dma_start3A_268 = tpu.memref_squeeze %dma_start3A_267 : memref<1x125xi32, #tpu.memory_space<vmem>> -> memref<125xi32, #tpu.memory_space<vmem>>
        %dma_start3A_269 = arith.constant 0 : i32
        %dma_start3A_270 = arith.constant 0 : i32
        %dma_start3A_271 = tpu.memref_slice %arg2[%dma_start3A_269, %dma_start3A_270] : memref<10000x128xf32, #tpu.memory_space<hbm>> -> memref<10000x128xf32, #tpu.memory_space<hbm>>
        tpu.enqueue_indirect_dma source(%dma_start3A_271 : memref<10000x128xf32, #tpu.memory_space<hbm>>) target(%dma_start3A_265 : memref<125x128xf32, #tpu.memory_space<vmem>>) offsets(%dma_start3A_268 : memref<125xi32, #tpu.memory_space<vmem>>) semaphore(%arg11 : memref<!tpu.dma_semaphore, #tpu.memory_space<semaphore_mem>>)
        %mul3A_272 = arith.constant 2 : i32
        %mul3A_273 = arith.muli %add3A_228, %mul3A_272 : i32
        %add3A_274 = arith.constant 1 : i32
        %add3A_275 = arith.addi %mul3A_273, %add3A_274 : i32
        %dma_wait3A_276 = arith.constant 1 : i32
        %dma_wait3A_277 = arith.constant 0 : i32
        %dma_wait3A_278 = arith.constant 0 : i32
        %dma_wait3A_279 = tpu.memref_slice %arg8[%dma_wait3A_276, %dma_wait3A_277, %dma_wait3A_278] : memref<2x125x128xf32, #tpu.memory_space<vmem>> -> memref<1x125x128xf32, #tpu.memory_space<vmem>>
        %dma_wait3A_280 = tpu.memref_squeeze %dma_wait3A_279 : memref<1x125x128xf32, #tpu.memory_space<vmem>> -> memref<125x128xf32, #tpu.memory_space<vmem>>
        %dma_wait3A_281 = arith.constant 0 : i32
        %dma_wait3A_282 = tpu.memref_slice %arg6[%add3A_275, %dma_wait3A_281] : memref<16x125xi32, #tpu.memory_space<vmem>> -> memref<1x125xi32, #tpu.memory_space<vmem>>
        %dma_wait3A_283 = tpu.memref_squeeze %dma_wait3A_282 : memref<1x125xi32, #tpu.memory_space<vmem>> -> memref<125xi32, #tpu.memory_space<vmem>>
        %dma_wait3A_284 = arith.constant 0 : i32
        %dma_wait3A_285 = arith.constant 0 : i32
        %dma_wait3A_286 = tpu.memref_slice %arg2[%dma_wait3A_284, %dma_wait3A_285] : memref<10000x128xf32, #tpu.memory_space<hbm>> -> memref<10000x128xf32, #tpu.memory_space<hbm>>
        tpu.wait_indirect_dma semaphore(%arg11 : memref<!tpu.dma_semaphore, #tpu.memory_space<semaphore_mem>>) src(%dma_wait3A_286 : memref<10000x128xf32, #tpu.memory_space<hbm>>) dst(%dma_wait3A_280 : memref<125x128xf32, #tpu.memory_space<vmem>>)
        %dma_start3A_287 = arith.constant 1 : i32
        %dma_start3A_288 = arith.constant 0 : i32
        %dma_start3A_289 = arith.constant 0 : i32
        %dma_start3A_290 = tpu.memref_slice %arg8[%dma_start3A_287, %dma_start3A_288, %dma_start3A_289] : memref<2x125x128xf32, #tpu.memory_space<vmem>> -> memref<1x125x128xf32, #tpu.memory_space<vmem>>
        %dma_start3A_291 = tpu.memref_squeeze %dma_start3A_290 : memref<1x125x128xf32, #tpu.memory_space<vmem>> -> memref<125x128xf32, #tpu.memory_space<vmem>>
        %dma_start3A_292 = arith.constant 0 : i32
        %dma_start3A_293 = tpu.memref_slice %arg7[%add3A_275, %dma_start3A_292] : memref<16x125xi32, #tpu.memory_space<vmem>> -> memref<1x125xi32, #tpu.memory_space<vmem>>
        %dma_start3A_294 = tpu.memref_squeeze %dma_start3A_293 : memref<1x125xi32, #tpu.memory_space<vmem>> -> memref<125xi32, #tpu.memory_space<vmem>>
        %dma_start3A_295 = arith.constant 0 : i32
        %dma_start3A_296 = arith.constant 0 : i32
        %dma_start3A_297 = tpu.memref_slice %arg9[%dma_start3A_295, %dma_start3A_296] : memref<10000x128xf32, #tpu.memory_space<vmem_shared>> -> memref<10000x128xf32, #tpu.memory_space<vmem_shared>>
        tpu.enqueue_indirect_dma source(%dma_start3A_291 : memref<125x128xf32, #tpu.memory_space<vmem>>) target(%dma_start3A_297 : memref<10000x128xf32, #tpu.memory_space<vmem_shared>>) offsets(%dma_start3A_294 : memref<125xi32, #tpu.memory_space<vmem>>) semaphore(%arg13 : memref<!tpu.dma_semaphore, #tpu.memory_space<semaphore_mem>>) {add = true}
        %sub3A = arith.constant 1 : i32
        %sub3A_298 = arith.subi %add3A_275, %sub3A : i32
        %dma_wait3A_299 = arith.constant 0 : i32
        %dma_wait3A_300 = arith.constant 0 : i32
        %dma_wait3A_301 = arith.constant 0 : i32
        %dma_wait3A_302 = tpu.memref_slice %arg8[%dma_wait3A_299, %dma_wait3A_300, %dma_wait3A_301] : memref<2x125x128xf32, #tpu.memory_space<vmem>> -> memref<1x125x128xf32, #tpu.memory_space<vmem>>
        %dma_wait3A_303 = tpu.memref_squeeze %dma_wait3A_302 : memref<1x125x128xf32, #tpu.memory_space<vmem>> -> memref<125x128xf32, #tpu.memory_space<vmem>>
        %dma_wait3A_304 = arith.constant 0 : i32
        %dma_wait3A_305 = tpu.memref_slice %arg7[%sub3A_298, %dma_wait3A_304] : memref<16x125xi32, #tpu.memory_space<vmem>> -> memref<1x125xi32, #tpu.memory_space<vmem>>
        %dma_wait3A_306 = tpu.memref_squeeze %dma_wait3A_305 : memref<1x125xi32, #tpu.memory_space<vmem>> -> memref<125xi32, #tpu.memory_space<vmem>>
        %dma_wait3A_307 = arith.constant 0 : i32
        %dma_wait3A_308 = arith.constant 0 : i32
        %dma_wait3A_309 = tpu.memref_slice %arg9[%dma_wait3A_307, %dma_wait3A_308] : memref<10000x128xf32, #tpu.memory_space<vmem_shared>> -> memref<10000x128xf32, #tpu.memory_space<vmem_shared>>
        tpu.wait_indirect_dma semaphore(%arg12 : memref<!tpu.dma_semaphore, #tpu.memory_space<semaphore_mem>>) src(%dma_wait3A_303 : memref<125x128xf32, #tpu.memory_space<vmem>>) dst(%dma_wait3A_309 : memref<10000x128xf32, #tpu.memory_space<vmem_shared>>)
        %add3A_310 = arith.constant 1 : i32
        %add3A_311 = arith.addi %add3A_275, %add3A_310 : i32
        %lt3A = arith.constant 16 : i32
        %lt3A_312 = arith.cmpi slt, %add3A_311, %lt3A : i32
        %convert_element_type3A_313 = arith.extui %lt3A_312 : i1 to i32
        %cond3A_314 = arith.constant 0 : i32
        %cond3A_315 = arith.cmpi ne, %convert_element_type3A_313, %cond3A_314 : i32
        scf.if %cond3A_315 {
          %add3A_316 = arith.constant 1 : i32
          %add3A_317 = arith.addi %add3A_275, %add3A_316 : i32
          %dma_start3A_318 = arith.constant 0 : i32
          %dma_start3A_319 = arith.constant 0 : i32
          %dma_start3A_320 = arith.constant 0 : i32
          %dma_start3A_321 = tpu.memref_slice %arg8[%dma_start3A_318, %dma_start3A_319, %dma_start3A_320] : memref<2x125x128xf32, #tpu.memory_space<vmem>> -> memref<1x125x128xf32, #tpu.memory_space<vmem>>
          %dma_start3A_322 = tpu.memref_squeeze %dma_start3A_321 : memref<1x125x128xf32, #tpu.memory_space<vmem>> -> memref<125x128xf32, #tpu.memory_space<vmem>>
          %dma_start3A_323 = arith.constant 0 : i32
          %dma_start3A_324 = tpu.memref_slice %arg6[%add3A_317, %dma_start3A_323] : memref<16x125xi32, #tpu.memory_space<vmem>> -> memref<1x125xi32, #tpu.memory_space<vmem>>
          %dma_start3A_325 = tpu.memref_squeeze %dma_start3A_324 : memref<1x125xi32, #tpu.memory_space<vmem>> -> memref<125xi32, #tpu.memory_space<vmem>>
          %dma_start3A_326 = arith.constant 0 : i32
          %dma_start3A_327 = arith.constant 0 : i32
          %dma_start3A_328 = tpu.memref_slice %arg2[%dma_start3A_326, %dma_start3A_327] : memref<10000x128xf32, #tpu.memory_space<hbm>> -> memref<10000x128xf32, #tpu.memory_space<hbm>>
          tpu.enqueue_indirect_dma source(%dma_start3A_328 : memref<10000x128xf32, #tpu.memory_space<hbm>>) target(%dma_start3A_322 : memref<125x128xf32, #tpu.memory_space<vmem>>) offsets(%dma_start3A_325 : memref<125xi32, #tpu.memory_space<vmem>>) semaphore(%arg10 : memref<!tpu.dma_semaphore, #tpu.memory_space<semaphore_mem>>)
        } else {
        }
      }
      %scan3A_211 = arith.constant 8 : i32
      %dma_wait3A_212 = arith.constant 1 : i32
      %dma_wait3A_213 = arith.constant 15 : i32
      %dma_wait3A_214 = arith.constant 0 : i32
      %dma_wait3A_215 = arith.constant 0 : i32
      %dma_wait3A_216 = tpu.memref_slice %arg8[%dma_wait3A_212, %dma_wait3A_214, %dma_wait3A_215] : memref<2x125x128xf32, #tpu.memory_space<vmem>> -> memref<1x125x128xf32, #tpu.memory_space<vmem>>
      %dma_wait3A_217 = tpu.memref_squeeze %dma_wait3A_216 : memref<1x125x128xf32, #tpu.memory_space<vmem>> -> memref<125x128xf32, #tpu.memory_space<vmem>>
      %dma_wait3A_218 = arith.constant 0 : i32
      %dma_wait3A_219 = tpu.memref_slice %arg7[%dma_wait3A_213, %dma_wait3A_218] : memref<16x125xi32, #tpu.memory_space<vmem>> -> memref<1x125xi32, #tpu.memory_space<vmem>>
      %dma_wait3A_220 = tpu.memref_squeeze %dma_wait3A_219 : memref<1x125xi32, #tpu.memory_space<vmem>> -> memref<125xi32, #tpu.memory_space<vmem>>
      %dma_wait3A_221 = arith.constant 0 : i32
      %dma_wait3A_222 = arith.constant 0 : i32
      %dma_wait3A_223 = tpu.memref_slice %arg9[%dma_wait3A_221, %dma_wait3A_222] : memref<10000x128xf32, #tpu.memory_space<vmem_shared>> -> memref<10000x128xf32, #tpu.memory_space<vmem_shared>>
      tpu.wait_indirect_dma semaphore(%arg13 : memref<!tpu.dma_semaphore, #tpu.memory_space<semaphore_mem>>) src(%dma_wait3A_217 : memref<125x128xf32, #tpu.memory_space<vmem>>) dst(%dma_wait3A_223 : memref<10000x128xf32, #tpu.memory_space<vmem_shared>>)
    }
    %scan3A_174 = arith.constant 5 : i32
    %barrier3A_175 = arith.constant 0 : index
    tpu.barrier barrier_id(%barrier3A_175)
    %mul3A_176 = arith.constant 624 : i32
    %mul3A_177 = arith.muli %arg1, %mul3A_176 : i32
    %mul3A_178 = arith.constant 624 : i32
    %mul3A_179 = arith.muli %arg1, %mul3A_178 : i32
    "tpu.region"() ({
      %run_scoped3A = tpu.sem_alloc : memref<!tpu.dma_semaphore, #tpu.memory_space<semaphore_mem>>
      %dma_start3A_185 = arith.constant 0 : i32
      %dma_start3A_186 = tpu.memref_slice %arg5[%arg0, %mul3A_179, %dma_start3A_185] : memref<2x10000x128xf32, #tpu.memory_space<hbm>> -> memref<1x624x128xf32, #tpu.memory_space<hbm>>
      %dma_start3A_187 = tpu.memref_squeeze %dma_start3A_186 : memref<1x624x128xf32, #tpu.memory_space<hbm>> -> memref<624x128xf32, #tpu.memory_space<hbm>>
      %dma_start3A_188 = arith.constant 0 : i32
      %dma_start3A_189 = tpu.memref_slice %arg9[%mul3A_177, %dma_start3A_188] : memref<10000x128xf32, #tpu.memory_space<vmem_shared>> -> memref<624x128xf32, #tpu.memory_space<vmem_shared>>
      tpu.enqueue_dma source(%dma_start3A_189 : memref<624x128xf32, #tpu.memory_space<vmem_shared>>) target(%dma_start3A_187 : memref<624x128xf32, #tpu.memory_space<hbm>>) target_semaphore(%run_scoped3A : memref<!tpu.dma_semaphore, #tpu.memory_space<semaphore_mem>>)
      %dma_wait3A_190 = arith.constant 0 : i32
      %dma_wait3A_191 = tpu.memref_slice %arg5[%arg0, %mul3A_179, %dma_wait3A_190] : memref<2x10000x128xf32, #tpu.memory_space<hbm>> -> memref<1x624x128xf32, #tpu.memory_space<hbm>>
      %dma_wait3A_192 = tpu.memref_squeeze %dma_wait3A_191 : memref<1x624x128xf32, #tpu.memory_space<hbm>> -> memref<624x128xf32, #tpu.memory_space<hbm>>
      %dma_wait3A_193 = arith.constant 0 : i32
      %dma_wait3A_194 = tpu.memref_slice %arg9[%mul3A_177, %dma_wait3A_193] : memref<10000x128xf32, #tpu.memory_space<vmem_shared>> -> memref<624x128xf32, #tpu.memory_space<vmem_shared>>
      tpu.wait_dma2 semaphore(%run_scoped3A : memref<!tpu.dma_semaphore, #tpu.memory_space<semaphore_mem>>) src(%dma_wait3A_194 : memref<624x128xf32, #tpu.memory_space<vmem_shared>>) dst(%dma_wait3A_192 : memref<624x128xf32, #tpu.memory_space<hbm>>)
      tpu.yield
    }) : () -> ()
    %eq3A_180 = arith.constant 0 : i32
    %eq3A_181 = arith.cmpi eq, %arg1, %eq3A_180 : i32
    %convert_element_type3A_182 = arith.extui %eq3A_181 : i1 to i32
    %cond3A_183 = arith.constant 0 : i32
    %cond3A_184 = arith.cmpi ne, %convert_element_type3A_182, %cond3A_183 : i32
    scf.if %cond3A_184 {
      "tpu.region"() ({
        %run_scoped3A = tpu.sem_alloc : memref<!tpu.dma_semaphore, #tpu.memory_space<semaphore_mem>>
        %dma_start3A_185 = arith.constant 9984 : i32
        %dma_start3A_186 = arith.constant 0 : i32
        %dma_start3A_187 = tpu.memref_slice %arg5[%arg0, %dma_start3A_185, %dma_start3A_186] : memref<2x10000x128xf32, #tpu.memory_space<hbm>> -> memref<1x16x128xf32, #tpu.memory_space<hbm>>
        %dma_start3A_188 = tpu.memref_squeeze %dma_start3A_187 : memref<1x16x128xf32, #tpu.memory_space<hbm>> -> memref<16x128xf32, #tpu.memory_space<hbm>>
        %dma_start3A_189 = arith.constant 9984 : i32
        %dma_start3A_190 = arith.constant 0 : i32
        %dma_start3A_191 = tpu.memref_slice %arg9[%dma_start3A_189, %dma_start3A_190] : memref<10000x128xf32, #tpu.memory_space<vmem_shared>> -> memref<16x128xf32, #tpu.memory_space<vmem_shared>>
        tpu.enqueue_dma source(%dma_start3A_191 : memref<16x128xf32, #tpu.memory_space<vmem_shared>>) target(%dma_start3A_188 : memref<16x128xf32, #tpu.memory_space<hbm>>) target_semaphore(%run_scoped3A : memref<!tpu.dma_semaphore, #tpu.memory_space<semaphore_mem>>)
        %dma_wait3A_192 = arith.constant 9984 : i32
        %dma_wait3A_193 = arith.constant 0 : i32
        %dma_wait3A_194 = tpu.memref_slice %arg5[%arg0, %dma_wait3A_192, %dma_wait3A_193] : memref<2x10000x128xf32, #tpu.memory_space<hbm>> -> memref<1x16x128xf32, #tpu.memory_space<hbm>>
        %dma_wait3A_195 = tpu.memref_squeeze %dma_wait3A_194 : memref<1x16x128xf32, #tpu.memory_space<hbm>> -> memref<16x128xf32, #tpu.memory_space<hbm>>
        %dma_wait3A_196 = arith.constant 9984 : i32
        %dma_wait3A_197 = arith.constant 0 : i32
        %dma_wait3A_198 = tpu.memref_slice %arg9[%dma_wait3A_196, %dma_wait3A_197] : memref<10000x128xf32, #tpu.memory_space<vmem_shared>> -> memref<16x128xf32, #tpu.memory_space<vmem_shared>>
        tpu.wait_dma2 semaphore(%run_scoped3A : memref<!tpu.dma_semaphore, #tpu.memory_space<semaphore_mem>>) src(%dma_wait3A_198 : memref<16x128xf32, #tpu.memory_space<vmem_shared>>) dst(%dma_wait3A_195 : memref<16x128xf32, #tpu.memory_space<hbm>>)
        tpu.yield
      }) : () -> ()
    } else {
    }
    return
  }
}

#map = affine_map<(d0, d1) -> (0, 0)>
#map1 = affine_map<(d0, d1) -> (0, 0, 0)>
module attributes {stable_mosaic.version = 14 : i64} {
  func.func @_sc_scatter(%arg0: i32, %arg1: i32, %arg2: memref<10000x128xf32, #tpu.memory_space<hbm>>, %arg3: memref<2560x125xi32, #tpu.memory_space<hbm>>, %arg4: memref<2560x125xi32, #tpu.memory_space<hbm>>, %arg5: memref<2x10000x128xf32, #tpu.memory_space<hbm>>, %arg6: memref<16x125xi32, #tpu.memory_space<vmem>>, %arg7: memref<16x125xi32, #tpu.memory_space<vmem>>, %arg8: memref<2x125x128xf32, #tpu.memory_space<vmem>>, %arg9: memref<10000x128xf32, #tpu.memory_space<vmem_shared>>, %arg10: memref<!tpu.dma_semaphore, #tpu.memory_space<semaphore_mem>>, %arg11: memref<!tpu.dma_semaphore, #tpu.memory_space<semaphore_mem>>, %arg12: memref<!tpu.dma_semaphore, #tpu.memory_space<semaphore_mem>>, %arg13: memref<!tpu.dma_semaphore, #tpu.memory_space<semaphore_mem>>, %arg14: memref<!tpu.dma_semaphore, #tpu.memory_space<semaphore_mem>>) attributes {dimension_semantics = [#tpu.dimension_semantics<core_parallel>, #tpu.dimension_semantics<subcore_parallel>], iteration_bounds = array<i64: 2, 16>, scalar_prefetch = 0 : i64, scratch_operands = 9 : i64, tpu.core_type = #tpu.core_type<sc_vector_subcore>, window_params = [{transform_indices = #map}, {transform_indices = #map}, {transform_indices = #map}, {transform_indices = #map1}]} {
    %mul3A = arith.constant 2 : i32
    %mul3A_0 = arith.muli %arg1, %mul3A : i32
    %add3A = arith.addi %mul3A_0, %arg0 : i32
    %scan3A = arith.constant 0 : i32
    %scan3A_1 = arith.constant 125 : i32
    %scan3A_2 = arith.addi %scan3A, %scan3A_1 : i32
    %scan3A_3 = arith.constant 1 : i32
    scf.for %scan3A_185 = %scan3A to %scan3A_2 step %scan3A_3  : i32 {
      %mul3A_186 = arith.constant 1 : i32
      %mul3A_187 = arith.muli %scan3A_185, %mul3A_186 : i32
      %add3A_188 = arith.constant 0 : i32
      %add3A_189 = arith.addi %add3A_188, %mul3A_187 : i32
      %broadcast_in_dim3A = arith.constant 0.000000e+00 : f32
      %broadcast_in_dim3A_190 = vector.broadcast %broadcast_in_dim3A : f32 to vector<16xf32>
      %swap3A = arith.constant 0 : i32
      %swap3A_191 = arith.index_cast %swap3A : i32 to index
      %swap3A_192 = arith.index_cast %add3A_189 : i32 to index
      %swap3A_193 = arith.constant 0 : index
      %swap3A_194 = tpu.vector_load %arg8[%swap3A_191, %swap3A_192, %swap3A_193] {strides = array<i32>} : memref<2x125x128xf32, #tpu.memory_space<vmem>>, vector<1x1x16xf32>,
      %swap3A_195 = vector.shape_cast %swap3A_194 : vector<1x1x16xf32> to vector<16xf32>
      %swap3A_196 = vector.shape_cast %broadcast_in_dim3A_190 : vector<16xf32> to vector<1x1x16xf32>
      tpu.vector_store %arg8[%swap3A_191, %swap3A_192, %swap3A_193], %swap3A_196 {strides = array<i32>} : memref<2x125x128xf32, #tpu.memory_space<vmem>>, vector<1x1x16xf32>,
      %broadcast_in_dim3A_197 = arith.constant 0.000000e+00 : f32
      %broadcast_in_dim3A_198 = vector.broadcast %broadcast_in_dim3A_197 : f32 to vector<16xf32>
      %swap3A_199 = arith.constant 0 : i32
      %swap3A_200 = arith.index_cast %swap3A_199 : i32 to index
      %swap3A_201 = arith.index_cast %add3A_189 : i32 to index
      %swap3A_202 = arith.constant 16 : index
      %swap3A_203 = tpu.vector_load %arg8[%swap3A_200, %swap3A_201, %swap3A_202] {strides = array<i32>} : memref<2x125x128xf32, #tpu.memory_space<vmem>>, vector<1x1x16xf32>,
      %swap3A_204 = vector.shape_cast %swap3A_203 : vector<1x1x16xf32> to vector<16xf32>
      %swap3A_205 = vector.shape_cast %broadcast_in_dim3A_198 : vector<16xf32> to vector<1x1x16xf32>
      tpu.vector_store %arg8[%swap3A_200, %swap3A_201, %swap3A_202], %swap3A_205 {strides = array<i32>} : memref<2x125x128xf32, #tpu.memory_space<vmem>>, vector<1x1x16xf32>,
      %broadcast_in_dim3A_206 = arith.constant 0.000000e+00 : f32
      %broadcast_in_dim3A_207 = vector.broadcast %broadcast_in_dim3A_206 : f32 to vector<16xf32>
      %swap3A_208 = arith.constant 0 : i32
      %swap3A_209 = arith.index_cast %swap3A_208 : i32 to index
      %swap3A_210 = arith.index_cast %add3A_189 : i32 to index
      %swap3A_211 = arith.constant 32 : index
      %swap3A_212 = tpu.vector_load %arg8[%swap3A_209, %swap3A_210, %swap3A_211] {strides = array<i32>} : memref<2x125x128xf32, #tpu.memory_space<vmem>>, vector<1x1x16xf32>,
      %swap3A_213 = vector.shape_cast %swap3A_212 : vector<1x1x16xf32> to vector<16xf32>
      %swap3A_214 = vector.shape_cast %broadcast_in_dim3A_207 : vector<16xf32> to vector<1x1x16xf32>
      tpu.vector_store %arg8[%swap3A_209, %swap3A_210, %swap3A_211], %swap3A_214 {strides = array<i32>} : memref<2x125x128xf32, #tpu.memory_space<vmem>>, vector<1x1x16xf32>,
      %broadcast_in_dim3A_215 = arith.constant 0.000000e+00 : f32
      %broadcast_in_dim3A_216 = vector.broadcast %broadcast_in_dim3A_215 : f32 to vector<16xf32>
      %swap3A_217 = arith.constant 0 : i32
      %swap3A_218 = arith.index_cast %swap3A_217 : i32 to index
      %swap3A_219 = arith.index_cast %add3A_189 : i32 to index
      %swap3A_220 = arith.constant 48 : index
      %swap3A_221 = tpu.vector_load %arg8[%swap3A_218, %swap3A_219, %swap3A_220] {strides = array<i32>} : memref<2x125x128xf32, #tpu.memory_space<vmem>>, vector<1x1x16xf32>,
      %swap3A_222 = vector.shape_cast %swap3A_221 : vector<1x1x16xf32> to vector<16xf32>
      %swap3A_223 = vector.shape_cast %broadcast_in_dim3A_216 : vector<16xf32> to vector<1x1x16xf32>
      tpu.vector_store %arg8[%swap3A_218, %swap3A_219, %swap3A_220], %swap3A_223 {strides = array<i32>} : memref<2x125x128xf32, #tpu.memory_space<vmem>>, vector<1x1x16xf32>,
      %broadcast_in_dim3A_224 = arith.constant 0.000000e+00 : f32
      %broadcast_in_dim3A_225 = vector.broadcast %broadcast_in_dim3A_224 : f32 to vector<16xf32>
      %swap3A_226 = arith.constant 0 : i32
      %swap3A_227 = arith.index_cast %swap3A_226 : i32 to index
      %swap3A_228 = arith.index_cast %add3A_189 : i32 to index
      %swap3A_229 = arith.constant 64 : index
      %swap3A_230 = tpu.vector_load %arg8[%swap3A_227, %swap3A_228, %swap3A_229] {strides = array<i32>} : memref<2x125x128xf32, #tpu.memory_space<vmem>>, vector<1x1x16xf32>,
      %swap3A_231 = vector.shape_cast %swap3A_230 : vector<1x1x16xf32> to vector<16xf32>
      %swap3A_232 = vector.shape_cast %broadcast_in_dim3A_225 : vector<16xf32> to vector<1x1x16xf32>
      tpu.vector_store %arg8[%swap3A_227, %swap3A_228, %swap3A_229], %swap3A_232 {strides = array<i32>} : memref<2x125x128xf32, #tpu.memory_space<vmem>>, vector<1x1x16xf32>,
      %broadcast_in_dim3A_233 = arith.constant 0.000000e+00 : f32
      %broadcast_in_dim3A_234 = vector.broadcast %broadcast_in_dim3A_233 : f32 to vector<16xf32>
      %swap3A_235 = arith.constant 0 : i32
      %swap3A_236 = arith.index_cast %swap3A_235 : i32 to index
      %swap3A_237 = arith.index_cast %add3A_189 : i32 to index
      %swap3A_238 = arith.constant 80 : index
      %swap3A_239 = tpu.vector_load %arg8[%swap3A_236, %swap3A_237, %swap3A_238] {strides = array<i32>} : memref<2x125x128xf32, #tpu.memory_space<vmem>>, vector<1x1x16xf32>,
      %swap3A_240 = vector.shape_cast %swap3A_239 : vector<1x1x16xf32> to vector<16xf32>
      %swap3A_241 = vector.shape_cast %broadcast_in_dim3A_234 : vector<16xf32> to vector<1x1x16xf32>
      tpu.vector_store %arg8[%swap3A_236, %swap3A_237, %swap3A_238], %swap3A_241 {strides = array<i32>} : memref<2x125x128xf32, #tpu.memory_space<vmem>>, vector<1x1x16xf32>,
      %broadcast_in_dim3A_242 = arith.constant 0.000000e+00 : f32
      %broadcast_in_dim3A_243 = vector.broadcast %broadcast_in_dim3A_242 : f32 to vector<16xf32>
      %swap3A_244 = arith.constant 0 : i32
      %swap3A_245 = arith.index_cast %swap3A_244 : i32 to index
      %swap3A_246 = arith.index_cast %add3A_189 : i32 to index
      %swap3A_247 = arith.constant 96 : index
      %swap3A_248 = tpu.vector_load %arg8[%swap3A_245, %swap3A_246, %swap3A_247] {strides = array<i32>} : memref<2x125x128xf32, #tpu.memory_space<vmem>>, vector<1x1x16xf32>,
      %swap3A_249 = vector.shape_cast %swap3A_248 : vector<1x1x16xf32> to vector<16xf32>
      %swap3A_250 = vector.shape_cast %broadcast_in_dim3A_243 : vector<16xf32> to vector<1x1x16xf32>
      tpu.vector_store %arg8[%swap3A_245, %swap3A_246, %swap3A_247], %swap3A_250 {strides = array<i32>} : memref<2x125x128xf32, #tpu.memory_space<vmem>>, vector<1x1x16xf32>,
      %broadcast_in_dim3A_251 = arith.constant 0.000000e+00 : f32
      %broadcast_in_dim3A_252 = vector.broadcast %broadcast_in_dim3A_251 : f32 to vector<16xf32>
      %swap3A_253 = arith.constant 0 : i32
      %swap3A_254 = arith.index_cast %swap3A_253 : i32 to index
      %swap3A_255 = arith.index_cast %add3A_189 : i32 to index
      %swap3A_256 = arith.constant 112 : index
      %swap3A_257 = tpu.vector_load %arg8[%swap3A_254, %swap3A_255, %swap3A_256] {strides = array<i32>} : memref<2x125x128xf32, #tpu.memory_space<vmem>>, vector<1x1x16xf32>,
      %swap3A_258 = vector.shape_cast %swap3A_257 : vector<1x1x16xf32> to vector<16xf32>
      %swap3A_259 = vector.shape_cast %broadcast_in_dim3A_252 : vector<16xf32> to vector<1x1x16xf32>
      tpu.vector_store %arg8[%swap3A_254, %swap3A_255, %swap3A_256], %swap3A_259 {strides = array<i32>} : memref<2x125x128xf32, #tpu.memory_space<vmem>>, vector<1x1x16xf32>,
    }
    %scan3A_4 = arith.constant 125 : i32
    %mul3A_5 = arith.constant 624 : i32
    %mul3A_6 = arith.muli %arg1, %mul3A_5 : i32
    %add3A_7 = arith.constant 0 : i32
    %add3A_8 = arith.addi %mul3A_6, %add3A_7 : i32
    %dma_start3A = arith.constant 0 : i32
    %dma_start3A_9 = arith.constant 0 : i32
    %dma_start3A_10 = arith.constant 0 : i32
    %dma_start3A_11 = tpu.memref_slice %arg8[%dma_start3A, %dma_start3A_9, %dma_start3A_10] : memref<2x125x128xf32, #tpu.memory_space<vmem>> -> memref<1x125x128xf32, #tpu.memory_space<vmem>>
    %dma_start3A_12 = tpu.memref_squeeze %dma_start3A_11 : memref<1x125x128xf32, #tpu.memory_space<vmem>> -> memref<125x128xf32, #tpu.memory_space<vmem>>
    %dma_start3A_13 = arith.constant 0 : i32
    %dma_start3A_14 = tpu.memref_slice %arg9[%add3A_8, %dma_start3A_13] : memref<10000x128xf32, #tpu.memory_space<vmem_shared>> -> memref<125x128xf32, #tpu.memory_space<vmem_shared>>
    %dma_start3A_15 = arith.constant 0 : i32
    %dma_start3A_16 = tpu.memref_slice %arg9[%add3A_8, %dma_start3A_15] : memref<10000x128xf32, #tpu.memory_space<vmem_shared>> -> memref<125x128xf32, #tpu.memory_space<vmem_shared>>
    %dma_start3A_17 = arith.constant 0 : i32
    %dma_start3A_18 = arith.constant 0 : i32
    %dma_start3A_19 = tpu.memref_slice %arg8[%dma_start3A, %dma_start3A_17, %dma_start3A_18] : memref<2x125x128xf32, #tpu.memory_space<vmem>> -> memref<1x125x128xf32, #tpu.memory_space<vmem>>
    %dma_start3A_20 = tpu.memref_squeeze %dma_start3A_19 : memref<1x125x128xf32, #tpu.memory_space<vmem>> -> memref<125x128xf32, #tpu.memory_space<vmem>>
    tpu.enqueue_dma source(%dma_start3A_20 : memref<125x128xf32, #tpu.memory_space<vmem>>) target(%dma_start3A_16 : memref<125x128xf32, #tpu.memory_space<vmem_shared>>) target_semaphore(%arg14 : memref<!tpu.dma_semaphore, #tpu.memory_space<semaphore_mem>>)
    %mul3A_21 = arith.constant 624 : i32
    %mul3A_22 = arith.muli %arg1, %mul3A_21 : i32
    %add3A_23 = arith.constant 125 : i32
    %add3A_24 = arith.addi %mul3A_22, %add3A_23 : i32
    %dma_start3A_25 = arith.constant 0 : i32
    %dma_start3A_26 = arith.constant 0 : i32
    %dma_start3A_27 = arith.constant 0 : i32
    %dma_start3A_28 = tpu.memref_slice %arg8[%dma_start3A_25, %dma_start3A_26, %dma_start3A_27] : memref<2x125x128xf32, #tpu.memory_space<vmem>> -> memref<1x125x128xf32, #tpu.memory_space<vmem>>
    %dma_start3A_29 = tpu.memref_squeeze %dma_start3A_28 : memref<1x125x128xf32, #tpu.memory_space<vmem>> -> memref<125x128xf32, #tpu.memory_space<vmem>>
    %dma_start3A_30 = arith.constant 0 : i32
    %dma_start3A_31 = tpu.memref_slice %arg9[%add3A_24, %dma_start3A_30] : memref<10000x128xf32, #tpu.memory_space<vmem_shared>> -> memref<125x128xf32, #tpu.memory_space<vmem_shared>>
    %dma_start3A_32 = arith.constant 0 : i32
    %dma_start3A_33 = tpu.memref_slice %arg9[%add3A_24, %dma_start3A_32] : memref<10000x128xf32, #tpu.memory_space<vmem_shared>> -> memref<125x128xf32, #tpu.memory_space<vmem_shared>>
    %dma_start3A_34 = arith.constant 0 : i32
    %dma_start3A_35 = arith.constant 0 : i32
    %dma_start3A_36 = tpu.memref_slice %arg8[%dma_start3A_25, %dma_start3A_34, %dma_start3A_35] : memref<2x125x128xf32, #tpu.memory_space<vmem>> -> memref<1x125x128xf32, #tpu.memory_space<vmem>>
    %dma_start3A_37 = tpu.memref_squeeze %dma_start3A_36 : memref<1x125x128xf32, #tpu.memory_space<vmem>> -> memref<125x128xf32, #tpu.memory_space<vmem>>
    tpu.enqueue_dma source(%dma_start3A_37 : memref<125x128xf32, #tpu.memory_space<vmem>>) target(%dma_start3A_33 : memref<125x128xf32, #tpu.memory_space<vmem_shared>>) target_semaphore(%arg14 : memref<!tpu.dma_semaphore, #tpu.memory_space<semaphore_mem>>)
    %mul3A_38 = arith.constant 624 : i32
    %mul3A_39 = arith.muli %arg1, %mul3A_38 : i32
    %add3A_40 = arith.constant 250 : i32
    %add3A_41 = arith.addi %mul3A_39, %add3A_40 : i32
    %dma_start3A_42 = arith.constant 0 : i32
    %dma_start3A_43 = arith.constant 0 : i32
    %dma_start3A_44 = arith.constant 0 : i32
    %dma_start3A_45 = tpu.memref_slice %arg8[%dma_start3A_42, %dma_start3A_43, %dma_start3A_44] : memref<2x125x128xf32, #tpu.memory_space<vmem>> -> memref<1x125x128xf32, #tpu.memory_space<vmem>>
    %dma_start3A_46 = tpu.memref_squeeze %dma_start3A_45 : memref<1x125x128xf32, #tpu.memory_space<vmem>> -> memref<125x128xf32, #tpu.memory_space<vmem>>
    %dma_start3A_47 = arith.constant 0 : i32
    %dma_start3A_48 = tpu.memref_slice %arg9[%add3A_41, %dma_start3A_47] : memref<10000x128xf32, #tpu.memory_space<vmem_shared>> -> memref<125x128xf32, #tpu.memory_space<vmem_shared>>
    %dma_start3A_49 = arith.constant 0 : i32
    %dma_start3A_50 = tpu.memref_slice %arg9[%add3A_41, %dma_start3A_49] : memref<10000x128xf32, #tpu.memory_space<vmem_shared>> -> memref<125x128xf32, #tpu.memory_space<vmem_shared>>
    %dma_start3A_51 = arith.constant 0 : i32
    %dma_start3A_52 = arith.constant 0 : i32
    %dma_start3A_53 = tpu.memref_slice %arg8[%dma_start3A_42, %dma_start3A_51, %dma_start3A_52] : memref<2x125x128xf32, #tpu.memory_space<vmem>> -> memref<1x125x128xf32, #tpu.memory_space<vmem>>
    %dma_start3A_54 = tpu.memref_squeeze %dma_start3A_53 : memref<1x125x128xf32, #tpu.memory_space<vmem>> -> memref<125x128xf32, #tpu.memory_space<vmem>>
    tpu.enqueue_dma source(%dma_start3A_54 : memref<125x128xf32, #tpu.memory_space<vmem>>) target(%dma_start3A_50 : memref<125x128xf32, #tpu.memory_space<vmem_shared>>) target_semaphore(%arg14 : memref<!tpu.dma_semaphore, #tpu.memory_space<semaphore_mem>>)
    %mul3A_55 = arith.constant 624 : i32
    %mul3A_56 = arith.muli %arg1, %mul3A_55 : i32
    %add3A_57 = arith.constant 375 : i32
    %add3A_58 = arith.addi %mul3A_56, %add3A_57 : i32
    %dma_start3A_59 = arith.constant 0 : i32
    %dma_start3A_60 = arith.constant 0 : i32
    %dma_start3A_61 = arith.constant 0 : i32
    %dma_start3A_62 = tpu.memref_slice %arg8[%dma_start3A_59, %dma_start3A_60, %dma_start3A_61] : memref<2x125x128xf32, #tpu.memory_space<vmem>> -> memref<1x125x128xf32, #tpu.memory_space<vmem>>
    %dma_start3A_63 = tpu.memref_squeeze %dma_start3A_62 : memref<1x125x128xf32, #tpu.memory_space<vmem>> -> memref<125x128xf32, #tpu.memory_space<vmem>>
    %dma_start3A_64 = arith.constant 0 : i32
    %dma_start3A_65 = tpu.memref_slice %arg9[%add3A_58, %dma_start3A_64] : memref<10000x128xf32, #tpu.memory_space<vmem_shared>> -> memref<125x128xf32, #tpu.memory_space<vmem_shared>>
    %dma_start3A_66 = arith.constant 0 : i32
    %dma_start3A_67 = tpu.memref_slice %arg9[%add3A_58, %dma_start3A_66] : memref<10000x128xf32, #tpu.memory_space<vmem_shared>> -> memref<125x128xf32, #tpu.memory_space<vmem_shared>>
    %dma_start3A_68 = arith.constant 0 : i32
    %dma_start3A_69 = arith.constant 0 : i32
    %dma_start3A_70 = tpu.memref_slice %arg8[%dma_start3A_59, %dma_start3A_68, %dma_start3A_69] : memref<2x125x128xf32, #tpu.memory_space<vmem>> -> memref<1x125x128xf32, #tpu.memory_space<vmem>>
    %dma_start3A_71 = tpu.memref_squeeze %dma_start3A_70 : memref<1x125x128xf32, #tpu.memory_space<vmem>> -> memref<125x128xf32, #tpu.memory_space<vmem>>
    tpu.enqueue_dma source(%dma_start3A_71 : memref<125x128xf32, #tpu.memory_space<vmem>>) target(%dma_start3A_67 : memref<125x128xf32, #tpu.memory_space<vmem_shared>>) target_semaphore(%arg14 : memref<!tpu.dma_semaphore, #tpu.memory_space<semaphore_mem>>)
    %mul3A_72 = arith.constant 624 : i32
    %mul3A_73 = arith.muli %arg1, %mul3A_72 : i32
    %add3A_74 = arith.constant 500 : i32
    %add3A_75 = arith.addi %mul3A_73, %add3A_74 : i32
    %dma_start3A_76 = arith.constant 0 : i32
    %dma_start3A_77 = arith.constant 0 : i32
    %dma_start3A_78 = arith.constant 0 : i32
    %dma_start3A_79 = tpu.memref_slice %arg8[%dma_start3A_76, %dma_start3A_77, %dma_start3A_78] : memref<2x125x128xf32, #tpu.memory_space<vmem>> -> memref<1x124x128xf32, #tpu.memory_space<vmem>>
    %dma_start3A_80 = tpu.memref_squeeze %dma_start3A_79 : memref<1x124x128xf32, #tpu.memory_space<vmem>> -> memref<124x128xf32, #tpu.memory_space<vmem>>
    %dma_start3A_81 = arith.constant 0 : i32
    %dma_start3A_82 = tpu.memref_slice %arg9[%add3A_75, %dma_start3A_81] : memref<10000x128xf32, #tpu.memory_space<vmem_shared>> -> memref<124x128xf32, #tpu.memory_space<vmem_shared>>
    %dma_start3A_83 = arith.constant 0 : i32
    %dma_start3A_84 = tpu.memref_slice %arg9[%add3A_75, %dma_start3A_83] : memref<10000x128xf32, #tpu.memory_space<vmem_shared>> -> memref<124x128xf32, #tpu.memory_space<vmem_shared>>
    %dma_start3A_85 = arith.constant 0 : i32
    %dma_start3A_86 = arith.constant 0 : i32
    %dma_start3A_87 = tpu.memref_slice %arg8[%dma_start3A_76, %dma_start3A_85, %dma_start3A_86] : memref<2x125x128xf32, #tpu.memory_space<vmem>> -> memref<1x124x128xf32, #tpu.memory_space<vmem>>
    %dma_start3A_88 = tpu.memref_squeeze %dma_start3A_87 : memref<1x124x128xf32, #tpu.memory_space<vmem>> -> memref<124x128xf32, #tpu.memory_space<vmem>>
    tpu.enqueue_dma source(%dma_start3A_88 : memref<124x128xf32, #tpu.memory_space<vmem>>) target(%dma_start3A_84 : memref<124x128xf32, #tpu.memory_space<vmem_shared>>) target_semaphore(%arg14 : memref<!tpu.dma_semaphore, #tpu.memory_space<semaphore_mem>>)
    %eq3A = arith.constant 0 : i32
    %eq3A_89 = arith.cmpi eq, %arg1, %eq3A : i32
    %convert_element_type3A = arith.extui %eq3A_89 : i1 to i32
    %cond3A = arith.constant 0 : i32
    %cond3A_90 = arith.cmpi ne, %convert_element_type3A, %cond3A : i32
    scf.if %cond3A_90 {
      %dma_start3A_185 = arith.constant 0 : i32
      %dma_start3A_186 = arith.constant 0 : i32
      %dma_start3A_187 = arith.constant 0 : i32
      %dma_start3A_188 = tpu.memref_slice %arg8[%dma_start3A_185, %dma_start3A_186, %dma_start3A_187] : memref<2x125x128xf32, #tpu.memory_space<vmem>> -> memref<1x16x128xf32, #tpu.memory_space<vmem>>
      %dma_start3A_189 = tpu.memref_squeeze %dma_start3A_188 : memref<1x16x128xf32, #tpu.memory_space<vmem>> -> memref<16x128xf32, #tpu.memory_space<vmem>>
      %dma_start3A_190 = arith.constant 9984 : i32
      %dma_start3A_191 = arith.constant 0 : i32
      %dma_start3A_192 = tpu.memref_slice %arg9[%dma_start3A_190, %dma_start3A_191] : memref<10000x128xf32, #tpu.memory_space<vmem_shared>> -> memref<16x128xf32, #tpu.memory_space<vmem_shared>>
      %dma_start3A_193 = arith.constant 9984 : i32
      %dma_start3A_194 = arith.constant 0 : i32
      %dma_start3A_195 = tpu.memref_slice %arg9[%dma_start3A_193, %dma_start3A_194] : memref<10000x128xf32, #tpu.memory_space<vmem_shared>> -> memref<16x128xf32, #tpu.memory_space<vmem_shared>>
      %dma_start3A_196 = arith.constant 0 : i32
      %dma_start3A_197 = arith.constant 0 : i32
      %dma_start3A_198 = tpu.memref_slice %arg8[%dma_start3A_185, %dma_start3A_196, %dma_start3A_197] : memref<2x125x128xf32, #tpu.memory_space<vmem>> -> memref<1x16x128xf32, #tpu.memory_space<vmem>>
      %dma_start3A_199 = tpu.memref_squeeze %dma_start3A_198 : memref<1x16x128xf32, #tpu.memory_space<vmem>> -> memref<16x128xf32, #tpu.memory_space<vmem>>
      tpu.enqueue_dma source(%dma_start3A_199 : memref<16x128xf32, #tpu.memory_space<vmem>>) target(%dma_start3A_195 : memref<16x128xf32, #tpu.memory_space<vmem_shared>>) target_semaphore(%arg14 : memref<!tpu.dma_semaphore, #tpu.memory_space<semaphore_mem>>)
    } else {
    }
    %mul3A_91 = arith.constant 624 : i32
    %mul3A_92 = arith.muli %arg1, %mul3A_91 : i32
    %dma_wait3A = arith.constant 0 : i32
    %dma_wait3A_93 = arith.constant 0 : i32
    %dma_wait3A_94 = arith.constant 0 : i32
    %dma_wait3A_95 = tpu.memref_slice %arg8[%dma_wait3A, %dma_wait3A_93, %dma_wait3A_94] : memref<2x125x128xf32, #tpu.memory_space<vmem>> -> memref<1x125x128xf32, #tpu.memory_space<vmem>>
    %dma_wait3A_96 = tpu.memref_squeeze %dma_wait3A_95 : memref<1x125x128xf32, #tpu.memory_space<vmem>> -> memref<125x128xf32, #tpu.memory_space<vmem>>
    %dma_wait3A_97 = arith.constant 0 : i32
    %dma_wait3A_98 = tpu.memref_slice %arg9[%mul3A_92, %dma_wait3A_97] : memref<10000x128xf32, #tpu.memory_space<vmem_shared>> -> memref<125x128xf32, #tpu.memory_space<vmem_shared>>
    %dma_wait3A_99 = arith.constant 0 : i32
    %dma_wait3A_100 = tpu.memref_slice %arg9[%mul3A_92, %dma_wait3A_99] : memref<10000x128xf32, #tpu.memory_space<vmem_shared>> -> memref<125x128xf32, #tpu.memory_space<vmem_shared>>
    %dma_wait3A_101 = arith.constant 0 : i32
    %dma_wait3A_102 = arith.constant 0 : i32
    %dma_wait3A_103 = tpu.memref_slice %arg8[%dma_wait3A, %dma_wait3A_101, %dma_wait3A_102] : memref<2x125x128xf32, #tpu.memory_space<vmem>> -> memref<1x125x128xf32, #tpu.memory_space<vmem>>
    %dma_wait3A_104 = tpu.memref_squeeze %dma_wait3A_103 : memref<1x125x128xf32, #tpu.memory_space<vmem>> -> memref<125x128xf32, #tpu.memory_space<vmem>>
    tpu.wait_dma2 semaphore(%arg14 : memref<!tpu.dma_semaphore, #tpu.memory_space<semaphore_mem>>) src(%dma_wait3A_104 : memref<125x128xf32, #tpu.memory_space<vmem>>) dst(%dma_wait3A_100 : memref<125x128xf32, #tpu.memory_space<vmem_shared>>)
    %mul3A_105 = arith.constant 624 : i32
    %mul3A_106 = arith.muli %arg1, %mul3A_105 : i32
    %dma_wait3A_107 = arith.constant 0 : i32
    %dma_wait3A_108 = arith.constant 0 : i32
    %dma_wait3A_109 = arith.constant 0 : i32
    %dma_wait3A_110 = tpu.memref_slice %arg8[%dma_wait3A_107, %dma_wait3A_108, %dma_wait3A_109] : memref<2x125x128xf32, #tpu.memory_space<vmem>> -> memref<1x125x128xf32, #tpu.memory_space<vmem>>
    %dma_wait3A_111 = tpu.memref_squeeze %dma_wait3A_110 : memref<1x125x128xf32, #tpu.memory_space<vmem>> -> memref<125x128xf32, #tpu.memory_space<vmem>>
    %dma_wait3A_112 = arith.constant 0 : i32
    %dma_wait3A_113 = tpu.memref_slice %arg9[%mul3A_106, %dma_wait3A_112] : memref<10000x128xf32, #tpu.memory_space<vmem_shared>> -> memref<125x128xf32, #tpu.memory_space<vmem_shared>>
    %dma_wait3A_114 = arith.constant 0 : i32
    %dma_wait3A_115 = tpu.memref_slice %arg9[%mul3A_106, %dma_wait3A_114] : memref<10000x128xf32, #tpu.memory_space<vmem_shared>> -> memref<125x128xf32, #tpu.memory_space<vmem_shared>>
    %dma_wait3A_116 = arith.constant 0 : i32
    %dma_wait3A_117 = arith.constant 0 : i32
    %dma_wait3A_118 = tpu.memref_slice %arg8[%dma_wait3A_107, %dma_wait3A_116, %dma_wait3A_117] : memref<2x125x128xf32, #tpu.memory_space<vmem>> -> memref<1x125x128xf32, #tpu.memory_space<vmem>>
    %dma_wait3A_119 = tpu.memref_squeeze %dma_wait3A_118 : memref<1x125x128xf32, #tpu.memory_space<vmem>> -> memref<125x128xf32, #tpu.memory_space<vmem>>
    tpu.wait_dma2 semaphore(%arg14 : memref<!tpu.dma_semaphore, #tpu.memory_space<semaphore_mem>>) src(%dma_wait3A_119 : memref<125x128xf32, #tpu.memory_space<vmem>>) dst(%dma_wait3A_115 : memref<125x128xf32, #tpu.memory_space<vmem_shared>>)
    %mul3A_120 = arith.constant 624 : i32
    %mul3A_121 = arith.muli %arg1, %mul3A_120 : i32
    %dma_wait3A_122 = arith.constant 0 : i32
    %dma_wait3A_123 = arith.constant 0 : i32
    %dma_wait3A_124 = arith.constant 0 : i32
    %dma_wait3A_125 = tpu.memref_slice %arg8[%dma_wait3A_122, %dma_wait3A_123, %dma_wait3A_124] : memref<2x125x128xf32, #tpu.memory_space<vmem>> -> memref<1x125x128xf32, #tpu.memory_space<vmem>>
    %dma_wait3A_126 = tpu.memref_squeeze %dma_wait3A_125 : memref<1x125x128xf32, #tpu.memory_space<vmem>> -> memref<125x128xf32, #tpu.memory_space<vmem>>
    %dma_wait3A_127 = arith.constant 0 : i32
    %dma_wait3A_128 = tpu.memref_slice %arg9[%mul3A_121, %dma_wait3A_127] : memref<10000x128xf32, #tpu.memory_space<vmem_shared>> -> memref<125x128xf32, #tpu.memory_space<vmem_shared>>
    %dma_wait3A_129 = arith.constant 0 : i32
    %dma_wait3A_130 = tpu.memref_slice %arg9[%mul3A_121, %dma_wait3A_129] : memref<10000x128xf32, #tpu.memory_space<vmem_shared>> -> memref<125x128xf32, #tpu.memory_space<vmem_shared>>
    %dma_wait3A_131 = arith.constant 0 : i32
    %dma_wait3A_132 = arith.constant 0 : i32
    %dma_wait3A_133 = tpu.memref_slice %arg8[%dma_wait3A_122, %dma_wait3A_131, %dma_wait3A_132] : memref<2x125x128xf32, #tpu.memory_space<vmem>> -> memref<1x125x128xf32, #tpu.memory_space<vmem>>
    %dma_wait3A_134 = tpu.memref_squeeze %dma_wait3A_133 : memref<1x125x128xf32, #tpu.memory_space<vmem>> -> memref<125x128xf32, #tpu.memory_space<vmem>>
    tpu.wait_dma2 semaphore(%arg14 : memref<!tpu.dma_semaphore, #tpu.memory_space<semaphore_mem>>) src(%dma_wait3A_134 : memref<125x128xf32, #tpu.memory_space<vmem>>) dst(%dma_wait3A_130 : memref<125x128xf32, #tpu.memory_space<vmem_shared>>)
    %mul3A_135 = arith.constant 624 : i32
    %mul3A_136 = arith.muli %arg1, %mul3A_135 : i32
    %dma_wait3A_137 = arith.constant 0 : i32
    %dma_wait3A_138 = arith.constant 0 : i32
    %dma_wait3A_139 = arith.constant 0 : i32
    %dma_wait3A_140 = tpu.memref_slice %arg8[%dma_wait3A_137, %dma_wait3A_138, %dma_wait3A_139] : memref<2x125x128xf32, #tpu.memory_space<vmem>> -> memref<1x125x128xf32, #tpu.memory_space<vmem>>
    %dma_wait3A_141 = tpu.memref_squeeze %dma_wait3A_140 : memref<1x125x128xf32, #tpu.memory_space<vmem>> -> memref<125x128xf32, #tpu.memory_space<vmem>>
    %dma_wait3A_142 = arith.constant 0 : i32
    %dma_wait3A_143 = tpu.memref_slice %arg9[%mul3A_136, %dma_wait3A_142] : memref<10000x128xf32, #tpu.memory_space<vmem_shared>> -> memref<125x128xf32, #tpu.memory_space<vmem_shared>>
    %dma_wait3A_144 = arith.constant 0 : i32
    %dma_wait3A_145 = tpu.memref_slice %arg9[%mul3A_136, %dma_wait3A_144] : memref<10000x128xf32, #tpu.memory_space<vmem_shared>> -> memref<125x128xf32, #tpu.memory_space<vmem_shared>>
    %dma_wait3A_146 = arith.constant 0 : i32
    %dma_wait3A_147 = arith.constant 0 : i32
    %dma_wait3A_148 = tpu.memref_slice %arg8[%dma_wait3A_137, %dma_wait3A_146, %dma_wait3A_147] : memref<2x125x128xf32, #tpu.memory_space<vmem>> -> memref<1x125x128xf32, #tpu.memory_space<vmem>>
    %dma_wait3A_149 = tpu.memref_squeeze %dma_wait3A_148 : memref<1x125x128xf32, #tpu.memory_space<vmem>> -> memref<125x128xf32, #tpu.memory_space<vmem>>
    tpu.wait_dma2 semaphore(%arg14 : memref<!tpu.dma_semaphore, #tpu.memory_space<semaphore_mem>>) src(%dma_wait3A_149 : memref<125x128xf32, #tpu.memory_space<vmem>>) dst(%dma_wait3A_145 : memref<125x128xf32, #tpu.memory_space<vmem_shared>>)
    %mul3A_150 = arith.constant 624 : i32
    %mul3A_151 = arith.muli %arg1, %mul3A_150 : i32
    %dma_wait3A_152 = arith.constant 0 : i32
    %dma_wait3A_153 = arith.constant 0 : i32
    %dma_wait3A_154 = arith.constant 0 : i32
    %dma_wait3A_155 = tpu.memref_slice %arg8[%dma_wait3A_152, %dma_wait3A_153, %dma_wait3A_154] : memref<2x125x128xf32, #tpu.memory_space<vmem>> -> memref<1x124x128xf32, #tpu.memory_space<vmem>>
    %dma_wait3A_156 = tpu.memref_squeeze %dma_wait3A_155 : memref<1x124x128xf32, #tpu.memory_space<vmem>> -> memref<124x128xf32, #tpu.memory_space<vmem>>
    %dma_wait3A_157 = arith.constant 0 : i32
    %dma_wait3A_158 = tpu.memref_slice %arg9[%mul3A_151, %dma_wait3A_157] : memref<10000x128xf32, #tpu.memory_space<vmem_shared>> -> memref<124x128xf32, #tpu.memory_space<vmem_shared>>
    %dma_wait3A_159 = arith.constant 0 : i32
    %dma_wait3A_160 = tpu.memref_slice %arg9[%mul3A_151, %dma_wait3A_159] : memref<10000x128xf32, #tpu.memory_space<vmem_shared>> -> memref<124x128xf32, #tpu.memory_space<vmem_shared>>
    %dma_wait3A_161 = arith.constant 0 : i32
    %dma_wait3A_162 = arith.constant 0 : i32
    %dma_wait3A_163 = tpu.memref_slice %arg8[%dma_wait3A_152, %dma_wait3A_161, %dma_wait3A_162] : memref<2x125x128xf32, #tpu.memory_space<vmem>> -> memref<1x124x128xf32, #tpu.memory_space<vmem>>
    %dma_wait3A_164 = tpu.memref_squeeze %dma_wait3A_163 : memref<1x124x128xf32, #tpu.memory_space<vmem>> -> memref<124x128xf32, #tpu.memory_space<vmem>>
    tpu.wait_dma2 semaphore(%arg14 : memref<!tpu.dma_semaphore, #tpu.memory_space<semaphore_mem>>) src(%dma_wait3A_164 : memref<124x128xf32, #tpu.memory_space<vmem>>) dst(%dma_wait3A_160 : memref<124x128xf32, #tpu.memory_space<vmem_shared>>)
    %eq3A_165 = arith.constant 0 : i32
    %eq3A_166 = arith.cmpi eq, %arg1, %eq3A_165 : i32
    %convert_element_type3A_167 = arith.extui %eq3A_166 : i1 to i32
    %cond3A_168 = arith.constant 0 : i32
    %cond3A_169 = arith.cmpi ne, %convert_element_type3A_167, %cond3A_168 : i32
    scf.if %cond3A_169 {
      %dma_wait3A_185 = arith.constant 0 : i32
      %dma_wait3A_186 = arith.constant 0 : i32
      %dma_wait3A_187 = arith.constant 0 : i32
      %dma_wait3A_188 = tpu.memref_slice %arg8[%dma_wait3A_185, %dma_wait3A_186, %dma_wait3A_187] : memref<2x125x128xf32, #tpu.memory_space<vmem>> -> memref<1x16x128xf32, #tpu.memory_space<vmem>>
      %dma_wait3A_189 = tpu.memref_squeeze %dma_wait3A_188 : memref<1x16x128xf32, #tpu.memory_space<vmem>> -> memref<16x128xf32, #tpu.memory_space<vmem>>
      %dma_wait3A_190 = arith.constant 9984 : i32
      %dma_wait3A_191 = arith.constant 0 : i32
      %dma_wait3A_192 = tpu.memref_slice %arg9[%dma_wait3A_190, %dma_wait3A_191] : memref<10000x128xf32, #tpu.memory_space<vmem_shared>> -> memref<16x128xf32, #tpu.memory_space<vmem_shared>>
      %dma_wait3A_193 = arith.constant 9984 : i32
      %dma_wait3A_194 = arith.constant 0 : i32
      %dma_wait3A_195 = tpu.memref_slice %arg9[%dma_wait3A_193, %dma_wait3A_194] : memref<10000x128xf32, #tpu.memory_space<vmem_shared>> -> memref<16x128xf32, #tpu.memory_space<vmem_shared>>
      %dma_wait3A_196 = arith.constant 0 : i32
      %dma_wait3A_197 = arith.constant 0 : i32
      %dma_wait3A_198 = tpu.memref_slice %arg8[%dma_wait3A_185, %dma_wait3A_196, %dma_wait3A_197] : memref<2x125x128xf32, #tpu.memory_space<vmem>> -> memref<1x16x128xf32, #tpu.memory_space<vmem>>
      %dma_wait3A_199 = tpu.memref_squeeze %dma_wait3A_198 : memref<1x16x128xf32, #tpu.memory_space<vmem>> -> memref<16x128xf32, #tpu.memory_space<vmem>>
      tpu.wait_dma2 semaphore(%arg14 : memref<!tpu.dma_semaphore, #tpu.memory_space<semaphore_mem>>) src(%dma_wait3A_199 : memref<16x128xf32, #tpu.memory_space<vmem>>) dst(%dma_wait3A_195 : memref<16x128xf32, #tpu.memory_space<vmem_shared>>)
    } else {
    }
    %barrier3A = arith.constant 0 : index
    tpu.barrier barrier_id(%barrier3A)
    %scan3A_170 = arith.constant 0 : i32
    %scan3A_171 = arith.constant 5 : i32
    %scan3A_172 = arith.addi %scan3A_170, %scan3A_171 : i32
    %scan3A_173 = arith.constant 1 : i32
    scf.for %scan3A_185 = %scan3A_170 to %scan3A_172 step %scan3A_173  : i32 {
      %mul3A_186 = arith.constant 1 : i32
      %mul3A_187 = arith.muli %scan3A_185, %mul3A_186 : i32
      %add3A_188 = arith.constant 0 : i32
      %add3A_189 = arith.addi %add3A_188, %mul3A_187 : i32
      %mul3A_190 = arith.constant 5 : i32
      %mul3A_191 = arith.muli %add3A, %mul3A_190 : i32
      %add3A_192 = arith.addi %mul3A_191, %add3A_189 : i32
      %mul3A_193 = arith.constant 16 : i32
      %mul3A_194 = arith.muli %add3A_192, %mul3A_193 : i32
      "tpu.region"() ({
        %run_scoped3A = tpu.sem_alloc : memref<!tpu.dma_semaphore, #tpu.memory_space<semaphore_mem>>
        %dma_start3A_224 = arith.constant 0 : i32
        %dma_start3A_225 = tpu.memref_slice %arg3[%mul3A_194, %dma_start3A_224] : memref<2560x125xi32, #tpu.memory_space<hbm>> -> memref<16x125xi32, #tpu.memory_space<hbm>>
        %dma_start3A_226 = arith.constant 0 : i32
        %dma_start3A_227 = tpu.memref_slice %arg3[%mul3A_194, %dma_start3A_226] : memref<2560x125xi32, #tpu.memory_space<hbm>> -> memref<16x125xi32, #tpu.memory_space<hbm>>
        tpu.enqueue_dma source(%dma_start3A_227 : memref<16x125xi32, #tpu.memory_space<hbm>>) target(%arg6 : memref<16x125xi32, #tpu.memory_space<vmem>>) target_semaphore(%run_scoped3A : memref<!tpu.dma_semaphore, #tpu.memory_space<semaphore_mem>>)
        %dma_wait3A_228 = arith.constant 0 : i32
        %dma_wait3A_229 = tpu.memref_slice %arg3[%mul3A_194, %dma_wait3A_228] : memref<2560x125xi32, #tpu.memory_space<hbm>> -> memref<16x125xi32, #tpu.memory_space<hbm>>
        %dma_wait3A_230 = arith.constant 0 : i32
        %dma_wait3A_231 = tpu.memref_slice %arg3[%mul3A_194, %dma_wait3A_230] : memref<2560x125xi32, #tpu.memory_space<hbm>> -> memref<16x125xi32, #tpu.memory_space<hbm>>
        tpu.wait_dma2 semaphore(%run_scoped3A : memref<!tpu.dma_semaphore, #tpu.memory_space<semaphore_mem>>) src(%dma_wait3A_231 : memref<16x125xi32, #tpu.memory_space<hbm>>) dst(%arg6 : memref<16x125xi32, #tpu.memory_space<vmem>>)
        tpu.yield
      }) : () -> ()
      "tpu.region"() ({
        %run_scoped3A = tpu.sem_alloc : memref<!tpu.dma_semaphore, #tpu.memory_space<semaphore_mem>>
        %dma_start3A_224 = arith.constant 0 : i32
        %dma_start3A_225 = tpu.memref_slice %arg4[%mul3A_194, %dma_start3A_224] : memref<2560x125xi32, #tpu.memory_space<hbm>> -> memref<16x125xi32, #tpu.memory_space<hbm>>
        %dma_start3A_226 = arith.constant 0 : i32
        %dma_start3A_227 = tpu.memref_slice %arg4[%mul3A_194, %dma_start3A_226] : memref<2560x125xi32, #tpu.memory_space<hbm>> -> memref<16x125xi32, #tpu.memory_space<hbm>>
        tpu.enqueue_dma source(%dma_start3A_227 : memref<16x125xi32, #tpu.memory_space<hbm>>) target(%arg7 : memref<16x125xi32, #tpu.memory_space<vmem>>) target_semaphore(%run_scoped3A : memref<!tpu.dma_semaphore, #tpu.memory_space<semaphore_mem>>)
        %dma_wait3A_228 = arith.constant 0 : i32
        %dma_wait3A_229 = tpu.memref_slice %arg4[%mul3A_194, %dma_wait3A_228] : memref<2560x125xi32, #tpu.memory_space<hbm>> -> memref<16x125xi32, #tpu.memory_space<hbm>>
        %dma_wait3A_230 = arith.constant 0 : i32
        %dma_wait3A_231 = tpu.memref_slice %arg4[%mul3A_194, %dma_wait3A_230] : memref<2560x125xi32, #tpu.memory_space<hbm>> -> memref<16x125xi32, #tpu.memory_space<hbm>>
        tpu.wait_dma2 semaphore(%run_scoped3A : memref<!tpu.dma_semaphore, #tpu.memory_space<semaphore_mem>>) src(%dma_wait3A_231 : memref<16x125xi32, #tpu.memory_space<hbm>>) dst(%arg7 : memref<16x125xi32, #tpu.memory_space<vmem>>)
        tpu.yield
      }) : () -> ()
      %dma_start3A_195 = arith.constant 0 : i32
      %dma_start3A_196 = arith.constant 0 : i32
      %dma_start3A_197 = arith.constant 0 : i32
      %dma_start3A_198 = arith.constant 0 : i32
      %dma_start3A_199 = tpu.memref_slice %arg8[%dma_start3A_196, %dma_start3A_197, %dma_start3A_198] : memref<2x125x128xf32, #tpu.memory_space<vmem>> -> memref<1x125x128xf32, #tpu.memory_space<vmem>>
      %dma_start3A_200 = tpu.memref_squeeze %dma_start3A_199 : memref<1x125x128xf32, #tpu.memory_space<vmem>> -> memref<125x128xf32, #tpu.memory_space<vmem>>
      %dma_start3A_201 = arith.constant 0 : i32
      %dma_start3A_202 = tpu.memref_slice %arg6[%dma_start3A_195, %dma_start3A_201] : memref<16x125xi32, #tpu.memory_space<vmem>> -> memref<1x125xi32, #tpu.memory_space<vmem>>
      %dma_start3A_203 = tpu.memref_squeeze %dma_start3A_202 : memref<1x125xi32, #tpu.memory_space<vmem>> -> memref<125xi32, #tpu.memory_space<vmem>>
      %dma_start3A_204 = arith.constant 0 : i32
      %dma_start3A_205 = arith.constant 0 : i32
      %dma_start3A_206 = tpu.memref_slice %arg2[%dma_start3A_204, %dma_start3A_205] : memref<10000x128xf32, #tpu.memory_space<hbm>> -> memref<10000x128xf32, #tpu.memory_space<hbm>>
      tpu.enqueue_indirect_dma source(%dma_start3A_206 : memref<10000x128xf32, #tpu.memory_space<hbm>>) target(%dma_start3A_200 : memref<125x128xf32, #tpu.memory_space<vmem>>) offsets(%dma_start3A_203 : memref<125xi32, #tpu.memory_space<vmem>>) semaphore(%arg10 : memref<!tpu.dma_semaphore, #tpu.memory_space<semaphore_mem>>)
      %scan3A_207 = arith.constant 0 : i32
      %scan3A_208 = arith.constant 8 : i32
      %scan3A_209 = arith.addi %scan3A_207, %scan3A_208 : i32
      %scan3A_210 = arith.constant 1 : i32
      scf.for %scan3A_224 = %scan3A_207 to %scan3A_209 step %scan3A_210  : i32 {
        %mul3A_225 = arith.constant 1 : i32
        %mul3A_226 = arith.muli %scan3A_224, %mul3A_225 : i32
        %add3A_227 = arith.constant 0 : i32
        %add3A_228 = arith.addi %add3A_227, %mul3A_226 : i32
        %mul3A_229 = arith.constant 2 : i32
        %mul3A_230 = arith.muli %add3A_228, %mul3A_229 : i32
        %add3A_231 = arith.constant 0 : i32
        %add3A_232 = arith.addi %mul3A_230, %add3A_231 : i32
        %dma_wait3A_233 = arith.constant 0 : i32
        %dma_wait3A_234 = arith.constant 0 : i32
        %dma_wait3A_235 = arith.constant 0 : i32
        %dma_wait3A_236 = tpu.memref_slice %arg8[%dma_wait3A_233, %dma_wait3A_234, %dma_wait3A_235] : memref<2x125x128xf32, #tpu.memory_space<vmem>> -> memref<1x125x128xf32, #tpu.memory_space<vmem>>
        %dma_wait3A_237 = tpu.memref_squeeze %dma_wait3A_236 : memref<1x125x128xf32, #tpu.memory_space<vmem>> -> memref<125x128xf32, #tpu.memory_space<vmem>>
        %dma_wait3A_238 = arith.constant 0 : i32
        %dma_wait3A_239 = tpu.memref_slice %arg6[%add3A_232, %dma_wait3A_238] : memref<16x125xi32, #tpu.memory_space<vmem>> -> memref<1x125xi32, #tpu.memory_space<vmem>>
        %dma_wait3A_240 = tpu.memref_squeeze %dma_wait3A_239 : memref<1x125xi32, #tpu.memory_space<vmem>> -> memref<125xi32, #tpu.memory_space<vmem>>
        %dma_wait3A_241 = arith.constant 0 : i32
        %dma_wait3A_242 = arith.constant 0 : i32
        %dma_wait3A_243 = tpu.memref_slice %arg2[%dma_wait3A_241, %dma_wait3A_242] : memref<10000x128xf32, #tpu.memory_space<hbm>> -> memref<10000x128xf32, #tpu.memory_space<hbm>>
        tpu.wait_indirect_dma semaphore(%arg10 : memref<!tpu.dma_semaphore, #tpu.memory_space<semaphore_mem>>) src(%dma_wait3A_243 : memref<10000x128xf32, #tpu.memory_space<hbm>>) dst(%dma_wait3A_237 : memref<125x128xf32, #tpu.memory_space<vmem>>)
        %dma_start3A_244 = arith.constant 0 : i32
        %dma_start3A_245 = arith.constant 0 : i32
        %dma_start3A_246 = arith.constant 0 : i32
        %dma_start3A_247 = tpu.memref_slice %arg8[%dma_start3A_244, %dma_start3A_245, %dma_start3A_246] : memref<2x125x128xf32, #tpu.memory_space<vmem>> -> memref<1x125x128xf32, #tpu.memory_space<vmem>>
        %dma_start3A_248 = tpu.memref_squeeze %dma_start3A_247 : memref<1x125x128xf32, #tpu.memory_space<vmem>> -> memref<125x128xf32, #tpu.memory_space<vmem>>
        %dma_start3A_249 = arith.constant 0 : i32
        %dma_start3A_250 = tpu.memref_slice %arg7[%add3A_232, %dma_start3A_249] : memref<16x125xi32, #tpu.memory_space<vmem>> -> memref<1x125xi32, #tpu.memory_space<vmem>>
        %dma_start3A_251 = tpu.memref_squeeze %dma_start3A_250 : memref<1x125xi32, #tpu.memory_space<vmem>> -> memref<125xi32, #tpu.memory_space<vmem>>
        %dma_start3A_252 = arith.constant 0 : i32
        %dma_start3A_253 = arith.constant 0 : i32
        %dma_start3A_254 = tpu.memref_slice %arg9[%dma_start3A_252, %dma_start3A_253] : memref<10000x128xf32, #tpu.memory_space<vmem_shared>> -> memref<10000x128xf32, #tpu.memory_space<vmem_shared>>
        tpu.enqueue_indirect_dma source(%dma_start3A_248 : memref<125x128xf32, #tpu.memory_space<vmem>>) target(%dma_start3A_254 : memref<10000x128xf32, #tpu.memory_space<vmem_shared>>) offsets(%dma_start3A_251 : memref<125xi32, #tpu.memory_space<vmem>>) semaphore(%arg12 : memref<!tpu.dma_semaphore, #tpu.memory_space<semaphore_mem>>) {add = true}
        %ge3A = arith.constant 1 : i32
        %ge3A_255 = arith.cmpi sge, %add3A_232, %ge3A : i32
        %convert_element_type3A_256 = arith.extui %ge3A_255 : i1 to i32
        %cond3A_257 = arith.constant 0 : i32
        %cond3A_258 = arith.cmpi ne, %convert_element_type3A_256, %cond3A_257 : i32
        scf.if %cond3A_258 {
          %sub3A_316 = arith.constant 1 : i32
          %sub3A_317 = arith.subi %add3A_232, %sub3A_316 : i32
          %dma_wait3A_318 = arith.constant 1 : i32
          %dma_wait3A_319 = arith.constant 0 : i32
          %dma_wait3A_320 = arith.constant 0 : i32
          %dma_wait3A_321 = tpu.memref_slice %arg8[%dma_wait3A_318, %dma_wait3A_319, %dma_wait3A_320] : memref<2x125x128xf32, #tpu.memory_space<vmem>> -> memref<1x125x128xf32, #tpu.memory_space<vmem>>
          %dma_wait3A_322 = tpu.memref_squeeze %dma_wait3A_321 : memref<1x125x128xf32, #tpu.memory_space<vmem>> -> memref<125x128xf32, #tpu.memory_space<vmem>>
          %dma_wait3A_323 = arith.constant 0 : i32
          %dma_wait3A_324 = tpu.memref_slice %arg7[%sub3A_317, %dma_wait3A_323] : memref<16x125xi32, #tpu.memory_space<vmem>> -> memref<1x125xi32, #tpu.memory_space<vmem>>
          %dma_wait3A_325 = tpu.memref_squeeze %dma_wait3A_324 : memref<1x125xi32, #tpu.memory_space<vmem>> -> memref<125xi32, #tpu.memory_space<vmem>>
          %dma_wait3A_326 = arith.constant 0 : i32
          %dma_wait3A_327 = arith.constant 0 : i32
          %dma_wait3A_328 = tpu.memref_slice %arg9[%dma_wait3A_326, %dma_wait3A_327] : memref<10000x128xf32, #tpu.memory_space<vmem_shared>> -> memref<10000x128xf32, #tpu.memory_space<vmem_shared>>
          tpu.wait_indirect_dma semaphore(%arg13 : memref<!tpu.dma_semaphore, #tpu.memory_space<semaphore_mem>>) src(%dma_wait3A_322 : memref<125x128xf32, #tpu.memory_space<vmem>>) dst(%dma_wait3A_328 : memref<10000x128xf32, #tpu.memory_space<vmem_shared>>)
        } else {
        }
        %add3A_259 = arith.constant 1 : i32
        %add3A_260 = arith.addi %add3A_232, %add3A_259 : i32
        %dma_start3A_261 = arith.constant 1 : i32
        %dma_start3A_262 = arith.constant 0 : i32
        %dma_start3A_263 = arith.constant 0 : i32
        %dma_start3A_264 = tpu.memref_slice %arg8[%dma_start3A_261, %dma_start3A_262, %dma_start3A_263] : memref<2x125x128xf32, #tpu.memory_space<vmem>> -> memref<1x125x128xf32, #tpu.memory_space<vmem>>
        %dma_start3A_265 = tpu.memref_squeeze %dma_start3A_264 : memref<1x125x128xf32, #tpu.memory_space<vmem>> -> memref<125x128xf32, #tpu.memory_space<vmem>>
        %dma_start3A_266 = arith.constant 0 : i32
        %dma_start3A_267 = tpu.memref_slice %arg6[%add3A_260, %dma_start3A_266] : memref<16x125xi32, #tpu.memory_space<vmem>> -> memref<1x125xi32, #tpu.memory_space<vmem>>
        %dma_start3A_268 = tpu.memref_squeeze %dma_start3A_267 : memref<1x125xi32, #tpu.memory_space<vmem>> -> memref<125xi32, #tpu.memory_space<vmem>>
        %dma_start3A_269 = arith.constant 0 : i32
        %dma_start3A_270 = arith.constant 0 : i32
        %dma_start3A_271 = tpu.memref_slice %arg2[%dma_start3A_269, %dma_start3A_270] : memref<10000x128xf32, #tpu.memory_space<hbm>> -> memref<10000x128xf32, #tpu.memory_space<hbm>>
        tpu.enqueue_indirect_dma source(%dma_start3A_271 : memref<10000x128xf32, #tpu.memory_space<hbm>>) target(%dma_start3A_265 : memref<125x128xf32, #tpu.memory_space<vmem>>) offsets(%dma_start3A_268 : memref<125xi32, #tpu.memory_space<vmem>>) semaphore(%arg11 : memref<!tpu.dma_semaphore, #tpu.memory_space<semaphore_mem>>)
        %mul3A_272 = arith.constant 2 : i32
        %mul3A_273 = arith.muli %add3A_228, %mul3A_272 : i32
        %add3A_274 = arith.constant 1 : i32
        %add3A_275 = arith.addi %mul3A_273, %add3A_274 : i32
        %dma_wait3A_276 = arith.constant 1 : i32
        %dma_wait3A_277 = arith.constant 0 : i32
        %dma_wait3A_278 = arith.constant 0 : i32
        %dma_wait3A_279 = tpu.memref_slice %arg8[%dma_wait3A_276, %dma_wait3A_277, %dma_wait3A_278] : memref<2x125x128xf32, #tpu.memory_space<vmem>> -> memref<1x125x128xf32, #tpu.memory_space<vmem>>
        %dma_wait3A_280 = tpu.memref_squeeze %dma_wait3A_279 : memref<1x125x128xf32, #tpu.memory_space<vmem>> -> memref<125x128xf32, #tpu.memory_space<vmem>>
        %dma_wait3A_281 = arith.constant 0 : i32
        %dma_wait3A_282 = tpu.memref_slice %arg6[%add3A_275, %dma_wait3A_281] : memref<16x125xi32, #tpu.memory_space<vmem>> -> memref<1x125xi32, #tpu.memory_space<vmem>>
        %dma_wait3A_283 = tpu.memref_squeeze %dma_wait3A_282 : memref<1x125xi32, #tpu.memory_space<vmem>> -> memref<125xi32, #tpu.memory_space<vmem>>
        %dma_wait3A_284 = arith.constant 0 : i32
        %dma_wait3A_285 = arith.constant 0 : i32
        %dma_wait3A_286 = tpu.memref_slice %arg2[%dma_wait3A_284, %dma_wait3A_285] : memref<10000x128xf32, #tpu.memory_space<hbm>> -> memref<10000x128xf32, #tpu.memory_space<hbm>>
        tpu.wait_indirect_dma semaphore(%arg11 : memref<!tpu.dma_semaphore, #tpu.memory_space<semaphore_mem>>) src(%dma_wait3A_286 : memref<10000x128xf32, #tpu.memory_space<hbm>>) dst(%dma_wait3A_280 : memref<125x128xf32, #tpu.memory_space<vmem>>)
        %dma_start3A_287 = arith.constant 1 : i32
        %dma_start3A_288 = arith.constant 0 : i32
        %dma_start3A_289 = arith.constant 0 : i32
        %dma_start3A_290 = tpu.memref_slice %arg8[%dma_start3A_287, %dma_start3A_288, %dma_start3A_289] : memref<2x125x128xf32, #tpu.memory_space<vmem>> -> memref<1x125x128xf32, #tpu.memory_space<vmem>>
        %dma_start3A_291 = tpu.memref_squeeze %dma_start3A_290 : memref<1x125x128xf32, #tpu.memory_space<vmem>> -> memref<125x128xf32, #tpu.memory_space<vmem>>
        %dma_start3A_292 = arith.constant 0 : i32
        %dma_start3A_293 = tpu.memref_slice %arg7[%add3A_275, %dma_start3A_292] : memref<16x125xi32, #tpu.memory_space<vmem>> -> memref<1x125xi32, #tpu.memory_space<vmem>>
        %dma_start3A_294 = tpu.memref_squeeze %dma_start3A_293 : memref<1x125xi32, #tpu.memory_space<vmem>> -> memref<125xi32, #tpu.memory_space<vmem>>
        %dma_start3A_295 = arith.constant 0 : i32
        %dma_start3A_296 = arith.constant 0 : i32
        %dma_start3A_297 = tpu.memref_slice %arg9[%dma_start3A_295, %dma_start3A_296] : memref<10000x128xf32, #tpu.memory_space<vmem_shared>> -> memref<10000x128xf32, #tpu.memory_space<vmem_shared>>
        tpu.enqueue_indirect_dma source(%dma_start3A_291 : memref<125x128xf32, #tpu.memory_space<vmem>>) target(%dma_start3A_297 : memref<10000x128xf32, #tpu.memory_space<vmem_shared>>) offsets(%dma_start3A_294 : memref<125xi32, #tpu.memory_space<vmem>>) semaphore(%arg13 : memref<!tpu.dma_semaphore, #tpu.memory_space<semaphore_mem>>) {add = true}
        %sub3A = arith.constant 1 : i32
        %sub3A_298 = arith.subi %add3A_275, %sub3A : i32
        %dma_wait3A_299 = arith.constant 0 : i32
        %dma_wait3A_300 = arith.constant 0 : i32
        %dma_wait3A_301 = arith.constant 0 : i32
        %dma_wait3A_302 = tpu.memref_slice %arg8[%dma_wait3A_299, %dma_wait3A_300, %dma_wait3A_301] : memref<2x125x128xf32, #tpu.memory_space<vmem>> -> memref<1x125x128xf32, #tpu.memory_space<vmem>>
        %dma_wait3A_303 = tpu.memref_squeeze %dma_wait3A_302 : memref<1x125x128xf32, #tpu.memory_space<vmem>> -> memref<125x128xf32, #tpu.memory_space<vmem>>
        %dma_wait3A_304 = arith.constant 0 : i32
        %dma_wait3A_305 = tpu.memref_slice %arg7[%sub3A_298, %dma_wait3A_304] : memref<16x125xi32, #tpu.memory_space<vmem>> -> memref<1x125xi32, #tpu.memory_space<vmem>>
        %dma_wait3A_306 = tpu.memref_squeeze %dma_wait3A_305 : memref<1x125xi32, #tpu.memory_space<vmem>> -> memref<125xi32, #tpu.memory_space<vmem>>
        %dma_wait3A_307 = arith.constant 0 : i32
        %dma_wait3A_308 = arith.constant 0 : i32
        %dma_wait3A_309 = tpu.memref_slice %arg9[%dma_wait3A_307, %dma_wait3A_308] : memref<10000x128xf32, #tpu.memory_space<vmem_shared>> -> memref<10000x128xf32, #tpu.memory_space<vmem_shared>>
        tpu.wait_indirect_dma semaphore(%arg12 : memref<!tpu.dma_semaphore, #tpu.memory_space<semaphore_mem>>) src(%dma_wait3A_303 : memref<125x128xf32, #tpu.memory_space<vmem>>) dst(%dma_wait3A_309 : memref<10000x128xf32, #tpu.memory_space<vmem_shared>>)
        %add3A_310 = arith.constant 1 : i32
        %add3A_311 = arith.addi %add3A_275, %add3A_310 : i32
        %lt3A = arith.constant 16 : i32
        %lt3A_312 = arith.cmpi slt, %add3A_311, %lt3A : i32
        %convert_element_type3A_313 = arith.extui %lt3A_312 : i1 to i32
        %cond3A_314 = arith.constant 0 : i32
        %cond3A_315 = arith.cmpi ne, %convert_element_type3A_313, %cond3A_314 : i32
        scf.if %cond3A_315 {
          %add3A_316 = arith.constant 1 : i32
          %add3A_317 = arith.addi %add3A_275, %add3A_316 : i32
          %dma_start3A_318 = arith.constant 0 : i32
          %dma_start3A_319 = arith.constant 0 : i32
          %dma_start3A_320 = arith.constant 0 : i32
          %dma_start3A_321 = tpu.memref_slice %arg8[%dma_start3A_318, %dma_start3A_319, %dma_start3A_320] : memref<2x125x128xf32, #tpu.memory_space<vmem>> -> memref<1x125x128xf32, #tpu.memory_space<vmem>>
          %dma_start3A_322 = tpu.memref_squeeze %dma_start3A_321 : memref<1x125x128xf32, #tpu.memory_space<vmem>> -> memref<125x128xf32, #tpu.memory_space<vmem>>
          %dma_start3A_323 = arith.constant 0 : i32
          %dma_start3A_324 = tpu.memref_slice %arg6[%add3A_317, %dma_start3A_323] : memref<16x125xi32, #tpu.memory_space<vmem>> -> memref<1x125xi32, #tpu.memory_space<vmem>>
          %dma_start3A_325 = tpu.memref_squeeze %dma_start3A_324 : memref<1x125xi32, #tpu.memory_space<vmem>> -> memref<125xi32, #tpu.memory_space<vmem>>
          %dma_start3A_326 = arith.constant 0 : i32
          %dma_start3A_327 = arith.constant 0 : i32
          %dma_start3A_328 = tpu.memref_slice %arg2[%dma_start3A_326, %dma_start3A_327] : memref<10000x128xf32, #tpu.memory_space<hbm>> -> memref<10000x128xf32, #tpu.memory_space<hbm>>
          tpu.enqueue_indirect_dma source(%dma_start3A_328 : memref<10000x128xf32, #tpu.memory_space<hbm>>) target(%dma_start3A_322 : memref<125x128xf32, #tpu.memory_space<vmem>>) offsets(%dma_start3A_325 : memref<125xi32, #tpu.memory_space<vmem>>) semaphore(%arg10 : memref<!tpu.dma_semaphore, #tpu.memory_space<semaphore_mem>>)
        } else {
        }
      }
      %scan3A_211 = arith.constant 8 : i32
      %dma_wait3A_212 = arith.constant 1 : i32
      %dma_wait3A_213 = arith.constant 15 : i32
      %dma_wait3A_214 = arith.constant 0 : i32
      %dma_wait3A_215 = arith.constant 0 : i32
      %dma_wait3A_216 = tpu.memref_slice %arg8[%dma_wait3A_212, %dma_wait3A_214, %dma_wait3A_215] : memref<2x125x128xf32, #tpu.memory_space<vmem>> -> memref<1x125x128xf32, #tpu.memory_space<vmem>>
      %dma_wait3A_217 = tpu.memref_squeeze %dma_wait3A_216 : memref<1x125x128xf32, #tpu.memory_space<vmem>> -> memref<125x128xf32, #tpu.memory_space<vmem>>
      %dma_wait3A_218 = arith.constant 0 : i32
      %dma_wait3A_219 = tpu.memref_slice %arg7[%dma_wait3A_213, %dma_wait3A_218] : memref<16x125xi32, #tpu.memory_space<vmem>> -> memref<1x125xi32, #tpu.memory_space<vmem>>
      %dma_wait3A_220 = tpu.memref_squeeze %dma_wait3A_219 : memref<1x125xi32, #tpu.memory_space<vmem>> -> memref<125xi32, #tpu.memory_space<vmem>>
      %dma_wait3A_221 = arith.constant 0 : i32
      %dma_wait3A_222 = arith.constant 0 : i32
      %dma_wait3A_223 = tpu.memref_slice %arg9[%dma_wait3A_221, %dma_wait3A_222] : memref<10000x128xf32, #tpu.memory_space<vmem_shared>> -> memref<10000x128xf32, #tpu.memory_space<vmem_shared>>
      tpu.wait_indirect_dma semaphore(%arg13 : memref<!tpu.dma_semaphore, #tpu.memory_space<semaphore_mem>>) src(%dma_wait3A_217 : memref<125x128xf32, #tpu.memory_space<vmem>>) dst(%dma_wait3A_223 : memref<10000x128xf32, #tpu.memory_space<vmem_shared>>)
    }
    %scan3A_174 = arith.constant 5 : i32
    %barrier3A_175 = arith.constant 0 : index
    tpu.barrier barrier_id(%barrier3A_175)
    %mul3A_176 = arith.constant 624 : i32
    %mul3A_177 = arith.muli %arg1, %mul3A_176 : i32
    %mul3A_178 = arith.constant 624 : i32
    %mul3A_179 = arith.muli %arg1, %mul3A_178 : i32
    "tpu.region"() ({
      %run_scoped3A = tpu.sem_alloc : memref<!tpu.dma_semaphore, #tpu.memory_space<semaphore_mem>>
      %dma_start3A_185 = arith.constant 0 : i32
      %dma_start3A_186 = tpu.memref_slice %arg5[%arg0, %mul3A_179, %dma_start3A_185] : memref<2x10000x128xf32, #tpu.memory_space<hbm>> -> memref<1x624x128xf32, #tpu.memory_space<hbm>>
      %dma_start3A_187 = tpu.memref_squeeze %dma_start3A_186 : memref<1x624x128xf32, #tpu.memory_space<hbm>> -> memref<624x128xf32, #tpu.memory_space<hbm>>
      %dma_start3A_188 = arith.constant 0 : i32
      %dma_start3A_189 = tpu.memref_slice %arg9[%mul3A_177, %dma_start3A_188] : memref<10000x128xf32, #tpu.memory_space<vmem_shared>> -> memref<624x128xf32, #tpu.memory_space<vmem_shared>>
      tpu.enqueue_dma source(%dma_start3A_189 : memref<624x128xf32, #tpu.memory_space<vmem_shared>>) target(%dma_start3A_187 : memref<624x128xf32, #tpu.memory_space<hbm>>) target_semaphore(%run_scoped3A : memref<!tpu.dma_semaphore, #tpu.memory_space<semaphore_mem>>)
      %dma_wait3A_190 = arith.constant 0 : i32
      %dma_wait3A_191 = tpu.memref_slice %arg5[%arg0, %mul3A_179, %dma_wait3A_190] : memref<2x10000x128xf32, #tpu.memory_space<hbm>> -> memref<1x624x128xf32, #tpu.memory_space<hbm>>
      %dma_wait3A_192 = tpu.memref_squeeze %dma_wait3A_191 : memref<1x624x128xf32, #tpu.memory_space<hbm>> -> memref<624x128xf32, #tpu.memory_space<hbm>>
      %dma_wait3A_193 = arith.constant 0 : i32
      %dma_wait3A_194 = tpu.memref_slice %arg9[%mul3A_177, %dma_wait3A_193] : memref<10000x128xf32, #tpu.memory_space<vmem_shared>> -> memref<624x128xf32, #tpu.memory_space<vmem_shared>>
      tpu.wait_dma2 semaphore(%run_scoped3A : memref<!tpu.dma_semaphore, #tpu.memory_space<semaphore_mem>>) src(%dma_wait3A_194 : memref<624x128xf32, #tpu.memory_space<vmem_shared>>) dst(%dma_wait3A_192 : memref<624x128xf32, #tpu.memory_space<hbm>>)
      tpu.yield
    }) : () -> ()
    %eq3A_180 = arith.constant 0 : i32
    %eq3A_181 = arith.cmpi eq, %arg1, %eq3A_180 : i32
    %convert_element_type3A_182 = arith.extui %eq3A_181 : i1 to i32
    %cond3A_183 = arith.constant 0 : i32
    %cond3A_184 = arith.cmpi ne, %convert_element_type3A_182, %cond3A_183 : i32
    scf.if %cond3A_184 {
      "tpu.region"() ({
        %run_scoped3A = tpu.sem_alloc : memref<!tpu.dma_semaphore, #tpu.memory_space<semaphore_mem>>
        %dma_start3A_185 = arith.constant 9984 : i32
        %dma_start3A_186 = arith.constant 0 : i32
        %dma_start3A_187 = tpu.memref_slice %arg5[%arg0, %dma_start3A_185, %dma_start3A_186] : memref<2x10000x128xf32, #tpu.memory_space<hbm>> -> memref<1x16x128xf32, #tpu.memory_space<hbm>>
        %dma_start3A_188 = tpu.memref_squeeze %dma_start3A_187 : memref<1x16x128xf32, #tpu.memory_space<hbm>> -> memref<16x128xf32, #tpu.memory_space<hbm>>
        %dma_start3A_189 = arith.constant 9984 : i32
        %dma_start3A_190 = arith.constant 0 : i32
        %dma_start3A_191 = tpu.memref_slice %arg9[%dma_start3A_189, %dma_start3A_190] : memref<10000x128xf32, #tpu.memory_space<vmem_shared>> -> memref<16x128xf32, #tpu.memory_space<vmem_shared>>
        tpu.enqueue_dma source(%dma_start3A_191 : memref<16x128xf32, #tpu.memory_space<vmem_shared>>) target(%dma_start3A_188 : memref<16x128xf32, #tpu.memory_space<hbm>>) target_semaphore(%run_scoped3A : memref<!tpu.dma_semaphore, #tpu.memory_space<semaphore_mem>>)
        %dma_wait3A_192 = arith.constant 9984 : i32
        %dma_wait3A_193 = arith.constant 0 : i32
        %dma_wait3A_194 = tpu.memref_slice %arg5[%arg0, %dma_wait3A_192, %dma_wait3A_193] : memref<2x10000x128xf32, #tpu.memory_space<hbm>> -> memref<1x16x128xf32, #tpu.memory_space<hbm>>
        %dma_wait3A_195 = tpu.memref_squeeze %dma_wait3A_194 : memref<1x16x128xf32, #tpu.memory_space<hbm>> -> memref<16x128xf32, #tpu.memory_space<hbm>>
        %dma_wait3A_196 = arith.constant 9984 : i32
        %dma_wait3A_197 = arith.constant 0 : i32
        %dma_wait3A_198 = tpu.memref_slice %arg9[%dma_wait3A_196, %dma_wait3A_197] : memref<10000x128xf32, #tpu.memory_space<vmem_shared>> -> memref<16x128xf32, #tpu.memory_space<vmem_shared>>
        tpu.wait_dma2 semaphore(%run_scoped3A : memref<!tpu.dma_semaphore, #tpu.memory_space<semaphore_mem>>) src(%dma_wait3A_198 : memref<16x128xf32, #tpu.memory_space<vmem_shared>>) dst(%dma_wait3A_195 : memref<16x128xf32, #tpu.memory_space<hbm>>)
        tpu.yield
      }) : () -> ()
    } else {
    }
    return
  }
}

module attributes {stable_mosaic.version = 14 : i64} {
  func.func @_mlp_body(%arg0: i32, %arg1: memref<1000x128xf32, #tpu.memory_space<vmem>>, %arg2: memref<2x1000x128xf32, #tpu.memory_space<vmem>>, %arg3: memref<128x128xf32, #tpu.memory_space<vmem>>, %arg4: memref<1x128xf32, #tpu.memory_space<vmem>>, %arg5: memref<1x128xf32, #tpu.memory_space<vmem>>, %arg6: memref<1x128xf32, #tpu.memory_space<vmem>>, %arg7: memref<128x128xf32, #tpu.memory_space<vmem>>, %arg8: memref<1x128xf32, #tpu.memory_space<vmem>>, %arg9: memref<1000x128xf32, #tpu.memory_space<vmem>>) attributes {dimension_semantics = [#tpu.dimension_semantics<arbitrary>], iteration_bounds = array<i64: 10>, scalar_prefetch = 0 : i64, scratch_operands = 0 : i64, tpu.core_type = #tpu.core_type<tc>, window_params = [{transform_indices = @transform_0, window_bounds = array<i64: 1000, 128>}, {transform_indices = @transform_1, window_bounds = array<i64: 2, 1000, 128>}, {pipeline_mode = #tpu.pipeline_mode<synchronous>, transform_indices = @transform_2, window_bounds = array<i64: 128, 128>}, {pipeline_mode = #tpu.pipeline_mode<synchronous>, transform_indices = @transform_3, window_bounds = array<i64: 1, 128>}, {pipeline_mode = #tpu.pipeline_mode<synchronous>, transform_indices = @transform_4, window_bounds = array<i64: 1, 128>}, {pipeline_mode = #tpu.pipeline_mode<synchronous>, transform_indices = @transform_5, window_bounds = array<i64: 1, 128>}, {pipeline_mode = #tpu.pipeline_mode<synchronous>, transform_indices = @transform_6, window_bounds = array<i64: 128, 128>}, {pipeline_mode = #tpu.pipeline_mode<synchronous>, transform_indices = @transform_7, window_bounds = array<i64: 1, 128>}, {transform_indices = @transform_8, window_bounds = array<i64: 1000, 128>}]} {
    %get3A = arith.constant 0 : index
    %get3A_0 = arith.constant 0 : index
    %get3A_1 = vector.load %arg1[%get3A, %get3A_0] : memref<1000x128xf32, #tpu.memory_space<vmem>>, vector<1000x128xf32>
    %get3A_2 = arith.constant 0 : index
    %get3A_3 = arith.constant 0 : index
    %get3A_4 = arith.constant 0 : index
    %get3A_5 = vector.load %arg2[%get3A_2, %get3A_3, %get3A_4] : memref<2x1000x128xf32, #tpu.memory_space<vmem>>, vector<1x1000x128xf32>
    %get3A_6 = vector.shape_cast %get3A_5 : vector<1x1000x128xf32> to vector<1000x128xf32>
    %add3A = arith.addf %get3A_1, %get3A_6 : vector<1000x128xf32>
    %get3A_7 = arith.constant 1 : index
    %get3A_8 = arith.constant 0 : index
    %get3A_9 = arith.constant 0 : index
    %get3A_10 = vector.load %arg2[%get3A_7, %get3A_8, %get3A_9] : memref<2x1000x128xf32, #tpu.memory_space<vmem>>, vector<1x1000x128xf32>
    %get3A_11 = vector.shape_cast %get3A_10 : vector<1x1000x128xf32> to vector<1000x128xf32>
    %add3A_12 = arith.addf %add3A, %get3A_11 : vector<1000x128xf32>
    %get3A_13 = arith.constant 0 : index
    %get3A_14 = arith.constant 0 : index
    %get3A_15 = vector.load %arg3[%get3A_13, %get3A_14] : memref<128x128xf32, #tpu.memory_space<vmem>>, vector<128x128xf32>
    %dot_general3A = arith.constant dense<0.000000e+00> : vector<1000x128xf32>
    %dot_general3A_16 = tpu.matmul %add3A_12, %get3A_15, %dot_general3A {dimension_numbers = #tpu.dot_dimension_numbers<[1], [1], [0], [0], [0, 0, 1, 0], [], []>, transpose_lhs_hint = false} : vector<1000x128xf32>, vector<128x128xf32>, vector<1000x128xf32> -> vector<1000x128xf32>
    %sqrt3A = arith.constant 1.000010e+00 : f32
    %sqrt3A_17 = math.sqrt %sqrt3A : f32
    %div3A = arith.constant 1.000000e+00 : f32
    %div3A_18 = arith.divf %div3A, %sqrt3A_17 : f32
    %get3A_19 = arith.constant 0 : index
    %get3A_20 = arith.constant 0 : index
    %get3A_21 = vector.load %arg5[%get3A_19, %get3A_20] : memref<1x128xf32, #tpu.memory_space<vmem>>, vector<1x128xf32>
    %mul3A = vector.broadcast %div3A_18 : f32 to vector<1x128xf32>
    %mul3A_22 = arith.mulf %get3A_21, %mul3A : vector<1x128xf32>
    %mul3A_23 = vector.broadcast %mul3A_22 : vector<1x128xf32> to vector<1000x128xf32>
    %mul3A_24 = arith.mulf %dot_general3A_16, %mul3A_23 : vector<1000x128xf32>
    %get3A_25 = arith.constant 0 : index
    %get3A_26 = arith.constant 0 : index
    %get3A_27 = vector.load %arg4[%get3A_25, %get3A_26] : memref<1x128xf32, #tpu.memory_space<vmem>>, vector<1x128xf32>
    %mul3A_28 = arith.mulf %get3A_27, %mul3A_22 : vector<1x128xf32>
    %get3A_29 = arith.constant 0 : index
    %get3A_30 = arith.constant 0 : index
    %get3A_31 = vector.load %arg6[%get3A_29, %get3A_30] : memref<1x128xf32, #tpu.memory_space<vmem>>, vector<1x128xf32>
    %add3A_32 = arith.addf %mul3A_28, %get3A_31 : vector<1x128xf32>
    %add3A_33 = vector.broadcast %add3A_32 : vector<1x128xf32> to vector<1000x128xf32>
    %add3A_34 = arith.addf %mul3A_24, %add3A_33 : vector<1000x128xf32>
    %max3A = arith.constant 0.000000e+00 : f32
    %max3A_35 = vector.broadcast %max3A : f32 to vector<1000x128xf32>
    %max3A_36 = arith.maximumf %add3A_34, %max3A_35 : vector<1000x128xf32>
    %get3A_37 = arith.constant 0 : index
    %get3A_38 = arith.constant 0 : index
    %get3A_39 = vector.load %arg7[%get3A_37, %get3A_38] : memref<128x128xf32, #tpu.memory_space<vmem>>, vector<128x128xf32>
    %dot_general3A_40 = arith.constant dense<0.000000e+00> : vector<1000x128xf32>
    %dot_general3A_41 = tpu.matmul %max3A_36, %get3A_39, %dot_general3A_40 {dimension_numbers = #tpu.dot_dimension_numbers<[1], [1], [0], [0], [0, 0, 1, 0], [], []>, transpose_lhs_hint = false} : vector<1000x128xf32>, vector<128x128xf32>, vector<1000x128xf32> -> vector<1000x128xf32>
    %get3A_42 = arith.constant 0 : index
    %get3A_43 = arith.constant 0 : index
    %get3A_44 = vector.load %arg8[%get3A_42, %get3A_43] : memref<1x128xf32, #tpu.memory_space<vmem>>, vector<1x128xf32>
    %add3A_45 = vector.broadcast %get3A_44 : vector<1x128xf32> to vector<1000x128xf32>
    %add3A_46 = arith.addf %dot_general3A_41, %add3A_45 : vector<1000x128xf32>
    %max3A_47 = arith.constant 0.000000e+00 : f32
    %max3A_48 = vector.broadcast %max3A_47 : f32 to vector<1000x128xf32>
    %max3A_49 = arith.maximumf %add3A_46, %max3A_48 : vector<1000x128xf32>
    %swap3A = arith.constant 0 : index
    %swap3A_50 = arith.constant 0 : index
    %swap3A_51 = vector.load %arg9[%swap3A, %swap3A_50] : memref<1000x128xf32, #tpu.memory_space<vmem>>, vector<1000x128xf32>
    tpu.vector_store %arg9[%swap3A, %swap3A_50], %max3A_49 {strides = array<i32>} : memref<1000x128xf32, #tpu.memory_space<vmem>>, vector<1000x128xf32>,
    return
  }
  func.func @transform_0(%arg0: i32) -> (i32, i32) {
    %c0_i32 = arith.constant 0 : i32
    %c0_i32_0 = arith.constant 0 : i32
    return %arg0, %c0_i32 : i32, i32
  }
  func.func @transform_1(%arg0: i32) -> (i32, i32, i32) {
    %c0_i32 = arith.constant 0 : i32
    %c0_i32_0 = arith.constant 0 : i32
    %c0_i32_1 = arith.constant 0 : i32
    return %c0_i32, %arg0, %c0_i32_0 : i32, i32, i32
  }
  func.func @transform_2(%arg0: i32) -> (i32, i32) {
    %c0_i32 = arith.constant 0 : i32
    %c0_i32_0 = arith.constant 0 : i32
    %c0_i32_1 = arith.constant 0 : i32
    return %c0_i32, %c0_i32_0 : i32, i32
  }
  func.func @transform_3(%arg0: i32) -> (i32, i32) {
    %c0_i32 = arith.constant 0 : i32
    %c0_i32_0 = arith.constant 0 : i32
    %c0_i32_1 = arith.constant 0 : i32
    return %c0_i32, %c0_i32_0 : i32, i32
  }
  func.func @transform_4(%arg0: i32) -> (i32, i32) {
    %c0_i32 = arith.constant 0 : i32
    %c0_i32_0 = arith.constant 0 : i32
    %c0_i32_1 = arith.constant 0 : i32
    return %c0_i32, %c0_i32_0 : i32, i32
  }
  func.func @transform_5(%arg0: i32) -> (i32, i32) {
    %c0_i32 = arith.constant 0 : i32
    %c0_i32_0 = arith.constant 0 : i32
    %c0_i32_1 = arith.constant 0 : i32
    return %c0_i32, %c0_i32_0 : i32, i32
  }
  func.func @transform_6(%arg0: i32) -> (i32, i32) {
    %c0_i32 = arith.constant 0 : i32
    %c0_i32_0 = arith.constant 0 : i32
    %c0_i32_1 = arith.constant 0 : i32
    return %c0_i32, %c0_i32_0 : i32, i32
  }
  func.func @transform_7(%arg0: i32) -> (i32, i32) {
    %c0_i32 = arith.constant 0 : i32
    %c0_i32_0 = arith.constant 0 : i32
    %c0_i32_1 = arith.constant 0 : i32
    return %c0_i32, %c0_i32_0 : i32, i32
  }
  func.func @transform_8(%arg0: i32) -> (i32, i32) {
    %c0_i32 = arith.constant 0 : i32
    %c0_i32_0 = arith.constant 0 : i32
    return %arg0, %c0_i32 : i32, i32
  }
}

module attributes {stable_mosaic.version = 14 : i64} {
  func.func @_mlp_pool_body(%arg0: i32, %arg1: memref<10000xi32, #tpu.memory_space<smem>>, %arg2: memref<1000x128xf32, #tpu.memory_space<vmem>>, %arg3: memref<2x1000x128xf32, #tpu.memory_space<vmem>>, %arg4: memref<128x128xf32, #tpu.memory_space<vmem>>, %arg5: memref<1x128xf32, #tpu.memory_space<vmem>>, %arg6: memref<1x128xf32, #tpu.memory_space<vmem>>, %arg7: memref<1x128xf32, #tpu.memory_space<vmem>>, %arg8: memref<128x128xf32, #tpu.memory_space<vmem>>, %arg9: memref<1x128xf32, #tpu.memory_space<vmem>>, %arg10: memref<5x128xf32, #tpu.memory_space<vmem>>, %arg11: memref<1x5xf32, #tpu.memory_space<vmem>>, %arg12: memref<64x5xf32, #tpu.memory_space<vmem>>, %arg13: memref<64x128xf32, #tpu.memory_space<vmem>>) attributes {dimension_semantics = [#tpu.dimension_semantics<arbitrary>], iteration_bounds = array<i64: 10>, scalar_prefetch = 1 : i64, scratch_operands = 1 : i64, tpu.core_type = #tpu.core_type<tc>, window_params = [{transform_indices = @transform_0, window_bounds = array<i64: 1000, 128>}, {transform_indices = @transform_1, window_bounds = array<i64: 2, 1000, 128>}, {pipeline_mode = #tpu.pipeline_mode<synchronous>, transform_indices = @transform_2, window_bounds = array<i64: 128, 128>}, {pipeline_mode = #tpu.pipeline_mode<synchronous>, transform_indices = @transform_3, window_bounds = array<i64: 1, 128>}, {pipeline_mode = #tpu.pipeline_mode<synchronous>, transform_indices = @transform_4, window_bounds = array<i64: 1, 128>}, {pipeline_mode = #tpu.pipeline_mode<synchronous>, transform_indices = @transform_5, window_bounds = array<i64: 1, 128>}, {pipeline_mode = #tpu.pipeline_mode<synchronous>, transform_indices = @transform_6, window_bounds = array<i64: 128, 128>}, {pipeline_mode = #tpu.pipeline_mode<synchronous>, transform_indices = @transform_7, window_bounds = array<i64: 1, 128>}, {pipeline_mode = #tpu.pipeline_mode<synchronous>, transform_indices = @transform_8, window_bounds = array<i64: 5, 128>}, {pipeline_mode = #tpu.pipeline_mode<synchronous>, transform_indices = @transform_9, window_bounds = array<i64: 1, 5>}, {pipeline_mode = #tpu.pipeline_mode<synchronous>, transform_indices = @transform_10, window_bounds = array<i64: 64, 5>}]} {
    %eq3A = arith.constant 0 : i32
    %eq3A_0 = arith.cmpi eq, %arg0, %eq3A : i32
    %convert_element_type3A = arith.extui %eq3A_0 : i1 to i32
    %cond3A = arith.constant 0 : i32
    %cond3A_1 = arith.cmpi ne, %convert_element_type3A, %cond3A : i32
    scf.if %cond3A_1 {
      %broadcast_in_dim3A = arith.constant 0xFF800000 : f32
      %broadcast_in_dim3A_78 = vector.broadcast %broadcast_in_dim3A : f32 to vector<64x128xf32>
      %swap3A = arith.constant 0 : index
      %swap3A_79 = arith.constant 0 : index
      %swap3A_80 = vector.load %arg13[%swap3A, %swap3A_79] : memref<64x128xf32, #tpu.memory_space<vmem>>, vector<64x128xf32>
      tpu.vector_store %arg13[%swap3A, %swap3A_79], %broadcast_in_dim3A_78 {strides = array<i32>} : memref<64x128xf32, #tpu.memory_space<vmem>>, vector<64x128xf32>,
    } else {
    }
    %get3A = arith.constant 0 : index
    %get3A_2 = arith.constant 0 : index
    %get3A_3 = vector.load %arg2[%get3A, %get3A_2] : memref<1000x128xf32, #tpu.memory_space<vmem>>, vector<1000x128xf32>
    %get3A_4 = arith.constant 0 : index
    %get3A_5 = arith.constant 0 : index
    %get3A_6 = arith.constant 0 : index
    %get3A_7 = vector.load %arg3[%get3A_4, %get3A_5, %get3A_6] : memref<2x1000x128xf32, #tpu.memory_space<vmem>>, vector<1x1000x128xf32>
    %get3A_8 = vector.shape_cast %get3A_7 : vector<1x1000x128xf32> to vector<1000x128xf32>
    %add3A = arith.addf %get3A_3, %get3A_8 : vector<1000x128xf32>
    %get3A_9 = arith.constant 1 : index
    %get3A_10 = arith.constant 0 : index
    %get3A_11 = arith.constant 0 : index
    %get3A_12 = vector.load %arg3[%get3A_9, %get3A_10, %get3A_11] : memref<2x1000x128xf32, #tpu.memory_space<vmem>>, vector<1x1000x128xf32>
    %get3A_13 = vector.shape_cast %get3A_12 : vector<1x1000x128xf32> to vector<1000x128xf32>
    %add3A_14 = arith.addf %add3A, %get3A_13 : vector<1000x128xf32>
    %get3A_15 = arith.constant 0 : index
    %get3A_16 = arith.constant 0 : index
    %get3A_17 = vector.load %arg4[%get3A_15, %get3A_16] : memref<128x128xf32, #tpu.memory_space<vmem>>, vector<128x128xf32>
    %dot_general3A = arith.constant dense<0.000000e+00> : vector<1000x128xf32>
    %dot_general3A_18 = tpu.matmul %add3A_14, %get3A_17, %dot_general3A {dimension_numbers = #tpu.dot_dimension_numbers<[1], [1], [0], [0], [0, 0, 1, 0], [], []>, transpose_lhs_hint = false} : vector<1000x128xf32>, vector<128x128xf32>, vector<1000x128xf32> -> vector<1000x128xf32>
    %sqrt3A = arith.constant 1.000010e+00 : f32
    %sqrt3A_19 = math.sqrt %sqrt3A : f32
    %div3A = arith.constant 1.000000e+00 : f32
    %div3A_20 = arith.divf %div3A, %sqrt3A_19 : f32
    %get3A_21 = arith.constant 0 : index
    %get3A_22 = arith.constant 0 : index
    %get3A_23 = vector.load %arg6[%get3A_21, %get3A_22] : memref<1x128xf32, #tpu.memory_space<vmem>>, vector<1x128xf32>
    %mul3A = vector.broadcast %div3A_20 : f32 to vector<1x128xf32>
    %mul3A_24 = arith.mulf %get3A_23, %mul3A : vector<1x128xf32>
    %mul3A_25 = vector.broadcast %mul3A_24 : vector<1x128xf32> to vector<1000x128xf32>
    %mul3A_26 = arith.mulf %dot_general3A_18, %mul3A_25 : vector<1000x128xf32>
    %get3A_27 = arith.constant 0 : index
    %get3A_28 = arith.constant 0 : index
    %get3A_29 = vector.load %arg5[%get3A_27, %get3A_28] : memref<1x128xf32, #tpu.memory_space<vmem>>, vector<1x128xf32>
    %mul3A_30 = arith.mulf %get3A_29, %mul3A_24 : vector<1x128xf32>
    %get3A_31 = arith.constant 0 : index
    %get3A_32 = arith.constant 0 : index
    %get3A_33 = vector.load %arg7[%get3A_31, %get3A_32] : memref<1x128xf32, #tpu.memory_space<vmem>>, vector<1x128xf32>
    %add3A_34 = arith.addf %mul3A_30, %get3A_33 : vector<1x128xf32>
    %add3A_35 = vector.broadcast %add3A_34 : vector<1x128xf32> to vector<1000x128xf32>
    %add3A_36 = arith.addf %mul3A_26, %add3A_35 : vector<1000x128xf32>
    %max3A = arith.constant 0.000000e+00 : f32
    %max3A_37 = vector.broadcast %max3A : f32 to vector<1000x128xf32>
    %max3A_38 = arith.maximumf %add3A_36, %max3A_37 : vector<1000x128xf32>
    %get3A_39 = arith.constant 0 : index
    %get3A_40 = arith.constant 0 : index
    %get3A_41 = vector.load %arg8[%get3A_39, %get3A_40] : memref<128x128xf32, #tpu.memory_space<vmem>>, vector<128x128xf32>
    %dot_general3A_42 = arith.constant dense<0.000000e+00> : vector<1000x128xf32>
    %dot_general3A_43 = tpu.matmul %max3A_38, %get3A_41, %dot_general3A_42 {dimension_numbers = #tpu.dot_dimension_numbers<[1], [1], [0], [0], [0, 0, 1, 0], [], []>, transpose_lhs_hint = false} : vector<1000x128xf32>, vector<128x128xf32>, vector<1000x128xf32> -> vector<1000x128xf32>
    %get3A_44 = arith.constant 0 : index
    %get3A_45 = arith.constant 0 : index
    %get3A_46 = vector.load %arg9[%get3A_44, %get3A_45] : memref<1x128xf32, #tpu.memory_space<vmem>>, vector<1x128xf32>
    %add3A_47 = vector.broadcast %get3A_46 : vector<1x128xf32> to vector<1000x128xf32>
    %add3A_48 = arith.addf %dot_general3A_43, %add3A_47 : vector<1000x128xf32>
    %max3A_49 = arith.constant 0.000000e+00 : f32
    %max3A_50 = vector.broadcast %max3A_49 : f32 to vector<1000x128xf32>
    %max3A_51 = arith.maximumf %add3A_48, %max3A_50 : vector<1000x128xf32>
    %mul3A_52 = arith.constant 1000 : i32
    %mul3A_53 = arith.muli %arg0, %mul3A_52 : i32
    %get3A_54 = arith.index_cast %mul3A_53 : i32 to index
    %get3A_55 = memref.load %arg1[%get3A_54] : memref<10000xi32, #tpu.memory_space<smem>>
    %add3A_56 = arith.constant 1000 : i32
    %add3A_57 = arith.addi %mul3A_53, %add3A_56 : i32
    %sub3A = arith.constant 1 : i32
    %sub3A_58 = arith.subi %add3A_57, %sub3A : i32
    %get3A_59 = arith.index_cast %sub3A_58 : i32 to index
    %get3A_60 = memref.load %arg1[%get3A_59] : memref<10000xi32, #tpu.memory_space<smem>>
    %iota3A = tpu.iota {dimensions = array<i32: 0>} : vector<1000x128xi32>
    %add3A_61 = arith.constant 1 : i32
    %add3A_62 = arith.addi %get3A_60, %add3A_61 : i32
    %while3A = arith.constant 0 : i32
    %while3A_63 = arith.subi %add3A_62, %get3A_55 : i32
    %while3A_64 = arith.addi %get3A_55, %while3A_63 : i32
    %while3A_65 = arith.constant 1 : i32
    %while3A_66 = arith.divsi %while3A_63, %while3A_65 : i32
    %while3A_67 = arith.muli %while3A_66, %while3A_65 : i32
    %while3A_68 = arith.addi %get3A_55, %while3A_67 : i32
    %while3A_69 = arith.constant 1 : i32
    %while3A_70 = scf.for %while3A_78 = %get3A_55 to %while3A_68 step %while3A_69 iter_args(%while3A_79 = %while3A) -> (i32)  : i32 {
      %add3A_80 = arith.constant 1 : i32
      %add3A_81 = arith.addi %while3A_78, %add3A_80 : i32
      %scan3A = arith.constant 0 : i32
      %scan3A_82 = arith.constant 1000 : i32
      %scan3A_83 = arith.constant 0 : i32
      %scan3A_84 = arith.constant 10 : i32
      %scan3A_85 = arith.addi %scan3A_83, %scan3A_84 : i32
      %scan3A_86 = arith.constant 1 : i32
      %scan3A_87:2 = scf.for %scan3A_99 = %scan3A_83 to %scan3A_85 step %scan3A_86 iter_args(%scan3A_100 = %scan3A, %scan3A_101 = %scan3A_82) -> (i32, i32)  : i32 {
        %add3A_102 = arith.addi %scan3A_100, %scan3A_101 : i32
        %jit3A_103 = arith.constant 2 : i32
        %div3A_104 = arith.divsi %add3A_102, %jit3A_103 : i32
        %sign3A = arith.constant 0 : i32
        %sign3A_105 = arith.cmpi sgt, %add3A_102, %sign3A : i32
        %sign3A_106 = arith.extui %sign3A_105 : i1 to i32
        %sign3A_107 = arith.constant 0 : i32
        %sign3A_108 = arith.cmpi slt, %add3A_102, %sign3A_107 : i32
        %sign3A_109 = arith.extui %sign3A_108 : i1 to i32
        %sign3A_110 = arith.subi %sign3A_106, %sign3A_109 : i32
        %sign3A_111 = arith.constant 0 : i32
        %sign3A_112 = arith.cmpi sgt, %jit3A_103, %sign3A_111 : i32
        %sign3A_113 = arith.extui %sign3A_112 : i1 to i32
        %sign3A_114 = arith.constant 0 : i32
        %sign3A_115 = arith.cmpi slt, %jit3A_103, %sign3A_114 : i32
        %sign3A_116 = arith.extui %sign3A_115 : i1 to i32
        %sign3A_117 = arith.subi %sign3A_113, %sign3A_116 : i32
        %ne3A = arith.cmpi ne, %sign3A_110, %sign3A_117 : i32
        %rem3A = arith.remsi %add3A_102, %jit3A_103 : i32
        %ne3A_118 = arith.constant 0 : i32
        %ne3A_119 = arith.cmpi ne, %rem3A, %ne3A_118 : i32
        %and3A_120 = arith.andi %ne3A, %ne3A_119 : i1
        %sub3A_121 = arith.constant 1 : i32
        %sub3A_122 = arith.subi %div3A_104, %sub3A_121 : i32
        %select_n3A_123 = arith.select %and3A_120, %sub3A_122, %div3A_104 : i32
        %add3A_124 = arith.addi %mul3A_53, %select_n3A_123 : i32
        %get3A_125 = arith.index_cast %add3A_124 : i32 to index
        %get3A_126 = memref.load %arg1[%get3A_125] : memref<10000xi32, #tpu.memory_space<smem>>
        %lt3A_127 = arith.cmpi slt, %get3A_126, %add3A_81 : i32
        %add3A_128 = arith.constant 1 : i32
        %add3A_129 = arith.addi %select_n3A_123, %add3A_128 : i32
        %select_n3A_130 = arith.select %lt3A_127, %add3A_129, %scan3A_100 : i32
        %lt3A_131 = arith.cmpi slt, %get3A_126, %add3A_81 : i32
        %select_n3A_132 = arith.select %lt3A_131, %scan3A_101, %select_n3A_123 : i32
        scf.yield %select_n3A_130, %select_n3A_132 : i32, i32
      }
      %scan3A_88 = arith.constant 10 : i32
      %ge3A = vector.broadcast %while3A_79 : i32 to vector<1000x128xi32>
      %ge3A_89 = arith.cmpi sge, %iota3A, %ge3A : vector<1000x128xi32>
      %lt3A = vector.broadcast %scan3A_87#0 : i32 to vector<1000x128xi32>
      %lt3A_90 = arith.cmpi slt, %iota3A, %lt3A : vector<1000x128xi32>
      %and3A = arith.andi %ge3A_89, %lt3A_90 : vector<1000x128xi1>
      %jit3A = arith.constant 0xFF800000 : f32
      %broadcast_in_dim3A = vector.broadcast %jit3A : f32 to vector<1000x128xf32>
      %select_n3A = arith.select %and3A, %max3A_51, %broadcast_in_dim3A : vector<1000x128xi1>, vector<1000x128xf32>
      %reduce_max3A = arith.constant dense<0xFF800000> : vector<128xf32>
      %reduce_max3A_91 = vector.multi_reduction <maximumf>, %select_n3A, %reduce_max3A [0] : vector<1000x128xf32> to vector<128xf32>
      %broadcast_in_dim3A_92 = vector.shape_cast %reduce_max3A_91 : vector<128xf32> to vector<1x128xf32>
      %get3A_93 = arith.index_cast %while3A_78 : i32 to index
      %get3A_94 = arith.constant 0 : index
      %get3A_95 = vector.load %arg13[%get3A_93, %get3A_94] : memref<64x128xf32, #tpu.memory_space<vmem>>, vector<1x128xf32>
      %max3A_96 = arith.maximumf %get3A_95, %broadcast_in_dim3A_92 : vector<1x128xf32>
      %swap3A = arith.index_cast %while3A_78 : i32 to index
      %swap3A_97 = arith.constant 0 : index
      %swap3A_98 = vector.load %arg13[%swap3A, %swap3A_97] : memref<64x128xf32, #tpu.memory_space<vmem>>, vector<1x128xf32>
      tpu.vector_store %arg13[%swap3A, %swap3A_97], %max3A_96 {strides = array<i32>} : memref<64x128xf32, #tpu.memory_space<vmem>>, vector<1x128xf32>,
      scf.yield %scan3A_87#0 : i32
    }
    %while3A_71 = arith.constant 1 : i32
    %while3A_72 = scf.for %while3A_78 = %while3A_68 to %while3A_64 step %while3A_71 iter_args(%while3A_79 = %while3A_70) -> (i32)  : i32 {
      %add3A_80 = arith.constant 1 : i32
      %add3A_81 = arith.addi %while3A_78, %add3A_80 : i32
      %scan3A = arith.constant 0 : i32
      %scan3A_82 = arith.constant 1000 : i32
      %scan3A_83 = arith.constant 0 : i32
      %scan3A_84 = arith.constant 10 : i32
      %scan3A_85 = arith.addi %scan3A_83, %scan3A_84 : i32
      %scan3A_86 = arith.constant 1 : i32
      %scan3A_87:2 = scf.for %scan3A_99 = %scan3A_83 to %scan3A_85 step %scan3A_86 iter_args(%scan3A_100 = %scan3A, %scan3A_101 = %scan3A_82) -> (i32, i32)  : i32 {
        %add3A_102 = arith.addi %scan3A_100, %scan3A_101 : i32
        %jit3A_103 = arith.constant 2 : i32
        %div3A_104 = arith.divsi %add3A_102, %jit3A_103 : i32
        %sign3A = arith.constant 0 : i32
        %sign3A_105 = arith.cmpi sgt, %add3A_102, %sign3A : i32
        %sign3A_106 = arith.extui %sign3A_105 : i1 to i32
        %sign3A_107 = arith.constant 0 : i32
        %sign3A_108 = arith.cmpi slt, %add3A_102, %sign3A_107 : i32
        %sign3A_109 = arith.extui %sign3A_108 : i1 to i32
        %sign3A_110 = arith.subi %sign3A_106, %sign3A_109 : i32
        %sign3A_111 = arith.constant 0 : i32
        %sign3A_112 = arith.cmpi sgt, %jit3A_103, %sign3A_111 : i32
        %sign3A_113 = arith.extui %sign3A_112 : i1 to i32
        %sign3A_114 = arith.constant 0 : i32
        %sign3A_115 = arith.cmpi slt, %jit3A_103, %sign3A_114 : i32
        %sign3A_116 = arith.extui %sign3A_115 : i1 to i32
        %sign3A_117 = arith.subi %sign3A_113, %sign3A_116 : i32
        %ne3A = arith.cmpi ne, %sign3A_110, %sign3A_117 : i32
        %rem3A = arith.remsi %add3A_102, %jit3A_103 : i32
        %ne3A_118 = arith.constant 0 : i32
        %ne3A_119 = arith.cmpi ne, %rem3A, %ne3A_118 : i32
        %and3A_120 = arith.andi %ne3A, %ne3A_119 : i1
        %sub3A_121 = arith.constant 1 : i32
        %sub3A_122 = arith.subi %div3A_104, %sub3A_121 : i32
        %select_n3A_123 = arith.select %and3A_120, %sub3A_122, %div3A_104 : i32
        %add3A_124 = arith.addi %mul3A_53, %select_n3A_123 : i32
        %get3A_125 = arith.index_cast %add3A_124 : i32 to index
        %get3A_126 = memref.load %arg1[%get3A_125] : memref<10000xi32, #tpu.memory_space<smem>>
        %lt3A_127 = arith.cmpi slt, %get3A_126, %add3A_81 : i32
        %add3A_128 = arith.constant 1 : i32
        %add3A_129 = arith.addi %select_n3A_123, %add3A_128 : i32
        %select_n3A_130 = arith.select %lt3A_127, %add3A_129, %scan3A_100 : i32
        %lt3A_131 = arith.cmpi slt, %get3A_126, %add3A_81 : i32
        %select_n3A_132 = arith.select %lt3A_131, %scan3A_101, %select_n3A_123 : i32
        scf.yield %select_n3A_130, %select_n3A_132 : i32, i32
      }
      %scan3A_88 = arith.constant 10 : i32
      %ge3A = vector.broadcast %while3A_79 : i32 to vector<1000x128xi32>
      %ge3A_89 = arith.cmpi sge, %iota3A, %ge3A : vector<1000x128xi32>
      %lt3A = vector.broadcast %scan3A_87#0 : i32 to vector<1000x128xi32>
      %lt3A_90 = arith.cmpi slt, %iota3A, %lt3A : vector<1000x128xi32>
      %and3A = arith.andi %ge3A_89, %lt3A_90 : vector<1000x128xi1>
      %jit3A = arith.constant 0xFF800000 : f32
      %broadcast_in_dim3A = vector.broadcast %jit3A : f32 to vector<1000x128xf32>
      %select_n3A = arith.select %and3A, %max3A_51, %broadcast_in_dim3A : vector<1000x128xi1>, vector<1000x128xf32>
      %reduce_max3A = arith.constant dense<0xFF800000> : vector<128xf32>
      %reduce_max3A_91 = vector.multi_reduction <maximumf>, %select_n3A, %reduce_max3A [0] : vector<1000x128xf32> to vector<128xf32>
      %broadcast_in_dim3A_92 = vector.shape_cast %reduce_max3A_91 : vector<128xf32> to vector<1x128xf32>
      %get3A_93 = arith.index_cast %while3A_78 : i32 to index
      %get3A_94 = arith.constant 0 : index
      %get3A_95 = vector.load %arg13[%get3A_93, %get3A_94] : memref<64x128xf32, #tpu.memory_space<vmem>>, vector<1x128xf32>
      %max3A_96 = arith.maximumf %get3A_95, %broadcast_in_dim3A_92 : vector<1x128xf32>
      %swap3A = arith.index_cast %while3A_78 : i32 to index
      %swap3A_97 = arith.constant 0 : index
      %swap3A_98 = vector.load %arg13[%swap3A, %swap3A_97] : memref<64x128xf32, #tpu.memory_space<vmem>>, vector<1x128xf32>
      tpu.vector_store %arg13[%swap3A, %swap3A_97], %max3A_96 {strides = array<i32>} : memref<64x128xf32, #tpu.memory_space<vmem>>, vector<1x128xf32>,
      scf.yield %scan3A_87#0 : i32
    }
    %eq3A_73 = arith.constant 9 : i32
    %eq3A_74 = arith.cmpi eq, %arg0, %eq3A_73 : i32
    %convert_element_type3A_75 = arith.extui %eq3A_74 : i1 to i32
    %cond3A_76 = arith.constant 0 : i32
    %cond3A_77 = arith.cmpi ne, %convert_element_type3A_75, %cond3A_76 : i32
    scf.if %cond3A_77 {
      %get3A_78 = arith.constant 0 : index
      %get3A_79 = arith.constant 0 : index
      %get3A_80 = vector.load %arg13[%get3A_78, %get3A_79] : memref<64x128xf32, #tpu.memory_space<vmem>>, vector<64x128xf32>
      %get3A_81 = arith.constant 0 : index
      %get3A_82 = arith.constant 0 : index
      %get3A_83 = vector.load %arg10[%get3A_81, %get3A_82] : memref<5x128xf32, #tpu.memory_space<vmem>>, vector<5x128xf32>
      %dot_general3A_84 = arith.constant dense<0.000000e+00> : vector<64x5xf32>
      %dot_general3A_85 = tpu.matmul %get3A_80, %get3A_83, %dot_general3A_84 {dimension_numbers = #tpu.dot_dimension_numbers<[1], [1], [0], [0], [0, 0, 1, 0], [], []>, transpose_lhs_hint = false} : vector<64x128xf32>, vector<5x128xf32>, vector<64x5xf32> -> vector<64x5xf32>
      %get3A_86 = arith.constant 0 : index
      %get3A_87 = arith.constant 0 : index
      %get3A_88 = vector.load %arg11[%get3A_86, %get3A_87] : memref<1x5xf32, #tpu.memory_space<vmem>>, vector<1x5xf32>
      %add3A_89 = vector.broadcast %get3A_88 : vector<1x5xf32> to vector<64x5xf32>
      %add3A_90 = arith.addf %dot_general3A_85, %add3A_89 : vector<64x5xf32>
      %swap3A = arith.constant 0 : index
      %swap3A_91 = arith.constant 0 : index
      %swap3A_92 = vector.load %arg12[%swap3A, %swap3A_91] : memref<64x5xf32, #tpu.memory_space<vmem>>, vector<64x5xf32>
      tpu.vector_store %arg12[%swap3A, %swap3A_91], %add3A_90 {strides = array<i32>} : memref<64x5xf32, #tpu.memory_space<vmem>>, vector<64x5xf32>,
    } else {
    }
    return
  }
  func.func @transform_0(%arg0: i32, %arg1: memref<10000xi32, #tpu.memory_space<smem>>) -> (i32, i32) {
    %c0_i32 = arith.constant 0 : i32
    %c0_i32_0 = arith.constant 0 : i32
    return %arg0, %c0_i32 : i32, i32
  }
  func.func @transform_1(%arg0: i32, %arg1: memref<10000xi32, #tpu.memory_space<smem>>) -> (i32, i32, i32) {
    %c0_i32 = arith.constant 0 : i32
    %c0_i32_0 = arith.constant 0 : i32
    %c0_i32_1 = arith.constant 0 : i32
    return %c0_i32, %arg0, %c0_i32_0 : i32, i32, i32
  }
  func.func @transform_2(%arg0: i32, %arg1: memref<10000xi32, #tpu.memory_space<smem>>) -> (i32, i32) {
    %c0_i32 = arith.constant 0 : i32
    %c0_i32_0 = arith.constant 0 : i32
    %c0_i32_1 = arith.constant 0 : i32
    return %c0_i32, %c0_i32_0 : i32, i32
  }
  func.func @transform_3(%arg0: i32, %arg1: memref<10000xi32, #tpu.memory_space<smem>>) -> (i32, i32) {
    %c0_i32 = arith.constant 0 : i32
    %c0_i32_0 = arith.constant 0 : i32
    %c0_i32_1 = arith.constant 0 : i32
    return %c0_i32, %c0_i32_0 : i32, i32
  }
  func.func @transform_4(%arg0: i32, %arg1: memref<10000xi32, #tpu.memory_space<smem>>) -> (i32, i32) {
    %c0_i32 = arith.constant 0 : i32
    %c0_i32_0 = arith.constant 0 : i32
    %c0_i32_1 = arith.constant 0 : i32
    return %c0_i32, %c0_i32_0 : i32, i32
  }
  func.func @transform_5(%arg0: i32, %arg1: memref<10000xi32, #tpu.memory_space<smem>>) -> (i32, i32) {
    %c0_i32 = arith.constant 0 : i32
    %c0_i32_0 = arith.constant 0 : i32
    %c0_i32_1 = arith.constant 0 : i32
    return %c0_i32, %c0_i32_0 : i32, i32
  }
  func.func @transform_6(%arg0: i32, %arg1: memref<10000xi32, #tpu.memory_space<smem>>) -> (i32, i32) {
    %c0_i32 = arith.constant 0 : i32
    %c0_i32_0 = arith.constant 0 : i32
    %c0_i32_1 = arith.constant 0 : i32
    return %c0_i32, %c0_i32_0 : i32, i32
  }
  func.func @transform_7(%arg0: i32, %arg1: memref<10000xi32, #tpu.memory_space<smem>>) -> (i32, i32) {
    %c0_i32 = arith.constant 0 : i32
    %c0_i32_0 = arith.constant 0 : i32
    %c0_i32_1 = arith.constant 0 : i32
    return %c0_i32, %c0_i32_0 : i32, i32
  }
  func.func @transform_8(%arg0: i32, %arg1: memref<10000xi32, #tpu.memory_space<smem>>) -> (i32, i32) {
    %c0_i32 = arith.constant 0 : i32
    %c0_i32_0 = arith.constant 0 : i32
    %c0_i32_1 = arith.constant 0 : i32
    return %c0_i32, %c0_i32_0 : i32, i32
  }
  func.func @transform_9(%arg0: i32, %arg1: memref<10000xi32, #tpu.memory_space<smem>>) -> (i32, i32) {
    %c0_i32 = arith.constant 0 : i32
    %c0_i32_0 = arith.constant 0 : i32
    %c0_i32_1 = arith.constant 0 : i32
    return %c0_i32, %c0_i32_0 : i32, i32
  }
  func.func @transform_10(%arg0: i32, %arg1: memref<10000xi32, #tpu.memory_space<smem>>) -> (i32, i32) {
    %c0_i32 = arith.constant 0 : i32
    %c0_i32_0 = arith.constant 0 : i32
    %c0_i32_1 = arith.constant 0 : i32
    return %c0_i32, %c0_i32_0 : i32, i32
  }
}

</mosaic_0001>

<sc_bundles>
// kernel: kernel.6.cloned.1.call-start
scs
__scs_entry_jumppad:
0x0: {  	(pc) =	sbr.rel $0x88, $3  }
0x1: {  	(tag) =	ssettag $0x0;
	lr =	simm.s32 $0x1  }
0x2: {  	[smem:$0x3F90] =	sst lr;
	_ =	strace $0xD0000000  }
0x3: {  	_ = 	snop  }
0x4: {  	_ = 	snop  }
0x5: {  	_ = 	snop  }
0x6: {  	_ = 	snop  }
0x7: {  	_ = 	snop  }
__scs_overlays_trampoline_lowered:
0x8: {  	[smem:$0x3F9F] =	sst s0  }
0x9: {  	[smem:$0x3FA0] =	sst s1  }
0xa: {  	[smem:$0x3FA1] =	sst s2  }
0xb: {  	[smem:$0x3FA2] =	sst s3  }
0xc: {  	[smem:$0x3FA3] =	sst s4  }
0xd: {  	[smem:$0x3FA4] =	sst s5  }
0xe: {  	[smem:$0x3FA5] =	sst s6  }
0xf: {  	[smem:$0x3FA6] =	sst s7  }
0x10: {  	[smem:$0x3FA7] =	sst s8  }
0x11: {  	[smem:$0x3FA8] =	sst s9;
	s0 =	simm.s32 @!p0 $0x0  }
0x12: {  	s1 =	sld [smem:$0x3F8E];
	s0 =	simm.s32 @p0 $0x1  }
0x13: {  	[smem:$0x3FA9] =	sst s0;
	s0 =	simm.s32 @!p1 $0x0  }
0x14: {  	s2 =	sld [smem:$0x3F8D];
	s0 =	simm.s32 @p1 $0x1  }
0x15: {  	[smem:$0x3FAA] =	sst s0;
	s0 =	simm.s32 @!p2 $0x0  }
0x16: {  	s3 =	sld [smem:$0x3FDB];
	s0 =	simm.s32 @p2 $0x1  }
0x17: {  	s4 =	simm.s32 $0x1BF5;
	[smem:$0x3FAC] =	sst s0  }
0x18: {  	s0 =	sld [smem:$0x3F8F];
	_ =	swait.ge [sflag:s4], $0x0  }
0x19: {  	s7 =	sld [smem:$0x3F90]  }
0x1a: {  	s8 =	sadd.s32 $0xFFFFE003, lr  }
0x1b: {  	s9 =	sadd.s32 $0xFFFFFEF7, lr;
	s5 =	simm.s32 $0xFFFFFFFF;
	p2 =	slt.u32 s8, $0xFFFFF086  }
0x1c: {  	p1 =	slt.u32 s9, $0xF7A;
	s5 =	simm.s32 @!p2 $0x0  }
0x1d: {  	s5 =	simm.s32 @p1 $0x1;
	p0 =	seq.s32 s7, s2  }
0x1e: {  	s7 =	smul.u32 @!p0 $0xF7A, s2;
	p2 =	seq.s32 @!p0 s5, $0x0  }
0x1f: {  	s9 =	smul.u32 $0xF7A, s1;
	s8 =	simm.s32 @!p0 $0x1BF5;
	p2 =	por !p2, p0  }
0x20: {  	[sflag:s8] =	ssyncset.s32 @!p0 $0xFFFFF086;
	s6 =	sadd.s32 @!p0 s3, s7;
	s7 =	simm.s32 @!p0 $0x108  }
0x21: {  	s3 =	sadd.s32 s3, s9;
	s6 =	sadd.s32 @!p0 $0x88, s6;
	s7 =	simm.s32 @p2 $0x1082  }
0x22: {  	[simem:s7], [sflag:s8] =	dma.local @!p0 [hbm:s6], $0xF7A  }
0x23: {  	s9 =	sor.u32 $0xD0000000, s2;
	s6 =	simm.s32 $0x108;
	_ =	swait.ge @!p0 [sflag:s8], $0x0  }
0x24: {  	s3 =	sadd.s32 $0x88, s3;
	s6 =	simm.s32 @!p1 $0x1082;
	[sflag:s4] =	ssyncset.s32 $0xFFFFF086  }
0x25: {  	[simem:s6], [sflag:s4] =	dma.local [hbm:s3], $0xF7A  }
0x26: {  	[smem:$0x3F90] =	sst s1;
	(tag) =	ssettag s2;
	_ =	strace s9  }
0x27: {  	s1 =	sld [smem:$0x3FA0]  }
0x28: {  	s2 =	sld [smem:$0x3FA1]  }
0x29: {  	s4 =	sld [smem:$0x3FA3]  }
0x2a: {  	p0 =	seq.s32 s5, $0x0;
	s5 =	sld [smem:$0x3FA4]  }
0x2b: {  	s6 =	sld [smem:$0x3FA5]  }
0x2c: {  	s7 =	sld [smem:$0x3FA6]  }
0x2d: {  	s3 =	simm.s32 $0x108;
	s8 =	sld [smem:$0x3FA7]  }
0x2e: {  	s3 =	simm.s32 @!p0 $0x1082;
	s9 =	sld [smem:$0x3FA8]  }
0x2f: {  	lr =	sadd.s32 s0, s3;
	s0 =	sld [smem:$0x3F9F]  }
0x30: {  	s3 =	sld [smem:$0x3FA2]  }
0x31: {  	[smem:$0x3FAB] =	sst s10  }
0x32: {  	s10 =	sld [smem:$0x3FA9];
	_ =	sdelay $0x3  }
0x33: {  	p0 =	seq.s32 s10, $0x1;
	s10 =	sld [smem:$0x3FAB];
	_ =	sdelay $0x3  }
0x34: {  	[smem:$0x3FAB] =	sst s10  }
0x35: {  	s10 =	sld [smem:$0x3FAA];
	_ =	sdelay $0x3  }
0x36: {  	p1 =	seq.s32 s10, $0x1;
	s10 =	sld [smem:$0x3FAB];
	_ =	sdelay $0x3  }
0x37: {  	[smem:$0x3FAB] =	sst s10  }
0x38: {  	s10 =	sld [smem:$0x3FAC]  }
0x39: {  	_ = 	snop;
	(pc) =	sbr.ind lr, $3  }
0x3a: {  	_ = 	snop  }
0x3b: {  	_ = 	snop  }
0x3c: {  	p2 =	seq.s32 s10, $0x1;
	s10 =	sld [smem:$0x3FAB]  }
0x3d: {  	_ =	shalt  }
0x3e: {  	_ =	shalt  }
0x3f: {  	_ =	shalt  }
0x40: {  	_ =	shalt  }
0x41: {  	_ =	shalt  }
0x42: {  	_ =	shalt  }
0x43: {  	_ =	shalt  }
0x44: {  	_ =	shalt  }
0x45: {  	_ =	shalt  }
0x46: {  	_ =	shalt  }
0x47: {  	_ =	shalt  }
0x48: {  	_ =	shalt  }
0x49: {  	_ =	shalt  }
0x4a: {  	_ =	shalt  }
0x4b: {  	_ =	shalt  }
0x4c: {  	_ =	shalt  }
0x4d: {  	_ =	shalt  }
0x4e: {  	_ =	shalt  }
0x4f: {  	_ =	shalt  }
0x50: {  	_ =	shalt  }
0x51: {  	_ =	shalt  }
0x52: {  	_ =	shalt  }
0x53: {  	_ =	shalt  }
0x54: {  	_ =	shalt  }
0x55: {  	_ =	shalt  }
0x56: {  	_ =	shalt  }
0x57: {  	_ =	shalt  }
0x58: {  	_ =	shalt  }
0x59: {  	_ =	shalt  }
0x5a: {  	_ =	shalt  }
0x5b: {  	_ =	shalt  }
0x5c: {  	_ =	shalt  }
0x5d: {  	_ =	shalt  }
0x5e: {  	_ =	shalt  }
0x5f: {  	_ =	shalt  }
0x60: {  	_ =	shalt  }
0x61: {  	_ =	shalt  }
0x62: {  	_ =	shalt  }
0x63: {  	_ =	shalt  }
0x64: {  	_ =	shalt  }
0x65: {  	_ =	shalt  }
0x66: {  	_ =	shalt  }
0x67: {  	_ =	shalt  }
0x68: {  	_ =	shalt  }
0x69: {  	_ =	shalt  }
0x6a: {  	_ =	shalt  }
0x6b: {  	_ =	shalt  }
0x6c: {  	_ =	shalt  }
0x6d: {  	_ =	shalt  }
0x6e: {  	_ =	shalt  }
0x6f: {  	_ =	shalt  }
0x70: {  	_ =	shalt  }
0x71: {  	_ =	shalt  }
0x72: {  	_ =	shalt  }
0x73: {  	_ =	shalt  }
0x74: {  	_ =	shalt  }
0x75: {  	_ =	shalt  }
0x76: {  	_ =	shalt  }
0x77: {  	_ =	shalt  }
0x78: {  	_ =	shalt  }
0x79: {  	_ =	shalt  }
0x7a: {  	_ =	shalt  }
0x7b: {  	_ =	shalt  }
0x7c: {  	_ =	shalt  }
0x7d: {  	_ =	shalt  }
0x7e: {  	_ =	shalt  }
0x7f: {  	_ =	shalt  }
0x80: {  	_ =	shalt  }
0x81: {  	_ =	shalt  }
0x82: {  	_ =	shalt  }
0x83: {  	_ =	shalt  }
0x84: {  	_ =	shalt  }
0x85: {  	_ =	shalt  }
0x86: {  	_ =	shalt  }
0x87: {  	_ =	shalt  }
.Lfunc_end0:
.L_simem_size_0:
called_computation_lowered:
.L_overlay_start_0:
0x88: {  	s2 =	sld [smem:$0x3FD9]  }
0x89: {  	s3 =	sld [smem:$0x3FFE];
	_ =	sdelay $0x1  }
0x8a: {  	s1 =	srdreg.scid  }
0x8b: {  	s0 =	sand.u32 $0x1, s1  }
0x8c: {  	s17 =	sshll.u32 s0, $0xA;
	s2 =	sadd.s32 s3, s2  }
0x8d: {  	s2 =	sadd.s32 s2, s17  }
0x8e: {  	[smem:$0x3FB7] =	sst s2  }
0x8f: {  	_ = 	snop  }
0x90: {  	s2 =	sld [smem:$0x3FC9];
	(tm) =	ssettm $0x1  }
0x91: {  	s18 =	sld [smem:$0x3FFB];
	_ =	sdelay $0x3  }
0x92: {  	_ =	strace s18  }
0x93: {  	s3 =	sld [smem:$0x3FFC];
	_ =	sdelay $0x3  }
0x94: {  	_ =	strace s3  }
0x95: {  	s3 =	sld [smem:$0x3FFD];
	_ =	sdelay $0x3  }
0x96: {  	_ =	strace s3  }
0x97: {  	_ =	strace $0x8FFFFFFF  }
0x98: {  	s19 =	sld [smem:$0x3FDB];
	_ =	sdelay $0x1  }
0x99: {  	s4 =	simm.s32 $_scs_section_size  }
0x9a: {  	s5 =	simm.s32 $_size__tile_overlayer_lowered;
	s6 =	simm.s32 $_tile_overlayer_lowered  }
0x9b: {  	s22 =	simm.s32 $0x1BFF;
	s21 =	sshll.u32 s6, $0x1;
	s3 =	sadd.s32 s4, s19  }
0x9c: {  	s7 =	simm.s32 $0x0;
	s20 =	sshll.u32 s5, $0x1;
	s5 =	sadd.s32 s21, s3  }
0x9d: {  	[timem:s7], [sflag:s22] =	dma.local [hbm:s5], s20  }
0x9e: {  	_ =	swait.ge [sflag:s22], s20  }
0x9f: {  	s4 =	ssub.s32 $0x0, s20;
	[sflag:s22] =	ssyncset.done $0x0  }
0xa0: {  	[sflag:s22] =	ssyncadd.s32 s4;
	_ =	sdelay $0x1  }
0xa1: {  	s23 =	simm.s32 $0x1B8B  }
0xa2: {  	_ =	swait.ge [sflag:s23], $0x1  }
0xa3: {  	[sflag:s23] =	ssyncset.done $0x0  }
0xa4: {  	s25 =	simm.s32 $0x1B8E;
	s24 =	sld [smem:$0x3FFE];
	[sflag:s23] =	ssyncadd.s32 $0xFFFFFFFF  }
0xa5: {  	s26 =	simm.s32 $execute0_lowered;
	[smem:$0x3FD2] =	sst s25  }
0xa6: {  	s5 =	sshll.u32 s26, $0x1;
	_ =	strace $0x80000046;
	[dreg:$0x1] =	wrdreg $0xFFFFFFFF  }
0xa7: {  	s28 =	simm.s32 $_size_execute0_lowered;
	s3 =	sadd.s32 s3, s5;
	[dreg:$0x0] =	wrdreg $0x0  }
0xa8: {  	s5 =	sshll.u32 s28, $0x1;
	[dreg:$0x2] =	wrdreg s3  }
0xa9: {  	[dreg:$0x3] =	wrdreg s5  }
0xaa: {  	[dreg:$0x4] =	wrdreg $0xC0  }
0xab: {  	_ =	task [dreg:s7], $0x5FFFF  }
0xac: {  	[dreg:$0x1] =	wrdreg $0xFFFFFFFF  }
0xad: {  	[dreg:$0x0] =	wrdreg $0x60  }
0xae: {  	[dreg:$0x2] =	wrdreg s2  }
0xaf: {  	[dreg:$0x3] =	wrdreg s24  }
0xb0: {  	[dreg:$0x4] =	wrdreg $0x90000  }
0xb1: {  	[dreg:$0x5] =	wrdreg $0x9  }
0xb2: {  	_ =	task.clear_ibuf [dreg:s7], $0x6FFFF;
	_ =	strace $0x90000046  }
0xb3: {  	s29 =	simm.s32 $0x9;
	_ =	strace $0x80000048  }
0xb4: {  	_ =	swait.ge [sflag:s29], $0x1  }
0xb5: {  	[sflag:s29] =	ssyncadd.s32 $0xFFFFFFFF  }
0xb6: {  	_ =	strace $0x90000048  }
0xb7: {  	_ =	sfence  }
0xb8: {  	s30 =	sld [smem:$0x0];
	_ =	sdelay $0x2  }
0xb9: {  	s31 =	sshll.u32 s1, $0xD;
	s1 =	sshrl.u32 s1, $0x2  }
0xba: {  	s3 =	sand.u32 $0x4000, s31;
	s1 =	sadd.s32 s1, s30  }
0xbb: {  	s0 =	sor.u32 s3, s0;
	s1 =	sshll.u32 s1, $0x11  }
0xbc: {  	s0 =	sor.u32 s1, s0  }
0xbd: {  	s0 =	sadd.s32 $0x8F2B, s0  }
0xbe: {  	[sflag:s0] =	ssyncadd.remote.s32 $0x1  }
0xbf: {  	_ =	sfence.sel $0xFFFF  }
0xc0: {  	[dreg:$0x0] =	wrdreg $0xFFFFFFFF;
	(pc) =	sbr.abs _section_cstart, $3  }
0xc1: {  	[dreg:$0x1] =	wrdreg $0xFFFFFFFF  }
0xc2: {  	_ =	task.clear_ibuf [dreg:s7], $0x2FFFF;
	_ =	strace $0x9FFFFFFF  }
0xc3: {  	(tm) =	ssettm $0x7FFFFFFF  }
tec
execute0_lowered:
.L_overlay_start_1:
0x0: {  	(tag) =	ssettag $0x1  }
0x1: {  	s1 =	rddreg [dreg:$0x0]  }
0x2: {  	s0 =	rddreg [dreg:$0x1]  }
0x3: {  	s2 =	rddreg [dreg:$0x2];
	s3 =	simm.s32 $0x0  }
0x4: {  	s10 =	stileid.u32;
	s5 =	srdreg.scid;
	s12 =	simm.s32 $0x100  }
0x5: {  	s13 =	simm.s32 $0x900;
	s16 =	simm.s32 $0x180;
	s17 =	simm.s32 $0x980  }
0x6: {  	s18 =	simm.s32 $0x200;
	s19 =	simm.s32 $0xA00;
	s20 =	simm.s32 $0x280  }
0x7: {  	s28 =	simm.s32 $0x500;
	s29 =	simm.s32 $0xD00;
	[smem:$0x7FF] =	sst s3  }
0x8: {  	s30 =	simm.s32 $0x580;
	_ =	strace $0x80000047;
	[dreg:$0x8] =	wrdreg s12  }
0x9: {  	s31 =	simm.s32 $0xD80;
	s4 =	smul.u32 $0xA00, s10;
	[dreg:$0x9] =	wrdreg s13  }
0xa: {  	s5 =	sand.u32 $0x1, s5;
	s6 =	smul.u32 $0x4E000, s10;
	[dreg:$0xa] =	wrdreg s16  }
0xb: {  	s22 =	smul.u32 $0x13800, s10;
	s15 =	sadd.s32 $0x138000, s2;
	[dreg:$0xb] =	wrdreg s17  }
0xc: {  	p0 =	sne.s32 s10, $0x0;
	s9 =	smul.u32 $0x138800, s5;
	[dreg:$0xc] =	wrdreg s18  }
0xd: {  	s7 =	ssub.s32 $0x2, s5;
	s5 =	smul.u32 $0x500, s5;
	[dreg:$0xd] =	wrdreg s19  }
0xe: {  	s16 =	simm.s32 $0x6;
	s17 =	simm.s32 $0x800;
	[dreg:$0xe] =	wrdreg s20  }
0xf: {  	s18 =	simm.s32 $0x7D;
	s19 =	simm.s32 $0x1;
	s20 =	simm.s32 $0x5000  }
0x10: {  	s12 =	simm.s32 $0xF80;
	s13 =	simm.s32 $0x0;
	[dreg:$0x1a] =	wrdreg s15  }
0x11: {  	s4 =	sadd.s32 s4, s0;
	s8 =	sshrl.u32 s7, $0x1;
	s6 =	sshrl.u32 s6, $0x2  }
0x12: {  	s0 =	sadd.s32 $0x16E00, s0;
	s7 =	ssub.s32 s7, s8;
	s11 =	sadd.s32 s6, s2  }
0x13: {  	s4 =	sadd.s32 s5, s4;
	s8 =	simm.s32 $0x80;
	[dreg:$0x15] =	wrdreg s11  }
0x14: {  	s25 =	sadd.s32 s22, s9;
	s22 =	simm.s32 $0x300;
	[dreg:$0x6] =	wrdreg s8  }
0x15: {  	s9 =	sshrl.u32 s9, $0x3;
	s6 =	sadd.s32 $0x3E80, s11;
	[dreg:$0x10] =	wrdreg s22  }
0x16: {  	s21 =	sadd.s32 $0x7D00, s11;
	s23 =	sadd.s32 $0xBB80, s11;
	[dreg:$0x16] =	wrdreg s6  }
0x17: {  	s24 =	sadd.s32 $0xFA00, s11;
	s26 =	sadd.s32 $0x2E00, s4;
	[dreg:$0x17] =	wrdreg s21  }
0x18: {  	s5 =	sshrl.u32 s25, $0x3;
	s4 =	sadd.s32 $0xCE00, s4;
	[dreg:$0x18] =	wrdreg s23  }
0x19: {  	s11 =	simm.s32 $0x880;
	s14 =	smax.u32 s7, $0x1;
	[dreg:$0x19] =	wrdreg s24  }
0x1a: {  	s25 =	simm.s32 $0xB80;
	s22 =	simm.s32 $0x3;
	[dreg:$0x4] =	wrdreg s26  }
0x1b: {  	s7 =	simm.s32 $0xE80;
	s8 =	simm.s32 $0x700;
	[dreg:$0x5] =	wrdreg s4  }
0x1c: {  	s5 =	sadd.s32 s0, s5;
	s0 =	sadd.s32 s0, s9;
	[dreg:$0x7] =	wrdreg s11  }
0x1d: {  	[dreg:$0x1d] =	wrdreg s14;
	s14 =	simm.s32 $0x1000;
	s21 =	simm.s32 $0xA80  }
0x1e: {  	s23 =	simm.s32 $0xB00;
	s24 =	simm.s32 $0x380;
	[dreg:$0x13] =	wrdreg s25  }
0x1f: {  	s26 =	simm.s32 $0x400;
	s25 =	simm.s32 $0x480;
	[dreg:$0x1b] =	wrdreg s5  }
0x20: {  	s4 =	simm.s32 $0xE00;
	s6 =	simm.s32 $0x680;
	[dreg:$0xf] =	wrdreg s21  }
0x21: {  	s9 =	simm.s32 $0xF00;
	s11 =	simm.s32 $0x780;
	[dreg:$0x11] =	wrdreg s23  }
0x22: {  	s0 =	sadd.s32 $0x27000, s0;
	s21 =	simm.s32 $0x2;
	[dreg:$0x12] =	wrdreg s24  }
0x23: {  	s23 =	simm.s32 $0x4;
	[dreg:$0x14] =	wrdreg s26;
	s24 =	simm.s32 $0xC00  }
0x24: {  	v0 =	vimm.f32 $0.0e+00;
	s26 =	simm.s32 $0xC80;
	[dreg:$0x1c] =	wrdreg s0;
	s0 =	simm.s32 $0x600  }
.LBB2_1:
0x25: {  	[dreg:$0x1e] =	wrdreg s13;
	s5 =	simm.s32 $0x0;
	s10 =	simm.s32 $0x200  }
.LBB2_2:
0x26: {  	p1 =	sne.s32 s10, $0xF800;
	[tilespmem:s5+$0x1070] =	vst v0  }
0x27: {  	[tilespmem:s5+$0x1000] =	vst v0  }
0x28: {  	[tilespmem:s5+$0x1010] =	vst v0  }
.Ltmp0:
0x29: {  	[tilespmem:s5+$0x1020] =	vst v0;
	(pc) =	sbr.rel @p1 .LBB2_2-.Ltmp0, $4  }
0x2a: {  	[tilespmem:s5+$0x1030] =	vst v0  }
0x2b: {  	[tilespmem:s5+$0x1040] =	vst v0  }
0x2c: {  	[tilespmem:s5+$0x1050] =	vst v0  }
0x2d: {  	[tilespmem:s5+$0x1060] =	vst v0;
	s5 =	sshra.s32 s10, $0x2;
	s10 =	sadd.s32 $0x200, s10  }
0x2e: {  	[tilespmem:s5+$0x1070] =	vst v0  }
0x2f: {  	[tilespmem:s5+$0x1000] =	vst v0  }
0x30: {  	[tilespmem:s5+$0x1010] =	vst v0  }
0x31: {  	[tilespmem:s5+$0x1020] =	vst v0  }
0x32: {  	[tilespmem:s5+$0x1030] =	vst v0  }
0x33: {  	[tilespmem:s5+$0x1040] =	vst v0  }
0x34: {  	[tilespmem:s5+$0x1050] =	vst v0  }
0x35: {  	[tilespmem:s5+$0x1060] =	vst v0;
	s13 =	rddreg [dreg:$0x15]  }
0x36: {  	[spmem:s13] =	stream.linear.scatter [tilespmem:s14], [sflag:$0x5], $0x3E80, $0x38;
	[tilespmem:$0x1C880] =	vst v63  }
0x37: {  	s10 =	rddreg [dreg:$0x16]  }
0x38: {  	[spmem:s10] =	stream.linear.scatter [tilespmem:s14], [sflag:$0x5], $0x3E80, $0x38;
	[tilespmem:$0x1C880] =	vst v63  }
0x39: {  	s13 =	rddreg [dreg:$0x17]  }
0x3a: {  	[spmem:s13] =	stream.linear.scatter [tilespmem:s14], [sflag:$0x5], $0x3E80, $0x38;
	[tilespmem:$0x1C880] =	vst v63  }
0x3b: {  	s10 =	rddreg [dreg:$0x18]  }
0x3c: {  	[spmem:s10] =	stream.linear.scatter [tilespmem:s14], [sflag:$0x5], $0x3E80, $0x38;
	[tilespmem:$0x1C880] =	vst v63  }
0x3d: {  	s13 =	rddreg [dreg:$0x19]  }
0x3e: {  	[spmem:s13] =	stream.linear.scatter [tilespmem:s14], [sflag:$0x5], $0x3E00, $0x38;
	[tilespmem:$0x1C880] =	vst v63  }
0x3f: {  	s5 =	simm.s32 @!p0 $0x1000;
	s10 =	simm.s32 $0x5  }
0x40: {  	[spmem:s15] =	stream.linear.scatter @!p0 [tilespmem:s5], [sflag:$0x5], $0x800, $0x38;
	[tilespmem:$0x1C880] =	vst v63  }
0x41: {  	_ =	swait.ge [sflag:s10], $0x3E80  }
0x42: {  	[sflag:s10] =	ssyncset.done $0x0  }
0x43: {  	[sflag:s10] =	ssyncadd.s32 $0xFFFFC180  }
0x44: {  	_ =	swait.ge [sflag:s10], $0x3E80  }
0x45: {  	[sflag:s10] =	ssyncset.done $0x0  }
0x46: {  	[sflag:s10] =	ssyncadd.s32 $0xFFFFC180  }
0x47: {  	_ =	swait.ge [sflag:s10], $0x3E80  }
0x48: {  	[sflag:s10] =	ssyncset.done $0x0  }
0x49: {  	[sflag:s10] =	ssyncadd.s32 $0xFFFFC180  }
0x4a: {  	_ =	swait.ge [sflag:s10], $0x3E80  }
0x4b: {  	[sflag:s10] =	ssyncset.done $0x0  }
0x4c: {  	[sflag:s10] =	ssyncadd.s32 $0xFFFFC180  }
0x4d: {  	_ =	swait.ge [sflag:s10], $0x3E00  }
0x4e: {  	[sflag:s10] =	ssyncset.done $0x0  }
0x4f: {  	s5 =	simm.s32 @!p0 $0x5;
	[sflag:s10] =	ssyncadd.s32 $0xFFFFC200  }
0x50: {  	_ =	swait.ge @!p0 [sflag:s5], $0x800  }
0x51: {  	[sflag:s5] =	ssyncset.done @!p0 $0x0  }
0x52: {  	[sflag:s5] =	ssyncadd.s32 @!p0 $0xFFFFF800  }
0x53: {  	[bflag:$0x0] =	sbarrier.arrive $0xFFFF  }
0x54: {  	s13 =	rddreg [dreg:$0x5]  }
0x55: {  	s5 =	sadd.s32 $0x0, s13  }
0x56: {  	[tilespmem:s3], [sflag:$0x6] =	stream.linear.gather [hbm4b:s5+s3], $0x800, $0x38;
	[tilespmem:$0x1C880] =	vst v63  }
0x57: {  	_ =	swait.ge [sflag:s16], $0x800  }
0x58: {  	s15 =	rddreg [dreg:$0x4];
	[sflag:s16] =	ssyncset.done $0x0  }
0x59: {  	[sflag:s16] =	ssyncadd.s32 $0xFFFFF800;
	s5 =	sadd.s32 $0x0, s15  }
0x5a: {  	[tilespmem:s17], [sflag:$0x6] =	stream.linear.gather [hbm4b:s5+s3], $0x800, $0x38;
	[tilespmem:$0x1C880] =	vst v63  }
0x5b: {  	_ =	swait.ge [sflag:s16], $0x800  }
0x5c: {  	[sflag:s16] =	ssyncset.done $0x0  }
0x5d: {  	[sflag:s16] =	ssyncadd.s32 $0xFFFFF800  }
0x5e: {  	[tilespmem:s14], [sflag:$0x1] =	stream.indirect.gather [hbm4b:s1+s18], $0x80, s3, s18, $0xb8;
	[tilespmem:$0x1C880] =	vst v63  }
0x5f: {  	_ =	swait.ge [sflag:s19], $0x3E80  }
0x60: {  	[sflag:s19] =	ssyncset.done $0x0  }
0x61: {  	[sflag:s19] =	ssyncadd.s32 $0xFFFFC180  }
0x62: {  	[spmem:s2] =	stream.indirect.scatter.add.f32 [tilespmem:s14], [sflag:$0x3], $0x80, s17, s18, $0xb8;
	[tilespmem:$0x1C880] =	vst v63  }
0x63: {  	s10 =	rddreg [dreg:$0x6]  }
0x64: {  	[tilespmem:s20], [sflag:$0x2] =	stream.indirect.gather [hbm4b:s1+s18], $0x80, s10, s18, $0xb8;
	[tilespmem:$0x1C880] =	vst v63  }
0x65: {  	_ =	swait.ge [sflag:s21], $0x3E80  }
0x66: {  	[sflag:s21] =	ssyncset.done $0x0  }
0x67: {  	s13 =	rddreg [dreg:$0x7];
	[sflag:s21] =	ssyncadd.s32 $0xFFFFC180  }
0x68: {  	[spmem:s2] =	stream.indirect.scatter.add.f32 [tilespmem:s20], [sflag:$0x4], $0x80, s13, s18, $0xb8;
	[tilespmem:$0x1C880] =	vst v63  }
0x69: {  	_ =	swait.ge [sflag:s22], $0x3E80  }
0x6a: {  	[sflag:s22] =	ssyncset.done $0x0  }
0x6b: {  	s15 =	rddreg [dreg:$0x8];
	[sflag:s22] =	ssyncadd.s32 $0xFFFFC180  }
0x6c: {  	[tilespmem:s14], [sflag:$0x1] =	stream.indirect.gather [hbm4b:s1+s18], $0x80, s15, s18, $0xb8;
	[tilespmem:$0x1C880] =	vst v63  }
0x6d: {  	_ =	swait.ge [sflag:s19], $0x3E80  }
0x6e: {  	[sflag:s19] =	ssyncset.done $0x0  }
0x6f: {  	s10 =	rddreg [dreg:$0x9];
	[sflag:s19] =	ssyncadd.s32 $0xFFFFC180  }
0x70: {  	[spmem:s2] =	stream.indirect.scatter.add.f32 [tilespmem:s14], [sflag:$0x3], $0x80, s10, s18, $0xb8;
	[tilespmem:$0x1C880] =	vst v63  }
0x71: {  	_ =	swait.ge [sflag:s23], $0x3E80  }
0x72: {  	[sflag:s23] =	ssyncset.done $0x0  }
0x73: {  	s13 =	rddreg [dreg:$0xa];
	[sflag:s23] =	ssyncadd.s32 $0xFFFFC180  }
0x74: {  	[tilespmem:s20], [sflag:$0x2] =	stream.indirect.gather [hbm4b:s1+s18], $0x80, s13, s18, $0xb8;
	[tilespmem:$0x1C880] =	vst v63  }
0x75: {  	_ =	swait.ge [sflag:s21], $0x3E80  }
0x76: {  	[sflag:s21] =	ssyncset.done $0x0  }
0x77: {  	s15 =	rddreg [dreg:$0xb];
	[sflag:s21] =	ssyncadd.s32 $0xFFFFC180  }
0x78: {  	[spmem:s2] =	stream.indirect.scatter.add.f32 [tilespmem:s20], [sflag:$0x4], $0x80, s15, s18, $0xb8;
	[tilespmem:$0x1C880] =	vst v63  }
0x79: {  	_ =	swait.ge [sflag:s22], $0x3E80  }
0x7a: {  	[sflag:s22] =	ssyncset.done $0x0  }
0x7b: {  	s10 =	rddreg [dreg:$0xc];
	[sflag:s22] =	ssyncadd.s32 $0xFFFFC180  }
0x7c: {  	[tilespmem:s14], [sflag:$0x1] =	stream.indirect.gather [hbm4b:s1+s18], $0x80, s10, s18, $0xb8;
	[tilespmem:$0x1C880] =	vst v63  }
0x7d: {  	_ =	swait.ge [sflag:s19], $0x3E80  }
0x7e: {  	[sflag:s19] =	ssyncset.done $0x0  }
0x7f: {  	s13 =	rddreg [dreg:$0xd];
	[sflag:s19] =	ssyncadd.s32 $0xFFFFC180  }
0x80: {  	[spmem:s2] =	stream.indirect.scatter.add.f32 [tilespmem:s14], [sflag:$0x3], $0x80, s13, s18, $0xb8;
	[tilespmem:$0x1C880] =	vst v63  }
0x81: {  	_ =	swait.ge [sflag:s23], $0x3E80  }
0x82: {  	[sflag:s23] =	ssyncset.done $0x0  }
0x83: {  	s15 =	rddreg [dreg:$0xe];
	[sflag:s23] =	ssyncadd.s32 $0xFFFFC180  }
0x84: {  	[tilespmem:s20], [sflag:$0x2] =	stream.indirect.gather [hbm4b:s1+s18], $0x80, s15, s18, $0xb8;
	[tilespmem:$0x1C880] =	vst v63  }
0x85: {  	_ =	swait.ge [sflag:s21], $0x3E80  }
0x86: {  	[sflag:s21] =	ssyncset.done $0x0  }
0x87: {  	s10 =	rddreg [dreg:$0xf];
	[sflag:s21] =	ssyncadd.s32 $0xFFFFC180  }
0x88: {  	[spmem:s2] =	stream.indirect.scatter.add.f32 [tilespmem:s20], [sflag:$0x4], $0x80, s10, s18, $0xb8;
	[tilespmem:$0x1C880] =	vst v63  }
0x89: {  	_ =	swait.ge [sflag:s22], $0x3E80  }
0x8a: {  	[sflag:s22] =	ssyncset.done $0x0  }
0x8b: {  	s13 =	rddreg [dreg:$0x10];
	[sflag:s22] =	ssyncadd.s32 $0xFFFFC180  }
0x8c: {  	[tilespmem:s14], [sflag:$0x1] =	stream.indirect.gather [hbm4b:s1+s18], $0x80, s13, s18, $0xb8;
	[tilespmem:$0x1C880] =	vst v63  }
0x8d: {  	_ =	swait.ge [sflag:s19], $0x3E80  }
0x8e: {  	[sflag:s19] =	ssyncset.done $0x0  }
0x8f: {  	s15 =	rddreg [dreg:$0x11];
	[sflag:s19] =	ssyncadd.s32 $0xFFFFC180  }
0x90: {  	[spmem:s2] =	stream.indirect.scatter.add.f32 [tilespmem:s14], [sflag:$0x3], $0x80, s15, s18, $0xb8;
	[tilespmem:$0x1C880] =	vst v63  }
0x91: {  	_ =	swait.ge [sflag:s23], $0x3E80  }
0x92: {  	[sflag:s23] =	ssyncset.done $0x0  }
0x93: {  	s10 =	rddreg [dreg:$0x12];
	[sflag:s23] =	ssyncadd.s32 $0xFFFFC180  }
0x94: {  	[tilespmem:s20], [sflag:$0x2] =	stream.indirect.gather [hbm4b:s1+s18], $0x80, s10, s18, $0xb8;
	[tilespmem:$0x1C880] =	vst v63  }
0x95: {  	_ =	swait.ge [sflag:s21], $0x3E80  }
0x96: {  	[sflag:s21] =	ssyncset.done $0x0  }
0x97: {  	s13 =	rddreg [dreg:$0x13];
	[sflag:s21] =	ssyncadd.s32 $0xFFFFC180  }
0x98: {  	[spmem:s2] =	stream.indirect.scatter.add.f32 [tilespmem:s20], [sflag:$0x4], $0x80, s13, s18, $0xb8;
	[tilespmem:$0x1C880] =	vst v63  }
0x99: {  	_ =	swait.ge [sflag:s22], $0x3E80  }
0x9a: {  	[sflag:s22] =	ssyncset.done $0x0  }
0x9b: {  	s15 =	rddreg [dreg:$0x14];
	[sflag:s22] =	ssyncadd.s32 $0xFFFFC180  }
0x9c: {  	[tilespmem:s14], [sflag:$0x1] =	stream.indirect.gather [hbm4b:s1+s18], $0x80, s15, s18, $0xb8;
	[tilespmem:$0x1C880] =	vst v63  }
0x9d: {  	_ =	swait.ge [sflag:s19], $0x3E80  }
0x9e: {  	[sflag:s19] =	ssyncset.done $0x0  }
0x9f: {  	[sflag:s19] =	ssyncadd.s32 $0xFFFFC180  }
0xa0: {  	[spmem:s2] =	stream.indirect.scatter.add.f32 [tilespmem:s14], [sflag:$0x3], $0x80, s24, s18, $0xb8;
	[tilespmem:$0x1C880] =	vst v63  }
0xa1: {  	_ =	swait.ge [sflag:s23], $0x3E80  }
0xa2: {  	[sflag:s23] =	ssyncset.done $0x0  }
0xa3: {  	[sflag:s23] =	ssyncadd.s32 $0xFFFFC180  }
0xa4: {  	[tilespmem:s20], [sflag:$0x2] =	stream.indirect.gather [hbm4b:s1+s18], $0x80, s25, s18, $0xb8;
	[tilespmem:$0x1C880] =	vst v63  }
0xa5: {  	_ =	swait.ge [sflag:s21], $0x3E80  }
0xa6: {  	[sflag:s21] =	ssyncset.done $0x0  }
0xa7: {  	[sflag:s21] =	ssyncadd.s32 $0xFFFFC180  }
0xa8: {  	[spmem:s2] =	stream.indirect.scatter.add.f32 [tilespmem:s20], [sflag:$0x4], $0x80, s26, s18, $0xb8;
	[tilespmem:$0x1C880] =	vst v63  }
0xa9: {  	_ =	swait.ge [sflag:s22], $0x3E80  }
0xaa: {  	[sflag:s22] =	ssyncset.done $0x0  }
0xab: {  	[sflag:s22] =	ssyncadd.s32 $0xFFFFC180  }
0xac: {  	[tilespmem:s14], [sflag:$0x1] =	stream.indirect.gather [hbm4b:s1+s18], $0x80, s28, s18, $0xb8;
	[tilespmem:$0x1C880] =	vst v63  }
0xad: {  	_ =	swait.ge [sflag:s19], $0x3E80  }
0xae: {  	[sflag:s19] =	ssyncset.done $0x0  }
0xaf: {  	[sflag:s19] =	ssyncadd.s32 $0xFFFFC180  }
0xb0: {  	[spmem:s2] =	stream.indirect.scatter.add.f32 [tilespmem:s14], [sflag:$0x3], $0x80, s29, s18, $0xb8;
	[tilespmem:$0x1C880] =	vst v63  }
0xb1: {  	_ =	swait.ge [sflag:s23], $0x3E80  }
0xb2: {  	[sflag:s23] =	ssyncset.done $0x0  }
0xb3: {  	[sflag:s23] =	ssyncadd.s32 $0xFFFFC180  }
0xb4: {  	[tilespmem:s20], [sflag:$0x2] =	stream.indirect.gather [hbm4b:s1+s18], $0x80, s30, s18, $0xb8;
	[tilespmem:$0x1C880] =	vst v63  }
0xb5: {  	_ =	swait.ge [sflag:s21], $0x3E80  }
0xb6: {  	[sflag:s21] =	ssyncset.done $0x0  }
0xb7: {  	[sflag:s21] =	ssyncadd.s32 $0xFFFFC180  }
0xb8: {  	[spmem:s2] =	stream.indirect.scatter.add.f32 [tilespmem:s20], [sflag:$0x4], $0x80, s31, s18, $0xb8;
	[tilespmem:$0x1C880] =	vst v63  }
0xb9: {  	_ =	swait.ge [sflag:s22], $0x3E80  }
0xba: {  	[sflag:s22] =	ssyncset.done $0x0  }
0xbb: {  	[sflag:s22] =	ssyncadd.s32 $0xFFFFC180  }
0xbc: {  	[tilespmem:s14], [sflag:$0x1] =	stream.indirect.gather [hbm4b:s1+s18], $0x80, s0, s18, $0xb8;
	[tilespmem:$0x1C880] =	vst v63  }
0xbd: {  	_ =	swait.ge [sflag:s19], $0x3E80  }
0xbe: {  	[sflag:s19] =	ssyncset.done $0x0  }
0xbf: {  	[sflag:s19] =	ssyncadd.s32 $0xFFFFC180  }
0xc0: {  	[spmem:s2] =	stream.indirect.scatter.add.f32 [tilespmem:s14], [sflag:$0x3], $0x80, s4, s18, $0xb8;
	[tilespmem:$0x1C880] =	vst v63  }
0xc1: {  	_ =	swait.ge [sflag:s23], $0x3E80  }
0xc2: {  	[sflag:s23] =	ssyncset.done $0x0  }
0xc3: {  	[sflag:s23] =	ssyncadd.s32 $0xFFFFC180  }
0xc4: {  	[tilespmem:s20], [sflag:$0x2] =	stream.indirect.gather [hbm4b:s1+s18], $0x80, s6, s18, $0xb8;
	[tilespmem:$0x1C880] =	vst v63  }
0xc5: {  	_ =	swait.ge [sflag:s21], $0x3E80  }
0xc6: {  	[sflag:s21] =	ssyncset.done $0x0  }
0xc7: {  	[sflag:s21] =	ssyncadd.s32 $0xFFFFC180  }
0xc8: {  	[spmem:s2] =	stream.indirect.scatter.add.f32 [tilespmem:s20], [sflag:$0x4], $0x80, s7, s18, $0xb8;
	[tilespmem:$0x1C880] =	vst v63  }
0xc9: {  	_ =	swait.ge [sflag:s22], $0x3E80  }
0xca: {  	[sflag:s22] =	ssyncset.done $0x0  }
0xcb: {  	[sflag:s22] =	ssyncadd.s32 $0xFFFFC180  }
0xcc: {  	[tilespmem:s14], [sflag:$0x1] =	stream.indirect.gather [hbm4b:s1+s18], $0x80, s8, s18, $0xb8;
	[tilespmem:$0x1C880] =	vst v63  }
0xcd: {  	_ =	swait.ge [sflag:s19], $0x3E80  }
0xce: {  	[sflag:s19] =	ssyncset.done $0x0  }
0xcf: {  	[sflag:s19] =	ssyncadd.s32 $0xFFFFC180  }
0xd0: {  	[spmem:s2] =	stream.indirect.scatter.add.f32 [tilespmem:s14], [sflag:$0x3], $0x80, s9, s18, $0xb8;
	[tilespmem:$0x1C880] =	vst v63  }
0xd1: {  	_ =	swait.ge [sflag:s23], $0x3E80  }
0xd2: {  	[sflag:s23] =	ssyncset.done $0x0  }
0xd3: {  	[sflag:s23] =	ssyncadd.s32 $0xFFFFC180  }
0xd4: {  	[tilespmem:s20], [sflag:$0x2] =	stream.indirect.gather [hbm4b:s1+s18], $0x80, s11, s18, $0xb8;
	[tilespmem:$0x1C880] =	vst v63  }
0xd5: {  	_ =	swait.ge [sflag:s21], $0x3E80  }
0xd6: {  	[sflag:s21] =	ssyncset.done $0x0  }
0xd7: {  	[sflag:s21] =	ssyncadd.s32 $0xFFFFC180  }
0xd8: {  	[spmem:s2] =	stream.indirect.scatter.add.f32 [tilespmem:s20], [sflag:$0x4], $0x80, s12, s18, $0xb8;
	[tilespmem:$0x1C880] =	vst v63  }
0xd9: {  	_ =	swait.ge [sflag:s22], $0x3E80  }
0xda: {  	[sflag:s22] =	ssyncset.done $0x0  }
0xdb: {  	[sflag:s22] =	ssyncadd.s32 $0xFFFFC180  }
0xdc: {  	s5 =	simm.s32 $0x200;
	_ =	swait.ge [sflag:s23], $0x3E80  }
0xdd: {  	s10 =	simm.s32 $0x100;
	s13 =	rddreg [dreg:$0x5];
	[sflag:s23] =	ssyncset.done $0x0  }
.LBB2_4:
0xde: {  	[sflag:s23] =	ssyncadd.s32 $0xFFFFC180;
	s13 =	sadd.s32 s10, s13  }
0xdf: {  	[tilespmem:s3], [sflag:$0x6] =	stream.linear.gather [hbm4b:s13+s3], $0x800, $0x38;
	[tilespmem:$0x1C880] =	vst v63  }
0xe0: {  	_ =	swait.ge [sflag:s16], $0x800  }
0xe1: {  	s13 =	rddreg [dreg:$0x4];
	[sflag:s16] =	ssyncset.done $0x0  }
0xe2: {  	[sflag:s16] =	ssyncadd.s32 $0xFFFFF800;
	s13 =	sadd.s32 s10, s13  }
0xe3: {  	[tilespmem:s17], [sflag:$0x6] =	stream.linear.gather [hbm4b:s13+s3], $0x800, $0x38;
	[tilespmem:$0x1C880] =	vst v63  }
0xe4: {  	_ =	swait.ge [sflag:s16], $0x800  }
0xe5: {  	[sflag:s16] =	ssyncset.done $0x0  }
0xe6: {  	[sflag:s16] =	ssyncadd.s32 $0xFFFFF800  }
0xe7: {  	[tilespmem:s14], [sflag:$0x1] =	stream.indirect.gather [hbm4b:s1+s18], $0x80, s3, s18, $0xb8;
	[tilespmem:$0x1C880] =	vst v63  }
0xe8: {  	_ =	swait.ge [sflag:s19], $0x3E80  }
0xe9: {  	[sflag:s19] =	ssyncset.done $0x0  }
0xea: {  	s15 =	smov.u32 s5;
	[sflag:s19] =	ssyncadd.s32 $0xFFFFC180  }
0xeb: {  	[spmem:s2] =	stream.indirect.scatter.add.f32 [tilespmem:s14], [sflag:$0x3], $0x80, s17, s18, $0xb8;
	[tilespmem:$0x1C880] =	vst v63  }
0xec: {  	s10 =	smov.u32 s15;
	s15 =	rddreg [dreg:$0x6]  }
0xed: {  	[tilespmem:s20], [sflag:$0x2] =	stream.indirect.gather [hbm4b:s1+s18], $0x80, s15, s18, $0xb8;
	[tilespmem:$0x1C880] =	vst v63  }
0xee: {  	_ =	swait.ge [sflag:s21], $0x3E80  }
0xef: {  	[sflag:s21] =	ssyncset.done $0x0  }
0xf0: {  	s15 =	rddreg [dreg:$0x7];
	[sflag:s21] =	ssyncadd.s32 $0xFFFFC180  }
0xf1: {  	[spmem:s2] =	stream.indirect.scatter.add.f32 [tilespmem:s20], [sflag:$0x4], $0x80, s15, s18, $0xb8;
	[tilespmem:$0x1C880] =	vst v63  }
0xf2: {  	_ =	swait.ge [sflag:s22], $0x3E80  }
0xf3: {  	[sflag:s22] =	ssyncset.done $0x0  }
0xf4: {  	s15 =	rddreg [dreg:$0x8];
	[sflag:s22] =	ssyncadd.s32 $0xFFFFC180  }
0xf5: {  	[tilespmem:s14], [sflag:$0x1] =	stream.indirect.gather [hbm4b:s1+s18], $0x80, s15, s18, $0xb8;
	[tilespmem:$0x1C880] =	vst v63  }
0xf6: {  	_ =	swait.ge [sflag:s19], $0x3E80  }
0xf7: {  	[sflag:s19] =	ssyncset.done $0x0  }
0xf8: {  	s15 =	rddreg [dreg:$0x9];
	[sflag:s19] =	ssyncadd.s32 $0xFFFFC180  }
0xf9: {  	[spmem:s2] =	stream.indirect.scatter.add.f32 [tilespmem:s14], [sflag:$0x3], $0x80, s15, s18, $0xb8;
	[tilespmem:$0x1C880] =	vst v63  }
0xfa: {  	_ =	swait.ge [sflag:s23], $0x3E80  }
0xfb: {  	[sflag:s23] =	ssyncset.done $0x0  }
0xfc: {  	s15 =	rddreg [dreg:$0xa];
	[sflag:s23] =	ssyncadd.s32 $0xFFFFC180  }
0xfd: {  	[tilespmem:s20], [sflag:$0x2] =	stream.indirect.gather [hbm4b:s1+s18], $0x80, s15, s18, $0xb8;
	[tilespmem:$0x1C880] =	vst v63  }
0xfe: {  	_ =	swait.ge [sflag:s21], $0x3E80  }
0xff: {  	[sflag:s21] =	ssyncset.done $0x0  }
0x100: {  	s15 =	rddreg [dreg:$0xb];
	[sflag:s21] =	ssyncadd.s32 $0xFFFFC180  }
0x101: {  	[spmem:s2] =	stream.indirect.scatter.add.f32 [tilespmem:s20], [sflag:$0x4], $0x80, s15, s18, $0xb8;
	[tilespmem:$0x1C880] =	vst v63  }
0x102: {  	_ =	swait.ge [sflag:s22], $0x3E80  }
0x103: {  	[sflag:s22] =	ssyncset.done $0x0  }
0x104: {  	s15 =	rddreg [dreg:$0xc];
	[sflag:s22] =	ssyncadd.s32 $0xFFFFC180  }
0x105: {  	[tilespmem:s14], [sflag:$0x1] =	stream.indirect.gather [hbm4b:s1+s18], $0x80, s15, s18, $0xb8;
	[tilespmem:$0x1C880] =	vst v63  }
0x106: {  	_ =	swait.ge [sflag:s19], $0x3E80  }
0x107: {  	[sflag:s19] =	ssyncset.done $0x0  }
0x108: {  	s15 =	rddreg [dreg:$0xd];
	[sflag:s19] =	ssyncadd.s32 $0xFFFFC180  }
0x109: {  	[spmem:s2] =	stream.indirect.scatter.add.f32 [tilespmem:s14], [sflag:$0x3], $0x80, s15, s18, $0xb8;
	[tilespmem:$0x1C880] =	vst v63  }
0x10a: {  	_ =	swait.ge [sflag:s23], $0x3E80  }
0x10b: {  	[sflag:s23] =	ssyncset.done $0x0  }
0x10c: {  	s15 =	rddreg [dreg:$0xe];
	[sflag:s23] =	ssyncadd.s32 $0xFFFFC180  }
0x10d: {  	[tilespmem:s20], [sflag:$0x2] =	stream.indirect.gather [hbm4b:s1+s18], $0x80, s15, s18, $0xb8;
	[tilespmem:$0x1C880] =	vst v63  }
0x10e: {  	_ =	swait.ge [sflag:s21], $0x3E80  }
0x10f: {  	[sflag:s21] =	ssyncset.done $0x0  }
0x110: {  	s15 =	rddreg [dreg:$0xf];
	[sflag:s21] =	ssyncadd.s32 $0xFFFFC180  }
0x111: {  	[spmem:s2] =	stream.indirect.scatter.add.f32 [tilespmem:s20], [sflag:$0x4], $0x80, s15, s18, $0xb8;
	[tilespmem:$0x1C880] =	vst v63  }
0x112: {  	_ =	swait.ge [sflag:s22], $0x3E80  }
0x113: {  	[sflag:s22] =	ssyncset.done $0x0  }
0x114: {  	s15 =	rddreg [dreg:$0x10];
	[sflag:s22] =	ssyncadd.s32 $0xFFFFC180  }
0x115: {  	[tilespmem:s14], [sflag:$0x1] =	stream.indirect.gather [hbm4b:s1+s18], $0x80, s15, s18, $0xb8;
	[tilespmem:$0x1C880] =	vst v63  }
0x116: {  	_ =	swait.ge [sflag:s19], $0x3E80  }
0x117: {  	[sflag:s19] =	ssyncset.done $0x0  }
0x118: {  	s15 =	rddreg [dreg:$0x11];
	[sflag:s19] =	ssyncadd.s32 $0xFFFFC180  }
0x119: {  	[spmem:s2] =	stream.indirect.scatter.add.f32 [tilespmem:s14], [sflag:$0x3], $0x80, s15, s18, $0xb8;
	[tilespmem:$0x1C880] =	vst v63  }
0x11a: {  	_ =	swait.ge [sflag:s23], $0x3E80  }
0x11b: {  	[sflag:s23] =	ssyncset.done $0x0  }
0x11c: {  	s15 =	rddreg [dreg:$0x12];
	[sflag:s23] =	ssyncadd.s32 $0xFFFFC180  }
0x11d: {  	[tilespmem:s20], [sflag:$0x2] =	stream.indirect.gather [hbm4b:s1+s18], $0x80, s15, s18, $0xb8;
	[tilespmem:$0x1C880] =	vst v63  }
0x11e: {  	_ =	swait.ge [sflag:s21], $0x3E80  }
0x11f: {  	[sflag:s21] =	ssyncset.done $0x0  }
0x120: {  	s15 =	rddreg [dreg:$0x13];
	[sflag:s21] =	ssyncadd.s32 $0xFFFFC180  }
0x121: {  	[spmem:s2] =	stream.indirect.scatter.add.f32 [tilespmem:s20], [sflag:$0x4], $0x80, s15, s18, $0xb8;
	[tilespmem:$0x1C880] =	vst v63  }
0x122: {  	_ =	swait.ge [sflag:s22], $0x3E80  }
0x123: {  	[sflag:s22] =	ssyncset.done $0x0  }
0x124: {  	s15 =	rddreg [dreg:$0x14];
	[sflag:s22] =	ssyncadd.s32 $0xFFFFC180  }
0x125: {  	[tilespmem:s14], [sflag:$0x1] =	stream.indirect.gather [hbm4b:s1+s18], $0x80, s15, s18, $0xb8;
	[tilespmem:$0x1C880] =	vst v63  }
0x126: {  	_ =	swait.ge [sflag:s19], $0x3E80  }
0x127: {  	[sflag:s19] =	ssyncset.done $0x0  }
0x128: {  	[sflag:s19] =	ssyncadd.s32 $0xFFFFC180  }
0x129: {  	[spmem:s2] =	stream.indirect.scatter.add.f32 [tilespmem:s14], [sflag:$0x3], $0x80, s24, s18, $0xb8;
	[tilespmem:$0x1C880] =	vst v63  }
0x12a: {  	_ =	swait.ge [sflag:s23], $0x3E80  }
0x12b: {  	[sflag:s23] =	ssyncset.done $0x0  }
0x12c: {  	[sflag:s23] =	ssyncadd.s32 $0xFFFFC180  }
0x12d: {  	[tilespmem:s20], [sflag:$0x2] =	stream.indirect.gather [hbm4b:s1+s18], $0x80, s25, s18, $0xb8;
	[tilespmem:$0x1C880] =	vst v63  }
0x12e: {  	_ =	swait.ge [sflag:s21], $0x3E80  }
0x12f: {  	[sflag:s21] =	ssyncset.done $0x0  }
0x130: {  	[sflag:s21] =	ssyncadd.s32 $0xFFFFC180  }
0x131: {  	[spmem:s2] =	stream.indirect.scatter.add.f32 [tilespmem:s20], [sflag:$0x4], $0x80, s26, s18, $0xb8;
	[tilespmem:$0x1C880] =	vst v63  }
0x132: {  	_ =	swait.ge [sflag:s22], $0x3E80  }
0x133: {  	[sflag:s22] =	ssyncset.done $0x0  }
0x134: {  	[sflag:s22] =	ssyncadd.s32 $0xFFFFC180  }
0x135: {  	[tilespmem:s14], [sflag:$0x1] =	stream.indirect.gather [hbm4b:s1+s18], $0x80, s28, s18, $0xb8;
	[tilespmem:$0x1C880] =	vst v63  }
0x136: {  	_ =	swait.ge [sflag:s19], $0x3E80  }
0x137: {  	[sflag:s19] =	ssyncset.done $0x0  }
0x138: {  	[sflag:s19] =	ssyncadd.s32 $0xFFFFC180  }
0x139: {  	[spmem:s2] =	stream.indirect.scatter.add.f32 [tilespmem:s14], [sflag:$0x3], $0x80, s29, s18, $0xb8;
	[tilespmem:$0x1C880] =	vst v63  }
0x13a: {  	_ =	swait.ge [sflag:s23], $0x3E80  }
0x13b: {  	[sflag:s23] =	ssyncset.done $0x0  }
0x13c: {  	[sflag:s23] =	ssyncadd.s32 $0xFFFFC180  }
0x13d: {  	[tilespmem:s20], [sflag:$0x2] =	stream.indirect.gather [hbm4b:s1+s18], $0x80, s30, s18, $0xb8;
	[tilespmem:$0x1C880] =	vst v63  }
0x13e: {  	_ =	swait.ge [sflag:s21], $0x3E80  }
0x13f: {  	[sflag:s21] =	ssyncset.done $0x0  }
0x140: {  	[sflag:s21] =	ssyncadd.s32 $0xFFFFC180  }
0x141: {  	[spmem:s2] =	stream.indirect.scatter.add.f32 [tilespmem:s20], [sflag:$0x4], $0x80, s31, s18, $0xb8;
	[tilespmem:$0x1C880] =	vst v63  }
0x142: {  	_ =	swait.ge [sflag:s22], $0x3E80  }
0x143: {  	[sflag:s22] =	ssyncset.done $0x0  }
0x144: {  	[sflag:s22] =	ssyncadd.s32 $0xFFFFC180  }
0x145: {  	[tilespmem:s14], [sflag:$0x1] =	stream.indirect.gather [hbm4b:s1+s18], $0x80, s0, s18, $0xb8;
	[tilespmem:$0x1C880] =	vst v63  }
0x146: {  	_ =	swait.ge [sflag:s19], $0x3E80  }
0x147: {  	[sflag:s19] =	ssyncset.done $0x0  }
0x148: {  	[sflag:s19] =	ssyncadd.s32 $0xFFFFC180  }
0x149: {  	[spmem:s2] =	stream.indirect.scatter.add.f32 [tilespmem:s14], [sflag:$0x3], $0x80, s4, s18, $0xb8;
	[tilespmem:$0x1C880] =	vst v63  }
0x14a: {  	_ =	swait.ge [sflag:s23], $0x3E80  }
0x14b: {  	[sflag:s23] =	ssyncset.done $0x0  }
0x14c: {  	[sflag:s23] =	ssyncadd.s32 $0xFFFFC180  }
0x14d: {  	[tilespmem:s20], [sflag:$0x2] =	stream.indirect.gather [hbm4b:s1+s18], $0x80, s6, s18, $0xb8;
	[tilespmem:$0x1C880] =	vst v63  }
0x14e: {  	_ =	swait.ge [sflag:s21], $0x3E80  }
0x14f: {  	[sflag:s21] =	ssyncset.done $0x0  }
0x150: {  	[sflag:s21] =	ssyncadd.s32 $0xFFFFC180  }
0x151: {  	[spmem:s2] =	stream.indirect.scatter.add.f32 [tilespmem:s20], [sflag:$0x4], $0x80, s7, s18, $0xb8;
	[tilespmem:$0x1C880] =	vst v63  }
0x152: {  	_ =	swait.ge [sflag:s22], $0x3E80  }
0x153: {  	[sflag:s22] =	ssyncset.done $0x0  }
0x154: {  	[sflag:s22] =	ssyncadd.s32 $0xFFFFC180  }
0x155: {  	[tilespmem:s14], [sflag:$0x1] =	stream.indirect.gather [hbm4b:s1+s18], $0x80, s8, s18, $0xb8;
	[tilespmem:$0x1C880] =	vst v63  }
0x156: {  	_ =	swait.ge [sflag:s19], $0x3E80  }
0x157: {  	[sflag:s19] =	ssyncset.done $0x0  }
0x158: {  	[sflag:s19] =	ssyncadd.s32 $0xFFFFC180  }
0x159: {  	[spmem:s2] =	stream.indirect.scatter.add.f32 [tilespmem:s14], [sflag:$0x3], $0x80, s9, s18, $0xb8;
	[tilespmem:$0x1C880] =	vst v63  }
0x15a: {  	_ =	swait.ge [sflag:s23], $0x3E80  }
0x15b: {  	[sflag:s23] =	ssyncset.done $0x0  }
0x15c: {  	[sflag:s23] =	ssyncadd.s32 $0xFFFFC180  }
0x15d: {  	[tilespmem:s20], [sflag:$0x2] =	stream.indirect.gather [hbm4b:s1+s18], $0x80, s11, s18, $0xb8;
	[tilespmem:$0x1C880] =	vst v63  }
0x15e: {  	_ =	swait.ge [sflag:s21], $0x3E80  }
0x15f: {  	[sflag:s21] =	ssyncset.done $0x0  }
0x160: {  	p1 =	sne.s32 s5, $0x400;
	[sflag:s21] =	ssyncadd.s32 $0xFFFFC180  }
0x161: {  	[spmem:s2] =	stream.indirect.scatter.add.f32 [tilespmem:s20], [sflag:$0x4], $0x80, s12, s18, $0xb8;
	[tilespmem:$0x1C880] =	vst v63  }
.Ltmp1:
0x162: {  	_ =	swait.ge [sflag:s22], $0x3E80;
	(pc) =	sbr.rel @p1 .LBB2_4-.Ltmp1, $4  }
0x163: {  	[sflag:s22] =	ssyncset.done $0x0  }
0x164: {  	[sflag:s22] =	ssyncadd.s32 $0xFFFFC180  }
0x165: {  	_ =	swait.ge [sflag:s23], $0x3E80  }
0x166: {  	s5 =	sadd.s32 $0x100, s5;
	s13 =	rddreg [dreg:$0x5];
	[sflag:s23] =	ssyncset.done $0x0  }
0x167: {  	[sflag:s23] =	ssyncadd.s32 $0xFFFFC180;
	s5 =	sadd.s32 s10, s13  }
0x168: {  	[tilespmem:s3], [sflag:$0x6] =	stream.linear.gather [hbm4b:s5+s3], $0x800, $0x38;
	[tilespmem:$0x1C880] =	vst v63  }
0x169: {  	_ =	swait.ge [sflag:s16], $0x800  }
0x16a: {  	s15 =	rddreg [dreg:$0x4];
	[sflag:s16] =	ssyncset.done $0x0  }
0x16b: {  	[sflag:s16] =	ssyncadd.s32 $0xFFFFF800;
	s5 =	sadd.s32 s10, s15  }
0x16c: {  	[tilespmem:s17], [sflag:$0x6] =	stream.linear.gather [hbm4b:s5+s3], $0x800, $0x38;
	[tilespmem:$0x1C880] =	vst v63  }
0x16d: {  	_ =	swait.ge [sflag:s16], $0x800  }
0x16e: {  	[sflag:s16] =	ssyncset.done $0x0  }
0x16f: {  	[sflag:s16] =	ssyncadd.s32 $0xFFFFF800  }
0x170: {  	[tilespmem:s14], [sflag:$0x1] =	stream.indirect.gather [hbm4b:s1+s18], $0x80, s3, s18, $0xb8;
	[tilespmem:$0x1C880] =	vst v63  }
0x171: {  	_ =	swait.ge [sflag:s19], $0x3E80  }
0x172: {  	[sflag:s19] =	ssyncset.done $0x0  }
0x173: {  	[sflag:s19] =	ssyncadd.s32 $0xFFFFC180  }
0x174: {  	[spmem:s2] =	stream.indirect.scatter.add.f32 [tilespmem:s14], [sflag:$0x3], $0x80, s17, s18, $0xb8;
	[tilespmem:$0x1C880] =	vst v63  }
0x175: {  	s13 =	rddreg [dreg:$0x6]  }
0x176: {  	[tilespmem:s20], [sflag:$0x2] =	stream.indirect.gather [hbm4b:s1+s18], $0x80, s13, s18, $0xb8;
	[tilespmem:$0x1C880] =	vst v63  }
0x177: {  	_ =	swait.ge [sflag:s21], $0x3E80  }
0x178: {  	[sflag:s21] =	ssyncset.done $0x0  }
0x179: {  	s15 =	rddreg [dreg:$0x7];
	[sflag:s21] =	ssyncadd.s32 $0xFFFFC180  }
0x17a: {  	[spmem:s2] =	stream.indirect.scatter.add.f32 [tilespmem:s20], [sflag:$0x4], $0x80, s15, s18, $0xb8;
	[tilespmem:$0x1C880] =	vst v63  }
0x17b: {  	_ =	swait.ge [sflag:s22], $0x3E80  }
0x17c: {  	[sflag:s22] =	ssyncset.done $0x0  }
0x17d: {  	s10 =	rddreg [dreg:$0x8];
	[sflag:s22] =	ssyncadd.s32 $0xFFFFC180  }
0x17e: {  	[tilespmem:s14], [sflag:$0x1] =	stream.indirect.gather [hbm4b:s1+s18], $0x80, s10, s18, $0xb8;
	[tilespmem:$0x1C880] =	vst v63  }
0x17f: {  	_ =	swait.ge [sflag:s19], $0x3E80  }
0x180: {  	[sflag:s19] =	ssyncset.done $0x0  }
0x181: {  	s13 =	rddreg [dreg:$0x9];
	[sflag:s19] =	ssyncadd.s32 $0xFFFFC180  }
0x182: {  	[spmem:s2] =	stream.indirect.scatter.add.f32 [tilespmem:s14], [sflag:$0x3], $0x80, s13, s18, $0xb8;
	[tilespmem:$0x1C880] =	vst v63  }
0x183: {  	_ =	swait.ge [sflag:s23], $0x3E80  }
0x184: {  	[sflag:s23] =	ssyncset.done $0x0  }
0x185: {  	s15 =	rddreg [dreg:$0xa];
	[sflag:s23] =	ssyncadd.s32 $0xFFFFC180  }
0x186: {  	[tilespmem:s20], [sflag:$0x2] =	stream.indirect.gather [hbm4b:s1+s18], $0x80, s15, s18, $0xb8;
	[tilespmem:$0x1C880] =	vst v63  }
0x187: {  	_ =	swait.ge [sflag:s21], $0x3E80  }
0x188: {  	[sflag:s21] =	ssyncset.done $0x0  }
0x189: {  	s10 =	rddreg [dreg:$0xb];
	[sflag:s21] =	ssyncadd.s32 $0xFFFFC180  }
0x18a: {  	[spmem:s2] =	stream.indirect.scatter.add.f32 [tilespmem:s20], [sflag:$0x4], $0x80, s10, s18, $0xb8;
	[tilespmem:$0x1C880] =	vst v63  }
0x18b: {  	_ =	swait.ge [sflag:s22], $0x3E80  }
0x18c: {  	[sflag:s22] =	ssyncset.done $0x0  }
0x18d: {  	s13 =	rddreg [dreg:$0xc];
	[sflag:s22] =	ssyncadd.s32 $0xFFFFC180  }
0x18e: {  	[tilespmem:s14], [sflag:$0x1] =	stream.indirect.gather [hbm4b:s1+s18], $0x80, s13, s18, $0xb8;
	[tilespmem:$0x1C880] =	vst v63  }
0x18f: {  	_ =	swait.ge [sflag:s19], $0x3E80  }
0x190: {  	[sflag:s19] =	ssyncset.done $0x0  }
0x191: {  	s15 =	rddreg [dreg:$0xd];
	[sflag:s19] =	ssyncadd.s32 $0xFFFFC180  }
0x192: {  	[spmem:s2] =	stream.indirect.scatter.add.f32 [tilespmem:s14], [sflag:$0x3], $0x80, s15, s18, $0xb8;
	[tilespmem:$0x1C880] =	vst v63  }
0x193: {  	_ =	swait.ge [sflag:s23], $0x3E80  }
0x194: {  	[sflag:s23] =	ssyncset.done $0x0  }
0x195: {  	s10 =	rddreg [dreg:$0xe];
	[sflag:s23] =	ssyncadd.s32 $0xFFFFC180  }
0x196: {  	[tilespmem:s20], [sflag:$0x2] =	stream.indirect.gather [hbm4b:s1+s18], $0x80, s10, s18, $0xb8;
	[tilespmem:$0x1C880] =	vst v63  }
0x197: {  	_ =	swait.ge [sflag:s21], $0x3E80  }
0x198: {  	[sflag:s21] =	ssyncset.done $0x0  }
0x199: {  	s13 =	rddreg [dreg:$0xf];
	[sflag:s21] =	ssyncadd.s32 $0xFFFFC180  }
0x19a: {  	[spmem:s2] =	stream.indirect.scatter.add.f32 [tilespmem:s20], [sflag:$0x4], $0x80, s13, s18, $0xb8;
	[tilespmem:$0x1C880] =	vst v63  }
0x19b: {  	_ =	swait.ge [sflag:s22], $0x3E80  }
0x19c: {  	[sflag:s22] =	ssyncset.done $0x0  }
0x19d: {  	s15 =	rddreg [dreg:$0x10];
	[sflag:s22] =	ssyncadd.s32 $0xFFFFC180  }
0x19e: {  	[tilespmem:s14], [sflag:$0x1] =	stream.indirect.gather [hbm4b:s1+s18], $0x80, s15, s18, $0xb8;
	[tilespmem:$0x1C880] =	vst v63  }
0x19f: {  	_ =	swait.ge [sflag:s19], $0x3E80  }
0x1a0: {  	[sflag:s19] =	ssyncset.done $0x0  }
0x1a1: {  	s10 =	rddreg [dreg:$0x11];
	[sflag:s19] =	ssyncadd.s32 $0xFFFFC180  }
0x1a2: {  	[spmem:s2] =	stream.indirect.scatter.add.f32 [tilespmem:s14], [sflag:$0x3], $0x80, s10, s18, $0xb8;
	[tilespmem:$0x1C880] =	vst v63  }
0x1a3: {  	_ =	swait.ge [sflag:s23], $0x3E80  }
0x1a4: {  	[sflag:s23] =	ssyncset.done $0x0  }
0x1a5: {  	s13 =	rddreg [dreg:$0x12];
	[sflag:s23] =	ssyncadd.s32 $0xFFFFC180  }
0x1a6: {  	[tilespmem:s20], [sflag:$0x2] =	stream.indirect.gather [hbm4b:s1+s18], $0x80, s13, s18, $0xb8;
	[tilespmem:$0x1C880] =	vst v63  }
0x1a7: {  	_ =	swait.ge [sflag:s21], $0x3E80  }
0x1a8: {  	[sflag:s21] =	ssyncset.done $0x0  }
0x1a9: {  	s15 =	rddreg [dreg:$0x13];
	[sflag:s21] =	ssyncadd.s32 $0xFFFFC180  }
0x1aa: {  	[spmem:s2] =	stream.indirect.scatter.add.f32 [tilespmem:s20], [sflag:$0x4], $0x80, s15, s18, $0xb8;
	[tilespmem:$0x1C880] =	vst v63  }
0x1ab: {  	_ =	swait.ge [sflag:s22], $0x3E80  }
0x1ac: {  	[sflag:s22] =	ssyncset.done $0x0  }
0x1ad: {  	s10 =	rddreg [dreg:$0x14];
	[sflag:s22] =	ssyncadd.s32 $0xFFFFC180  }
0x1ae: {  	[tilespmem:s14], [sflag:$0x1] =	stream.indirect.gather [hbm4b:s1+s18], $0x80, s10, s18, $0xb8;
	[tilespmem:$0x1C880] =	vst v63  }
0x1af: {  	_ =	swait.ge [sflag:s19], $0x3E80  }
0x1b0: {  	[sflag:s19] =	ssyncset.done $0x0  }
0x1b1: {  	[sflag:s19] =	ssyncadd.s32 $0xFFFFC180  }
0x1b2: {  	[spmem:s2] =	stream.indirect.scatter.add.f32 [tilespmem:s14], [sflag:$0x3], $0x80, s24, s18, $0xb8;
	[tilespmem:$0x1C880] =	vst v63  }
0x1b3: {  	_ =	swait.ge [sflag:s23], $0x3E80  }
0x1b4: {  	[sflag:s23] =	ssyncset.done $0x0  }
0x1b5: {  	[sflag:s23] =	ssyncadd.s32 $0xFFFFC180  }
0x1b6: {  	[tilespmem:s20], [sflag:$0x2] =	stream.indirect.gather [hbm4b:s1+s18], $0x80, s25, s18, $0xb8;
	[tilespmem:$0x1C880] =	vst v63  }
0x1b7: {  	_ =	swait.ge [sflag:s21], $0x3E80  }
0x1b8: {  	[sflag:s21] =	ssyncset.done $0x0  }
0x1b9: {  	[sflag:s21] =	ssyncadd.s32 $0xFFFFC180  }
0x1ba: {  	[spmem:s2] =	stream.indirect.scatter.add.f32 [tilespmem:s20], [sflag:$0x4], $0x80, s26, s18, $0xb8;
	[tilespmem:$0x1C880] =	vst v63  }
0x1bb: {  	_ =	swait.ge [sflag:s22], $0x3E80  }
0x1bc: {  	[sflag:s22] =	ssyncset.done $0x0  }
0x1bd: {  	[sflag:s22] =	ssyncadd.s32 $0xFFFFC180  }
0x1be: {  	[tilespmem:s14], [sflag:$0x1] =	stream.indirect.gather [hbm4b:s1+s18], $0x80, s28, s18, $0xb8;
	[tilespmem:$0x1C880] =	vst v63  }
0x1bf: {  	_ =	swait.ge [sflag:s19], $0x3E80  }
0x1c0: {  	[sflag:s19] =	ssyncset.done $0x0  }
0x1c1: {  	[sflag:s19] =	ssyncadd.s32 $0xFFFFC180  }
0x1c2: {  	[spmem:s2] =	stream.indirect.scatter.add.f32 [tilespmem:s14], [sflag:$0x3], $0x80, s29, s18, $0xb8;
	[tilespmem:$0x1C880] =	vst v63  }
0x1c3: {  	_ =	swait.ge [sflag:s23], $0x3E80  }
0x1c4: {  	[sflag:s23] =	ssyncset.done $0x0  }
0x1c5: {  	[sflag:s23] =	ssyncadd.s32 $0xFFFFC180  }
0x1c6: {  	[tilespmem:s20], [sflag:$0x2] =	stream.indirect.gather [hbm4b:s1+s18], $0x80, s30, s18, $0xb8;
	[tilespmem:$0x1C880] =	vst v63  }
0x1c7: {  	_ =	swait.ge [sflag:s21], $0x3E80  }
0x1c8: {  	[sflag:s21] =	ssyncset.done $0x0  }
0x1c9: {  	[sflag:s21] =	ssyncadd.s32 $0xFFFFC180  }
0x1ca: {  	[spmem:s2] =	stream.indirect.scatter.add.f32 [tilespmem:s20], [sflag:$0x4], $0x80, s31, s18, $0xb8;
	[tilespmem:$0x1C880] =	vst v63  }
0x1cb: {  	_ =	swait.ge [sflag:s22], $0x3E80  }
0x1cc: {  	[sflag:s22] =	ssyncset.done $0x0  }
0x1cd: {  	[sflag:s22] =	ssyncadd.s32 $0xFFFFC180  }
0x1ce: {  	[tilespmem:s14], [sflag:$0x1] =	stream.indirect.gather [hbm4b:s1+s18], $0x80, s0, s18, $0xb8;
	[tilespmem:$0x1C880] =	vst v63  }
0x1cf: {  	_ =	swait.ge [sflag:s19], $0x3E80  }
0x1d0: {  	[sflag:s19] =	ssyncset.done $0x0  }
0x1d1: {  	[sflag:s19] =	ssyncadd.s32 $0xFFFFC180  }
0x1d2: {  	[spmem:s2] =	stream.indirect.scatter.add.f32 [tilespmem:s14], [sflag:$0x3], $0x80, s4, s18, $0xb8;
	[tilespmem:$0x1C880] =	vst v63  }
0x1d3: {  	_ =	swait.ge [sflag:s23], $0x3E80  }
0x1d4: {  	[sflag:s23] =	ssyncset.done $0x0  }
0x1d5: {  	[sflag:s23] =	ssyncadd.s32 $0xFFFFC180  }
0x1d6: {  	[tilespmem:s20], [sflag:$0x2] =	stream.indirect.gather [hbm4b:s1+s18], $0x80, s6, s18, $0xb8;
	[tilespmem:$0x1C880] =	vst v63  }
0x1d7: {  	_ =	swait.ge [sflag:s21], $0x3E80  }
0x1d8: {  	[sflag:s21] =	ssyncset.done $0x0  }
0x1d9: {  	[sflag:s21] =	ssyncadd.s32 $0xFFFFC180  }
0x1da: {  	[spmem:s2] =	stream.indirect.scatter.add.f32 [tilespmem:s20], [sflag:$0x4], $0x80, s7, s18, $0xb8;
	[tilespmem:$0x1C880] =	vst v63  }
0x1db: {  	_ =	swait.ge [sflag:s22], $0x3E80  }
0x1dc: {  	[sflag:s22] =	ssyncset.done $0x0  }
0x1dd: {  	[sflag:s22] =	ssyncadd.s32 $0xFFFFC180  }
0x1de: {  	[tilespmem:s14], [sflag:$0x1] =	stream.indirect.gather [hbm4b:s1+s18], $0x80, s8, s18, $0xb8;
	[tilespmem:$0x1C880] =	vst v63  }
0x1df: {  	_ =	swait.ge [sflag:s19], $0x3E80  }
0x1e0: {  	[sflag:s19] =	ssyncset.done $0x0  }
0x1e1: {  	[sflag:s19] =	ssyncadd.s32 $0xFFFFC180  }
0x1e2: {  	[spmem:s2] =	stream.indirect.scatter.add.f32 [tilespmem:s14], [sflag:$0x3], $0x80, s9, s18, $0xb8;
	[tilespmem:$0x1C880] =	vst v63  }
0x1e3: {  	_ =	swait.ge [sflag:s23], $0x3E80  }
0x1e4: {  	[sflag:s23] =	ssyncset.done $0x0  }
0x1e5: {  	[sflag:s23] =	ssyncadd.s32 $0xFFFFC180  }
0x1e6: {  	[tilespmem:s20], [sflag:$0x2] =	stream.indirect.gather [hbm4b:s1+s18], $0x80, s11, s18, $0xb8;
	[tilespmem:$0x1C880] =	vst v63  }
0x1e7: {  	_ =	swait.ge [sflag:s21], $0x3E80  }
0x1e8: {  	[sflag:s21] =	ssyncset.done $0x0  }
0x1e9: {  	[sflag:s21] =	ssyncadd.s32 $0xFFFFC180  }
0x1ea: {  	[spmem:s2] =	stream.indirect.scatter.add.f32 [tilespmem:s20], [sflag:$0x4], $0x80, s12, s18, $0xb8;
	[tilespmem:$0x1C880] =	vst v63  }
0x1eb: {  	_ =	swait.ge [sflag:s22], $0x3E80  }
0x1ec: {  	[sflag:s22] =	ssyncset.done $0x0  }
0x1ed: {  	[sflag:s22] =	ssyncadd.s32 $0xFFFFC180  }
0x1ee: {  	_ =	swait.ge [sflag:s23], $0x3E80  }
0x1ef: {  	[sflag:s23] =	ssyncset.done $0x0  }
0x1f0: {  	[sflag:s23] =	ssyncadd.s32 $0xFFFFC180  }
0x1f1: {  	s13 =	stileid.u32;
	[bflag:$0x0] =	sbarrier.arrive $0xFFFF  }
0x1f2: {  	s5 =	sshll.u32 s13, $0x6;
	s15 =	rddreg [dreg:$0x15]  }
0x1f3: {  	s5 =	sor.u32 $0x1C06, s5;
	s10 =	sshrl.u32 s15, $0x3;
	s15 =	rddreg [dreg:$0x1b]  }
0x1f4: {  	[hbm:s15], [sflag:s5] =	dma.local [spmem:s10], $0x2700  }
0x1f5: {  	_ =	swait.ge [sflag:s16], $0x2700  }
0x1f6: {  	[sflag:s16] =	ssyncset.done $0x0;
	s15 =	rddreg [dreg:$0x1a]  }
0x1f7: {  	s13 =	rddreg [dreg:$0x1c];
	[sflag:s16] =	ssyncadd.s32 $0xFFFFD900;
	s10 =	sshrl.u32 @!p0 s15, $0x3  }
0x1f8: {  	[hbm:s13], [sflag:s5] =	dma.local @!p0 [spmem:s10], $0x100  }
0x1f9: {  	s5 =	simm.s32 @!p0 $0x6  }
0x1fa: {  	_ =	swait.ge @!p0 [sflag:s5], $0x100  }
0x1fb: {  	s10 =	rddreg [dreg:$0x1e]  }
0x1fc: {  	s13 =	sadd.s32 $0x1, s10;
	s10 =	rddreg [dreg:$0x1d]  }
0x1fd: {  	p1 =	sne.s32 s13, s10  }
.Ltmp2:
0x1fe: {  	_ = 	snop;
	(pc) =	sbr.rel @p1 .LBB2_1-.Ltmp2, $3  }
0x1ff: {  	_ =	sdelay $0x1  }
0x200: {  	[sflag:s5] =	ssyncset.done @!p0 $0x0  }
0x201: {  	[sflag:s5] =	ssyncadd.s32 @!p0 $0xFFFFFF00  }
0x202: {  	_ =	sfence.sel $0x180000  }
0x203: {  	[bflag:$0x0] =	sbarrier.arrive $0xFFFF  }
0x204: {  	_ =	strace $0x90000047  }
0x205: {  	[bflag:$0x2] =	sbarrier.arrive $0xFFFF  }
0x206: {  	s0 =	rddreg [dreg:$0x3]  }
0x207: {  	s0 =	sadd.s32 @!p0 $0x100000, s0  }
0x208: {  	[sflag:s0] =	ssyncadd.tile.s32 @!p0 $0x1;
	_ =	shalt  }
.Lfunc_end2:
_tile_overlayer_lowered:
.L_overlay_start_2:
0x209: {  	(tag) =	ssettag $0x2  }
0x20a: {  	s0 =	rddreg [dreg:$0x0];
	s2 =	stileid.u32  }
0x20b: {  	s1 =	rddreg [dreg:$0x1];
	p0 =	sne.s32 s2, $0x0  }
0x20c: {  	s3 =	rddreg [dreg:$0x2];
	[bflag:$0x3] =	sbarrier.arrive $0xFFFF;
	s2 =	simm.s32 @!p0 $0x1C06  }
0x20d: {  	[timem:s3], [sflag:s2] =	dma.local @!p0 [hbm:s0], s1  }
0x20e: {  	s0 =	simm.s32 @!p0 $0x6  }
0x20f: {  	_ =	swait.ge @!p0 [sflag:s0], s1  }
0x210: {  	s1 =	ssub.s32 @!p0 $0x0, s1;
	[sflag:s0] =	ssyncset.done @!p0 $0x0  }
0x211: {  	[sflag:s0] =	ssyncadd.s32 @!p0 s1  }
0x212: {  	[bflag:$0x3] =	sbarrier.arrive $0xFFFF  }
0x213: {  	_ =	shalt  }

// kernel: kernel.9.cloned.1.call-start
scs
__scs_entry_jumppad:
0x0: {  	(pc) =	sbr.rel $0x88, $3  }
0x1: {  	(tag) =	ssettag $0x0;
	lr =	simm.s32 $0x1  }
0x2: {  	[smem:$0x3F90] =	sst lr;
	_ =	strace $0xD0000000  }
0x3: {  	_ = 	snop  }
0x4: {  	_ = 	snop  }
0x5: {  	_ = 	snop  }
0x6: {  	_ = 	snop  }
0x7: {  	_ = 	snop  }
__scs_overlays_trampoline_lowered:
0x8: {  	[smem:$0x3F9F] =	sst s0  }
0x9: {  	[smem:$0x3FA0] =	sst s1  }
0xa: {  	[smem:$0x3FA1] =	sst s2  }
0xb: {  	[smem:$0x3FA2] =	sst s3  }
0xc: {  	[smem:$0x3FA3] =	sst s4  }
0xd: {  	[smem:$0x3FA4] =	sst s5  }
0xe: {  	[smem:$0x3FA5] =	sst s6  }
0xf: {  	[smem:$0x3FA6] =	sst s7  }
0x10: {  	[smem:$0x3FA7] =	sst s8  }
0x11: {  	[smem:$0x3FA8] =	sst s9;
	s0 =	simm.s32 @!p0 $0x0  }
0x12: {  	s1 =	sld [smem:$0x3F8E];
	s0 =	simm.s32 @p0 $0x1  }
0x13: {  	[smem:$0x3FA9] =	sst s0;
	s0 =	simm.s32 @!p1 $0x0  }
0x14: {  	s2 =	sld [smem:$0x3F8D];
	s0 =	simm.s32 @p1 $0x1  }
0x15: {  	[smem:$0x3FAA] =	sst s0;
	s0 =	simm.s32 @!p2 $0x0  }
0x16: {  	s3 =	sld [smem:$0x3FDB];
	s0 =	simm.s32 @p2 $0x1  }
0x17: {  	s4 =	simm.s32 $0x1BF5;
	[smem:$0x3FAC] =	sst s0  }
0x18: {  	s0 =	sld [smem:$0x3F8F];
	_ =	swait.ge [sflag:s4], $0x0  }
0x19: {  	s7 =	sld [smem:$0x3F90]  }
0x1a: {  	s8 =	sadd.s32 $0xFFFFE003, lr  }
0x1b: {  	s9 =	sadd.s32 $0xFFFFFEF7, lr;
	s5 =	simm.s32 $0xFFFFFFFF;
	p2 =	slt.u32 s8, $0xFFFFF086  }
0x1c: {  	p1 =	slt.u32 s9, $0xF7A;
	s5 =	simm.s32 @!p2 $0x0  }
0x1d: {  	s5 =	simm.s32 @p1 $0x1;
	p0 =	seq.s32 s7, s2  }
0x1e: {  	s7 =	smul.u32 @!p0 $0xF7A, s2;
	p2 =	seq.s32 @!p0 s5, $0x0  }
0x1f: {  	s9 =	smul.u32 $0xF7A, s1;
	s8 =	simm.s32 @!p0 $0x1BF5;
	p2 =	por !p2, p0  }
0x20: {  	[sflag:s8] =	ssyncset.s32 @!p0 $0xFFFFF086;
	s6 =	sadd.s32 @!p0 s3, s7;
	s7 =	simm.s32 @!p0 $0x108  }
0x21: {  	s3 =	sadd.s32 s3, s9;
	s6 =	sadd.s32 @!p0 $0x88, s6;
	s7 =	simm.s32 @p2 $0x1082  }
0x22: {  	[simem:s7], [sflag:s8] =	dma.local @!p0 [hbm:s6], $0xF7A  }
0x23: {  	s9 =	sor.u32 $0xD0000000, s2;
	s6 =	simm.s32 $0x108;
	_ =	swait.ge @!p0 [sflag:s8], $0x0  }
0x24: {  	s3 =	sadd.s32 $0x88, s3;
	s6 =	simm.s32 @!p1 $0x1082;
	[sflag:s4] =	ssyncset.s32 $0xFFFFF086  }
0x25: {  	[simem:s6], [sflag:s4] =	dma.local [hbm:s3], $0xF7A  }
0x26: {  	[smem:$0x3F90] =	sst s1;
	(tag) =	ssettag s2;
	_ =	strace s9  }
0x27: {  	s1 =	sld [smem:$0x3FA0]  }
0x28: {  	s2 =	sld [smem:$0x3FA1]  }
0x29: {  	s4 =	sld [smem:$0x3FA3]  }
0x2a: {  	p0 =	seq.s32 s5, $0x0;
	s5 =	sld [smem:$0x3FA4]  }
0x2b: {  	s6 =	sld [smem:$0x3FA5]  }
0x2c: {  	s7 =	sld [smem:$0x3FA6]  }
0x2d: {  	s3 =	simm.s32 $0x108;
	s8 =	sld [smem:$0x3FA7]  }
0x2e: {  	s3 =	simm.s32 @!p0 $0x1082;
	s9 =	sld [smem:$0x3FA8]  }
0x2f: {  	lr =	sadd.s32 s0, s3;
	s0 =	sld [smem:$0x3F9F]  }
0x30: {  	s3 =	sld [smem:$0x3FA2]  }
0x31: {  	[smem:$0x3FAB] =	sst s10  }
0x32: {  	s10 =	sld [smem:$0x3FA9];
	_ =	sdelay $0x3  }
0x33: {  	p0 =	seq.s32 s10, $0x1;
	s10 =	sld [smem:$0x3FAB];
	_ =	sdelay $0x3  }
0x34: {  	[smem:$0x3FAB] =	sst s10  }
0x35: {  	s10 =	sld [smem:$0x3FAA];
	_ =	sdelay $0x3  }
0x36: {  	p1 =	seq.s32 s10, $0x1;
	s10 =	sld [smem:$0x3FAB];
	_ =	sdelay $0x3  }
0x37: {  	[smem:$0x3FAB] =	sst s10  }
0x38: {  	s10 =	sld [smem:$0x3FAC]  }
0x39: {  	_ = 	snop;
	(pc) =	sbr.ind lr, $3  }
0x3a: {  	_ = 	snop  }
0x3b: {  	_ = 	snop  }
0x3c: {  	p2 =	seq.s32 s10, $0x1;
	s10 =	sld [smem:$0x3FAB]  }
0x3d: {  	_ =	shalt  }
0x3e: {  	_ =	shalt  }
0x3f: {  	_ =	shalt  }
0x40: {  	_ =	shalt  }
0x41: {  	_ =	shalt  }
0x42: {  	_ =	shalt  }
0x43: {  	_ =	shalt  }
0x44: {  	_ =	shalt  }
0x45: {  	_ =	shalt  }
0x46: {  	_ =	shalt  }
0x47: {  	_ =	shalt  }
0x48: {  	_ =	shalt  }
0x49: {  	_ =	shalt  }
0x4a: {  	_ =	shalt  }
0x4b: {  	_ =	shalt  }
0x4c: {  	_ =	shalt  }
0x4d: {  	_ =	shalt  }
0x4e: {  	_ =	shalt  }
0x4f: {  	_ =	shalt  }
0x50: {  	_ =	shalt  }
0x51: {  	_ =	shalt  }
0x52: {  	_ =	shalt  }
0x53: {  	_ =	shalt  }
0x54: {  	_ =	shalt  }
0x55: {  	_ =	shalt  }
0x56: {  	_ =	shalt  }
0x57: {  	_ =	shalt  }
0x58: {  	_ =	shalt  }
0x59: {  	_ =	shalt  }
0x5a: {  	_ =	shalt  }
0x5b: {  	_ =	shalt  }
0x5c: {  	_ =	shalt  }
0x5d: {  	_ =	shalt  }
0x5e: {  	_ =	shalt  }
0x5f: {  	_ =	shalt  }
0x60: {  	_ =	shalt  }
0x61: {  	_ =	shalt  }
0x62: {  	_ =	shalt  }
0x63: {  	_ =	shalt  }
0x64: {  	_ =	shalt  }
0x65: {  	_ =	shalt  }
0x66: {  	_ =	shalt  }
0x67: {  	_ =	shalt  }
0x68: {  	_ =	shalt  }
0x69: {  	_ =	shalt  }
0x6a: {  	_ =	shalt  }
0x6b: {  	_ =	shalt  }
0x6c: {  	_ =	shalt  }
0x6d: {  	_ =	shalt  }
0x6e: {  	_ =	shalt  }
0x6f: {  	_ =	shalt  }
0x70: {  	_ =	shalt  }
0x71: {  	_ =	shalt  }
0x72: {  	_ =	shalt  }
0x73: {  	_ =	shalt  }
0x74: {  	_ =	shalt  }
0x75: {  	_ =	shalt  }
0x76: {  	_ =	shalt  }
0x77: {  	_ =	shalt  }
0x78: {  	_ =	shalt  }
0x79: {  	_ =	shalt  }
0x7a: {  	_ =	shalt  }
0x7b: {  	_ =	shalt  }
0x7c: {  	_ =	shalt  }
0x7d: {  	_ =	shalt  }
0x7e: {  	_ =	shalt  }
0x7f: {  	_ =	shalt  }
0x80: {  	_ =	shalt  }
0x81: {  	_ =	shalt  }
0x82: {  	_ =	shalt  }
0x83: {  	_ =	shalt  }
0x84: {  	_ =	shalt  }
0x85: {  	_ =	shalt  }
0x86: {  	_ =	shalt  }
0x87: {  	_ =	shalt  }
.Lfunc_end0:
.L_simem_size_0:
called_computation.1_lowered:
.L_overlay_start_0:
0x88: {  	s2 =	sld [smem:$0x3FD9]  }
0x89: {  	s3 =	sld [smem:$0x3FFE];
	_ =	sdelay $0x1  }
0x8a: {  	s1 =	srdreg.scid  }
0x8b: {  	s0 =	sand.u32 $0x1, s1  }
0x8c: {  	s16 =	sshll.u32 s0, $0xA;
	s2 =	sadd.s32 s3, s2  }
0x8d: {  	s2 =	sadd.s32 s2, s16  }
0x8e: {  	[smem:$0x3FB7] =	sst s2  }
0x8f: {  	_ = 	snop  }
0x90: {  	(tm) =	ssettm $0x1  }
0x91: {  	s17 =	sld [smem:$0x3FFB];
	_ =	sdelay $0x3  }
0x92: {  	_ =	strace s17  }
0x93: {  	s2 =	sld [smem:$0x3FFC];
	_ =	sdelay $0x3  }
0x94: {  	_ =	strace s2  }
0x95: {  	s2 =	sld [smem:$0x3FFD];
	_ =	sdelay $0x3  }
0x96: {  	_ =	strace s2  }
0x97: {  	_ =	strace $0x8FFFFFFF  }
0x98: {  	s18 =	sld [smem:$0x3FDB];
	_ =	sdelay $0x1  }
0x99: {  	s19 =	simm.s32 $_scs_section_size  }
0x9a: {  	s4 =	simm.s32 $_size__tile_overlayer_lowered;
	s5 =	simm.s32 $_tile_overlayer_lowered  }
0x9b: {  	s22 =	simm.s32 $0x1BFF;
	s21 =	sshll.u32 s5, $0x1;
	s2 =	sadd.s32 s19, s18  }
0x9c: {  	s6 =	simm.s32 $0x0;
	s20 =	sshll.u32 s4, $0x1;
	s4 =	sadd.s32 s21, s2  }
0x9d: {  	[timem:s6], [sflag:s22] =	dma.local [hbm:s4], s20  }
0x9e: {  	_ =	swait.ge [sflag:s22], s20  }
0x9f: {  	s3 =	ssub.s32 $0x0, s20;
	[sflag:s22] =	ssyncset.done $0x0  }
0xa0: {  	[sflag:s22] =	ssyncadd.s32 s3;
	_ =	sdelay $0x1  }
0xa1: {  	s23 =	simm.s32 $0x1B8B  }
0xa2: {  	_ =	swait.ge [sflag:s23], $0x1  }
0xa3: {  	[sflag:s23] =	ssyncset.done $0x0  }
0xa4: {  	s25 =	simm.s32 $0x1B8E;
	s24 =	sld [smem:$0x3FFE];
	[sflag:s23] =	ssyncadd.s32 $0xFFFFFFFF  }
0xa5: {  	s26 =	simm.s32 $execute0_lowered;
	[smem:$0x3FD2] =	sst s25  }
0xa6: {  	s4 =	sshll.u32 s26, $0x1;
	_ =	strace $0x80000049;
	[dreg:$0x1] =	wrdreg $0xFFFFFFFF  }
0xa7: {  	s28 =	simm.s32 $_size_execute0_lowered;
	s2 =	sadd.s32 s2, s4;
	[dreg:$0x0] =	wrdreg $0x0  }
0xa8: {  	s4 =	sshll.u32 s28, $0x1;
	[dreg:$0x2] =	wrdreg s2  }
0xa9: {  	[dreg:$0x3] =	wrdreg s4  }
0xaa: {  	[dreg:$0x4] =	wrdreg $0xC0  }
0xab: {  	_ =	task [dreg:s6], $0x5FFFF  }
0xac: {  	[dreg:$0x1] =	wrdreg $0xFFFFFFFF  }
0xad: {  	[dreg:$0x0] =	wrdreg $0x60  }
0xae: {  	[dreg:$0x2] =	wrdreg s24  }
0xaf: {  	[dreg:$0x3] =	wrdreg $0x90000  }
0xb0: {  	[dreg:$0x4] =	wrdreg $0x9  }
0xb1: {  	_ =	task.clear_ibuf [dreg:s6], $0x5FFFF;
	_ =	strace $0x90000049  }
0xb2: {  	s29 =	simm.s32 $0x9;
	_ =	strace $0x8000004B  }
0xb3: {  	_ =	swait.ge [sflag:s29], $0x1  }
0xb4: {  	[sflag:s29] =	ssyncadd.s32 $0xFFFFFFFF  }
0xb5: {  	_ =	strace $0x9000004B  }
0xb6: {  	_ =	sfence  }
0xb7: {  	s30 =	sld [smem:$0x0];
	_ =	sdelay $0x2  }
0xb8: {  	s31 =	sshll.u32 s1, $0xD;
	s1 =	sshrl.u32 s1, $0x2  }
0xb9: {  	s3 =	sand.u32 $0x4000, s31;
	s1 =	sadd.s32 s1, s30  }
0xba: {  	s0 =	sor.u32 s3, s0;
	s1 =	sshll.u32 s1, $0x11  }
0xbb: {  	s0 =	sor.u32 s1, s0  }
0xbc: {  	s0 =	sadd.s32 $0x8F2B, s0  }
0xbd: {  	[sflag:s0] =	ssyncadd.remote.s32 $0x1  }
0xbe: {  	_ =	sfence.sel $0xFFFF  }
0xbf: {  	[dreg:$0x0] =	wrdreg $0xFFFFFFFF;
	(pc) =	sbr.abs _section_cstart, $3  }
0xc0: {  	[dreg:$0x1] =	wrdreg $0xFFFFFFFF  }
0xc1: {  	_ =	task.clear_ibuf [dreg:s6], $0x2FFFF;
	_ =	strace $0x9FFFFFFF  }
0xc2: {  	(tm) =	ssettm $0x7FFFFFFF  }
0xc3: {  	_ =	shalt  }
tec
execute0_lowered:
.L_overlay_start_1:
0x0: {  	(tag) =	ssettag $0x1  }
0x1: {  	s0 =	rddreg [dreg:$0x0]  }
0x2: {  	s1 =	rddreg [dreg:$0x1];
	s2 =	simm.s32 $0x0;
	s10 =	stileid.u32  }
0x3: {  	s5 =	srdreg.scid;
	s12 =	simm.s32 $0x100;
	s13 =	simm.s32 $0x900  }
0x4: {  	s16 =	simm.s32 $0x180;
	s17 =	simm.s32 $0x980;
	s18 =	simm.s32 $0x200  }
0x5: {  	s19 =	simm.s32 $0xA00;
	s20 =	simm.s32 $0x280;
	s28 =	simm.s32 $0x500  }
0x6: {  	s29 =	simm.s32 $0xD00;
	s30 =	simm.s32 $0x580;
	[smem:$0x7FF] =	sst s2  }
0x7: {  	s31 =	simm.s32 $0xD80;
	_ =	strace $0x8000004A;
	[dreg:$0x7] =	wrdreg s12  }
0x8: {  	s3 =	smul.u32 $0xA00, s10;
	s4 =	sadd.s32 $0x16E00, s0;
	[dreg:$0x8] =	wrdreg s13  }
0x9: {  	s5 =	sand.u32 $0x1, s5;
	s6 =	smul.u32 $0x4E000, s10;
	[dreg:$0x9] =	wrdreg s16  }
0xa: {  	s22 =	smul.u32 $0x13800, s10;
	s15 =	sadd.s32 $0x138000, s1;
	[dreg:$0xa] =	wrdreg s17  }
0xb: {  	p0 =	sne.s32 s10, $0x0;
	s9 =	smul.u32 $0x138800, s5;
	[dreg:$0xb] =	wrdreg s18  }
0xc: {  	s7 =	ssub.s32 $0x2, s5;
	s5 =	smul.u32 $0x500, s5;
	[dreg:$0xc] =	wrdreg s19  }
0xd: {  	s16 =	simm.s32 $0x6;
	s17 =	simm.s32 $0x800;
	[dreg:$0xd] =	wrdreg s20  }
0xe: {  	s18 =	simm.s32 $0x7D;
	s19 =	simm.s32 $0x1;
	s20 =	simm.s32 $0x5000  }
0xf: {  	s12 =	simm.s32 $0xF80;
	s13 =	simm.s32 $0x0;
	[dreg:$0x19] =	wrdreg s15  }
0x10: {  	s3 =	sadd.s32 s3, s0;
	s8 =	sshrl.u32 s7, $0x1;
	s6 =	sshrl.u32 s6, $0x2  }
0x11: {  	s0 =	sadd.s32 $0x3E000, s0;
	s7 =	ssub.s32 s7, s8;
	s11 =	sadd.s32 s6, s1  }
0x12: {  	s3 =	sadd.s32 s5, s3;
	s8 =	simm.s32 $0x80;
	[dreg:$0x14] =	wrdreg s11  }
0x13: {  	s25 =	sadd.s32 s22, s9;
	s22 =	simm.s32 $0x300;
	[dreg:$0x5] =	wrdreg s8  }
0x14: {  	s9 =	sshrl.u32 s9, $0x3;
	s6 =	sadd.s32 $0x3E80, s11;
	[dreg:$0xf] =	wrdreg s22  }
0x15: {  	s21 =	sadd.s32 $0x7D00, s11;
	s23 =	sadd.s32 $0xBB80, s11;
	[dreg:$0x15] =	wrdreg s6  }
0x16: {  	s24 =	sadd.s32 $0xFA00, s11;
	s26 =	sadd.s32 $0x2E00, s3;
	[dreg:$0x16] =	wrdreg s21  }
0x17: {  	s5 =	sshrl.u32 s25, $0x3;
	s3 =	sadd.s32 $0xCE00, s3;
	[dreg:$0x17] =	wrdreg s23  }
0x18: {  	s11 =	simm.s32 $0x880;
	s14 =	smax.u32 s7, $0x1;
	[dreg:$0x18] =	wrdreg s24  }
0x19: {  	s25 =	simm.s32 $0xB80;
	s22 =	simm.s32 $0x3;
	[dreg:$0x3] =	wrdreg s26  }
0x1a: {  	s7 =	simm.s32 $0xE80;
	s8 =	simm.s32 $0x700;
	[dreg:$0x4] =	wrdreg s3  }
0x1b: {  	s5 =	sadd.s32 s0, s5;
	s0 =	sadd.s32 s0, s9;
	[dreg:$0x6] =	wrdreg s11  }
0x1c: {  	[dreg:$0x1c] =	wrdreg s14;
	s14 =	simm.s32 $0x1000;
	s21 =	simm.s32 $0xA80  }
0x1d: {  	s23 =	simm.s32 $0xB00;
	s24 =	simm.s32 $0x380;
	[dreg:$0x12] =	wrdreg s25  }
0x1e: {  	s26 =	simm.s32 $0x400;
	s25 =	simm.s32 $0x480;
	[dreg:$0x1a] =	wrdreg s5  }
0x1f: {  	s3 =	simm.s32 $0xE00;
	s6 =	simm.s32 $0x680;
	[dreg:$0xe] =	wrdreg s21  }
0x20: {  	s9 =	simm.s32 $0xF00;
	s11 =	simm.s32 $0x780;
	[dreg:$0x10] =	wrdreg s23  }
0x21: {  	s0 =	sadd.s32 $0x27000, s0;
	s21 =	simm.s32 $0x2;
	[dreg:$0x11] =	wrdreg s24  }
0x22: {  	s23 =	simm.s32 $0x4;
	[dreg:$0x13] =	wrdreg s26;
	s24 =	simm.s32 $0xC00  }
0x23: {  	v0 =	vimm.f32 $0.0e+00;
	s26 =	simm.s32 $0xC80;
	[dreg:$0x1b] =	wrdreg s0;
	s0 =	simm.s32 $0x600  }
.LBB2_1:
0x24: {  	[dreg:$0x1d] =	wrdreg s13;
	s5 =	simm.s32 $0x0;
	s10 =	simm.s32 $0x200  }
.LBB2_2:
0x25: {  	p1 =	sne.s32 s10, $0xF800;
	[tilespmem:s5+$0x1070] =	vst v0  }
0x26: {  	[tilespmem:s5+$0x1000] =	vst v0  }
0x27: {  	[tilespmem:s5+$0x1010] =	vst v0  }
.Ltmp0:
0x28: {  	[tilespmem:s5+$0x1020] =	vst v0;
	(pc) =	sbr.rel @p1 .LBB2_2-.Ltmp0, $4  }
0x29: {  	[tilespmem:s5+$0x1030] =	vst v0  }
0x2a: {  	[tilespmem:s5+$0x1040] =	vst v0  }
0x2b: {  	[tilespmem:s5+$0x1050] =	vst v0  }
0x2c: {  	[tilespmem:s5+$0x1060] =	vst v0;
	s5 =	sshra.s32 s10, $0x2;
	s10 =	sadd.s32 $0x200, s10  }
0x2d: {  	[tilespmem:s5+$0x1070] =	vst v0  }
0x2e: {  	[tilespmem:s5+$0x1000] =	vst v0  }
0x2f: {  	[tilespmem:s5+$0x1010] =	vst v0  }
0x30: {  	[tilespmem:s5+$0x1020] =	vst v0  }
0x31: {  	[tilespmem:s5+$0x1030] =	vst v0  }
0x32: {  	[tilespmem:s5+$0x1040] =	vst v0  }
0x33: {  	[tilespmem:s5+$0x1050] =	vst v0  }
0x34: {  	[tilespmem:s5+$0x1060] =	vst v0;
	s13 =	rddreg [dreg:$0x14]  }
0x35: {  	[spmem:s13] =	stream.linear.scatter [tilespmem:s14], [sflag:$0x5], $0x3E80, $0x38;
	[tilespmem:$0x1C880] =	vst v63  }
0x36: {  	s10 =	rddreg [dreg:$0x15]  }
0x37: {  	[spmem:s10] =	stream.linear.scatter [tilespmem:s14], [sflag:$0x5], $0x3E80, $0x38;
	[tilespmem:$0x1C880] =	vst v63  }
0x38: {  	s13 =	rddreg [dreg:$0x16]  }
0x39: {  	[spmem:s13] =	stream.linear.scatter [tilespmem:s14], [sflag:$0x5], $0x3E80, $0x38;
	[tilespmem:$0x1C880] =	vst v63  }
0x3a: {  	s10 =	rddreg [dreg:$0x17]  }
0x3b: {  	[spmem:s10] =	stream.linear.scatter [tilespmem:s14], [sflag:$0x5], $0x3E80, $0x38;
	[tilespmem:$0x1C880] =	vst v63  }
0x3c: {  	s13 =	rddreg [dreg:$0x18]  }
0x3d: {  	[spmem:s13] =	stream.linear.scatter [tilespmem:s14], [sflag:$0x5], $0x3E00, $0x38;
	[tilespmem:$0x1C880] =	vst v63  }
0x3e: {  	s5 =	simm.s32 @!p0 $0x1000;
	s10 =	simm.s32 $0x5  }
0x3f: {  	[spmem:s15] =	stream.linear.scatter @!p0 [tilespmem:s5], [sflag:$0x5], $0x800, $0x38;
	[tilespmem:$0x1C880] =	vst v63  }
0x40: {  	_ =	swait.ge [sflag:s10], $0x3E80  }
0x41: {  	[sflag:s10] =	ssyncset.done $0x0  }
0x42: {  	[sflag:s10] =	ssyncadd.s32 $0xFFFFC180  }
0x43: {  	_ =	swait.ge [sflag:s10], $0x3E80  }
0x44: {  	[sflag:s10] =	ssyncset.done $0x0  }
0x45: {  	[sflag:s10] =	ssyncadd.s32 $0xFFFFC180  }
0x46: {  	_ =	swait.ge [sflag:s10], $0x3E80  }
0x47: {  	[sflag:s10] =	ssyncset.done $0x0  }
0x48: {  	[sflag:s10] =	ssyncadd.s32 $0xFFFFC180  }
0x49: {  	_ =	swait.ge [sflag:s10], $0x3E80  }
0x4a: {  	[sflag:s10] =	ssyncset.done $0x0  }
0x4b: {  	[sflag:s10] =	ssyncadd.s32 $0xFFFFC180  }
0x4c: {  	_ =	swait.ge [sflag:s10], $0x3E00  }
0x4d: {  	[sflag:s10] =	ssyncset.done $0x0  }
0x4e: {  	s5 =	simm.s32 @!p0 $0x5;
	[sflag:s10] =	ssyncadd.s32 $0xFFFFC200  }
0x4f: {  	_ =	swait.ge @!p0 [sflag:s5], $0x800  }
0x50: {  	[sflag:s5] =	ssyncset.done @!p0 $0x0  }
0x51: {  	[sflag:s5] =	ssyncadd.s32 @!p0 $0xFFFFF800  }
0x52: {  	[bflag:$0x0] =	sbarrier.arrive $0xFFFF  }
0x53: {  	s13 =	rddreg [dreg:$0x4]  }
0x54: {  	s5 =	sadd.s32 $0x0, s13  }
0x55: {  	[tilespmem:s2], [sflag:$0x6] =	stream.linear.gather [hbm4b:s5+s2], $0x800, $0x38;
	[tilespmem:$0x1C880] =	vst v63  }
0x56: {  	_ =	swait.ge [sflag:s16], $0x800  }
0x57: {  	s15 =	rddreg [dreg:$0x3];
	[sflag:s16] =	ssyncset.done $0x0  }
0x58: {  	[sflag:s16] =	ssyncadd.s32 $0xFFFFF800;
	s5 =	sadd.s32 $0x0, s15  }
0x59: {  	[tilespmem:s17], [sflag:$0x6] =	stream.linear.gather [hbm4b:s5+s2], $0x800, $0x38;
	[tilespmem:$0x1C880] =	vst v63  }
0x5a: {  	_ =	swait.ge [sflag:s16], $0x800  }
0x5b: {  	[sflag:s16] =	ssyncset.done $0x0  }
0x5c: {  	[sflag:s16] =	ssyncadd.s32 $0xFFFFF800  }
0x5d: {  	[tilespmem:s14], [sflag:$0x1] =	stream.indirect.gather [hbm4b:s4+s18], $0x80, s2, s18, $0xb8;
	[tilespmem:$0x1C880] =	vst v63  }
0x5e: {  	_ =	swait.ge [sflag:s19], $0x3E80  }
0x5f: {  	[sflag:s19] =	ssyncset.done $0x0  }
0x60: {  	[sflag:s19] =	ssyncadd.s32 $0xFFFFC180  }
0x61: {  	[spmem:s1] =	stream.indirect.scatter.add.f32 [tilespmem:s14], [sflag:$0x3], $0x80, s17, s18, $0xb8;
	[tilespmem:$0x1C880] =	vst v63  }
0x62: {  	s10 =	rddreg [dreg:$0x5]  }
0x63: {  	[tilespmem:s20], [sflag:$0x2] =	stream.indirect.gather [hbm4b:s4+s18], $0x80, s10, s18, $0xb8;
	[tilespmem:$0x1C880] =	vst v63  }
0x64: {  	_ =	swait.ge [sflag:s21], $0x3E80  }
0x65: {  	[sflag:s21] =	ssyncset.done $0x0  }
0x66: {  	s13 =	rddreg [dreg:$0x6];
	[sflag:s21] =	ssyncadd.s32 $0xFFFFC180  }
0x67: {  	[spmem:s1] =	stream.indirect.scatter.add.f32 [tilespmem:s20], [sflag:$0x4], $0x80, s13, s18, $0xb8;
	[tilespmem:$0x1C880] =	vst v63  }
0x68: {  	_ =	swait.ge [sflag:s22], $0x3E80  }
0x69: {  	[sflag:s22] =	ssyncset.done $0x0  }
0x6a: {  	s15 =	rddreg [dreg:$0x7];
	[sflag:s22] =	ssyncadd.s32 $0xFFFFC180  }
0x6b: {  	[tilespmem:s14], [sflag:$0x1] =	stream.indirect.gather [hbm4b:s4+s18], $0x80, s15, s18, $0xb8;
	[tilespmem:$0x1C880] =	vst v63  }
0x6c: {  	_ =	swait.ge [sflag:s19], $0x3E80  }
0x6d: {  	[sflag:s19] =	ssyncset.done $0x0  }
0x6e: {  	s10 =	rddreg [dreg:$0x8];
	[sflag:s19] =	ssyncadd.s32 $0xFFFFC180  }
0x6f: {  	[spmem:s1] =	stream.indirect.scatter.add.f32 [tilespmem:s14], [sflag:$0x3], $0x80, s10, s18, $0xb8;
	[tilespmem:$0x1C880] =	vst v63  }
0x70: {  	_ =	swait.ge [sflag:s23], $0x3E80  }
0x71: {  	[sflag:s23] =	ssyncset.done $0x0  }
0x72: {  	s13 =	rddreg [dreg:$0x9];
	[sflag:s23] =	ssyncadd.s32 $0xFFFFC180  }
0x73: {  	[tilespmem:s20], [sflag:$0x2] =	stream.indirect.gather [hbm4b:s4+s18], $0x80, s13, s18, $0xb8;
	[tilespmem:$0x1C880] =	vst v63  }
0x74: {  	_ =	swait.ge [sflag:s21], $0x3E80  }
0x75: {  	[sflag:s21] =	ssyncset.done $0x0  }
0x76: {  	s15 =	rddreg [dreg:$0xa];
	[sflag:s21] =	ssyncadd.s32 $0xFFFFC180  }
0x77: {  	[spmem:s1] =	stream.indirect.scatter.add.f32 [tilespmem:s20], [sflag:$0x4], $0x80, s15, s18, $0xb8;
	[tilespmem:$0x1C880] =	vst v63  }
0x78: {  	_ =	swait.ge [sflag:s22], $0x3E80  }
0x79: {  	[sflag:s22] =	ssyncset.done $0x0  }
0x7a: {  	s10 =	rddreg [dreg:$0xb];
	[sflag:s22] =	ssyncadd.s32 $0xFFFFC180  }
0x7b: {  	[tilespmem:s14], [sflag:$0x1] =	stream.indirect.gather [hbm4b:s4+s18], $0x80, s10, s18, $0xb8;
	[tilespmem:$0x1C880] =	vst v63  }
0x7c: {  	_ =	swait.ge [sflag:s19], $0x3E80  }
0x7d: {  	[sflag:s19] =	ssyncset.done $0x0  }
0x7e: {  	s13 =	rddreg [dreg:$0xc];
	[sflag:s19] =	ssyncadd.s32 $0xFFFFC180  }
0x7f: {  	[spmem:s1] =	stream.indirect.scatter.add.f32 [tilespmem:s14], [sflag:$0x3], $0x80, s13, s18, $0xb8;
	[tilespmem:$0x1C880] =	vst v63  }
0x80: {  	_ =	swait.ge [sflag:s23], $0x3E80  }
0x81: {  	[sflag:s23] =	ssyncset.done $0x0  }
0x82: {  	s15 =	rddreg [dreg:$0xd];
	[sflag:s23] =	ssyncadd.s32 $0xFFFFC180  }
0x83: {  	[tilespmem:s20], [sflag:$0x2] =	stream.indirect.gather [hbm4b:s4+s18], $0x80, s15, s18, $0xb8;
	[tilespmem:$0x1C880] =	vst v63  }
0x84: {  	_ =	swait.ge [sflag:s21], $0x3E80  }
0x85: {  	[sflag:s21] =	ssyncset.done $0x0  }
0x86: {  	s10 =	rddreg [dreg:$0xe];
	[sflag:s21] =	ssyncadd.s32 $0xFFFFC180  }
0x87: {  	[spmem:s1] =	stream.indirect.scatter.add.f32 [tilespmem:s20], [sflag:$0x4], $0x80, s10, s18, $0xb8;
	[tilespmem:$0x1C880] =	vst v63  }
0x88: {  	_ =	swait.ge [sflag:s22], $0x3E80  }
0x89: {  	[sflag:s22] =	ssyncset.done $0x0  }
0x8a: {  	s13 =	rddreg [dreg:$0xf];
	[sflag:s22] =	ssyncadd.s32 $0xFFFFC180  }
0x8b: {  	[tilespmem:s14], [sflag:$0x1] =	stream.indirect.gather [hbm4b:s4+s18], $0x80, s13, s18, $0xb8;
	[tilespmem:$0x1C880] =	vst v63  }
0x8c: {  	_ =	swait.ge [sflag:s19], $0x3E80  }
0x8d: {  	[sflag:s19] =	ssyncset.done $0x0  }
0x8e: {  	s15 =	rddreg [dreg:$0x10];
	[sflag:s19] =	ssyncadd.s32 $0xFFFFC180  }
0x8f: {  	[spmem:s1] =	stream.indirect.scatter.add.f32 [tilespmem:s14], [sflag:$0x3], $0x80, s15, s18, $0xb8;
	[tilespmem:$0x1C880] =	vst v63  }
0x90: {  	_ =	swait.ge [sflag:s23], $0x3E80  }
0x91: {  	[sflag:s23] =	ssyncset.done $0x0  }
0x92: {  	s10 =	rddreg [dreg:$0x11];
	[sflag:s23] =	ssyncadd.s32 $0xFFFFC180  }
0x93: {  	[tilespmem:s20], [sflag:$0x2] =	stream.indirect.gather [hbm4b:s4+s18], $0x80, s10, s18, $0xb8;
	[tilespmem:$0x1C880] =	vst v63  }
0x94: {  	_ =	swait.ge [sflag:s21], $0x3E80  }
0x95: {  	[sflag:s21] =	ssyncset.done $0x0  }
0x96: {  	s13 =	rddreg [dreg:$0x12];
	[sflag:s21] =	ssyncadd.s32 $0xFFFFC180  }
0x97: {  	[spmem:s1] =	stream.indirect.scatter.add.f32 [tilespmem:s20], [sflag:$0x4], $0x80, s13, s18, $0xb8;
	[tilespmem:$0x1C880] =	vst v63  }
0x98: {  	_ =	swait.ge [sflag:s22], $0x3E80  }
0x99: {  	[sflag:s22] =	ssyncset.done $0x0  }
0x9a: {  	s15 =	rddreg [dreg:$0x13];
	[sflag:s22] =	ssyncadd.s32 $0xFFFFC180  }
0x9b: {  	[tilespmem:s14], [sflag:$0x1] =	stream.indirect.gather [hbm4b:s4+s18], $0x80, s15, s18, $0xb8;
	[tilespmem:$0x1C880] =	vst v63  }
0x9c: {  	_ =	swait.ge [sflag:s19], $0x3E80  }
0x9d: {  	[sflag:s19] =	ssyncset.done $0x0  }
0x9e: {  	[sflag:s19] =	ssyncadd.s32 $0xFFFFC180  }
0x9f: {  	[spmem:s1] =	stream.indirect.scatter.add.f32 [tilespmem:s14], [sflag:$0x3], $0x80, s24, s18, $0xb8;
	[tilespmem:$0x1C880] =	vst v63  }
0xa0: {  	_ =	swait.ge [sflag:s23], $0x3E80  }
0xa1: {  	[sflag:s23] =	ssyncset.done $0x0  }
0xa2: {  	[sflag:s23] =	ssyncadd.s32 $0xFFFFC180  }
0xa3: {  	[tilespmem:s20], [sflag:$0x2] =	stream.indirect.gather [hbm4b:s4+s18], $0x80, s25, s18, $0xb8;
	[tilespmem:$0x1C880] =	vst v63  }
0xa4: {  	_ =	swait.ge [sflag:s21], $0x3E80  }
0xa5: {  	[sflag:s21] =	ssyncset.done $0x0  }
0xa6: {  	[sflag:s21] =	ssyncadd.s32 $0xFFFFC180  }
0xa7: {  	[spmem:s1] =	stream.indirect.scatter.add.f32 [tilespmem:s20], [sflag:$0x4], $0x80, s26, s18, $0xb8;
	[tilespmem:$0x1C880] =	vst v63  }
0xa8: {  	_ =	swait.ge [sflag:s22], $0x3E80  }
0xa9: {  	[sflag:s22] =	ssyncset.done $0x0  }
0xaa: {  	[sflag:s22] =	ssyncadd.s32 $0xFFFFC180  }
0xab: {  	[tilespmem:s14], [sflag:$0x1] =	stream.indirect.gather [hbm4b:s4+s18], $0x80, s28, s18, $0xb8;
	[tilespmem:$0x1C880] =	vst v63  }
0xac: {  	_ =	swait.ge [sflag:s19], $0x3E80  }
0xad: {  	[sflag:s19] =	ssyncset.done $0x0  }
0xae: {  	[sflag:s19] =	ssyncadd.s32 $0xFFFFC180  }
0xaf: {  	[spmem:s1] =	stream.indirect.scatter.add.f32 [tilespmem:s14], [sflag:$0x3], $0x80, s29, s18, $0xb8;
	[tilespmem:$0x1C880] =	vst v63  }
0xb0: {  	_ =	swait.ge [sflag:s23], $0x3E80  }
0xb1: {  	[sflag:s23] =	ssyncset.done $0x0  }
0xb2: {  	[sflag:s23] =	ssyncadd.s32 $0xFFFFC180  }
0xb3: {  	[tilespmem:s20], [sflag:$0x2] =	stream.indirect.gather [hbm4b:s4+s18], $0x80, s30, s18, $0xb8;
	[tilespmem:$0x1C880] =	vst v63  }
0xb4: {  	_ =	swait.ge [sflag:s21], $0x3E80  }
0xb5: {  	[sflag:s21] =	ssyncset.done $0x0  }
0xb6: {  	[sflag:s21] =	ssyncadd.s32 $0xFFFFC180  }
0xb7: {  	[spmem:s1] =	stream.indirect.scatter.add.f32 [tilespmem:s20], [sflag:$0x4], $0x80, s31, s18, $0xb8;
	[tilespmem:$0x1C880] =	vst v63  }
0xb8: {  	_ =	swait.ge [sflag:s22], $0x3E80  }
0xb9: {  	[sflag:s22] =	ssyncset.done $0x0  }
0xba: {  	[sflag:s22] =	ssyncadd.s32 $0xFFFFC180  }
0xbb: {  	[tilespmem:s14], [sflag:$0x1] =	stream.indirect.gather [hbm4b:s4+s18], $0x80, s0, s18, $0xb8;
	[tilespmem:$0x1C880] =	vst v63  }
0xbc: {  	_ =	swait.ge [sflag:s19], $0x3E80  }
0xbd: {  	[sflag:s19] =	ssyncset.done $0x0  }
0xbe: {  	[sflag:s19] =	ssyncadd.s32 $0xFFFFC180  }
0xbf: {  	[spmem:s1] =	stream.indirect.scatter.add.f32 [tilespmem:s14], [sflag:$0x3], $0x80, s3, s18, $0xb8;
	[tilespmem:$0x1C880] =	vst v63  }
0xc0: {  	_ =	swait.ge [sflag:s23], $0x3E80  }
0xc1: {  	[sflag:s23] =	ssyncset.done $0x0  }
0xc2: {  	[sflag:s23] =	ssyncadd.s32 $0xFFFFC180  }
0xc3: {  	[tilespmem:s20], [sflag:$0x2] =	stream.indirect.gather [hbm4b:s4+s18], $0x80, s6, s18, $0xb8;
	[tilespmem:$0x1C880] =	vst v63  }
0xc4: {  	_ =	swait.ge [sflag:s21], $0x3E80  }
0xc5: {  	[sflag:s21] =	ssyncset.done $0x0  }
0xc6: {  	[sflag:s21] =	ssyncadd.s32 $0xFFFFC180  }
0xc7: {  	[spmem:s1] =	stream.indirect.scatter.add.f32 [tilespmem:s20], [sflag:$0x4], $0x80, s7, s18, $0xb8;
	[tilespmem:$0x1C880] =	vst v63  }
0xc8: {  	_ =	swait.ge [sflag:s22], $0x3E80  }
0xc9: {  	[sflag:s22] =	ssyncset.done $0x0  }
0xca: {  	[sflag:s22] =	ssyncadd.s32 $0xFFFFC180  }
0xcb: {  	[tilespmem:s14], [sflag:$0x1] =	stream.indirect.gather [hbm4b:s4+s18], $0x80, s8, s18, $0xb8;
	[tilespmem:$0x1C880] =	vst v63  }
0xcc: {  	_ =	swait.ge [sflag:s19], $0x3E80  }
0xcd: {  	[sflag:s19] =	ssyncset.done $0x0  }
0xce: {  	[sflag:s19] =	ssyncadd.s32 $0xFFFFC180  }
0xcf: {  	[spmem:s1] =	stream.indirect.scatter.add.f32 [tilespmem:s14], [sflag:$0x3], $0x80, s9, s18, $0xb8;
	[tilespmem:$0x1C880] =	vst v63  }
0xd0: {  	_ =	swait.ge [sflag:s23], $0x3E80  }
0xd1: {  	[sflag:s23] =	ssyncset.done $0x0  }
0xd2: {  	[sflag:s23] =	ssyncadd.s32 $0xFFFFC180  }
0xd3: {  	[tilespmem:s20], [sflag:$0x2] =	stream.indirect.gather [hbm4b:s4+s18], $0x80, s11, s18, $0xb8;
	[tilespmem:$0x1C880] =	vst v63  }
0xd4: {  	_ =	swait.ge [sflag:s21], $0x3E80  }
0xd5: {  	[sflag:s21] =	ssyncset.done $0x0  }
0xd6: {  	[sflag:s21] =	ssyncadd.s32 $0xFFFFC180  }
0xd7: {  	[spmem:s1] =	stream.indirect.scatter.add.f32 [tilespmem:s20], [sflag:$0x4], $0x80, s12, s18, $0xb8;
	[tilespmem:$0x1C880] =	vst v63  }
0xd8: {  	_ =	swait.ge [sflag:s22], $0x3E80  }
0xd9: {  	[sflag:s22] =	ssyncset.done $0x0  }
0xda: {  	[sflag:s22] =	ssyncadd.s32 $0xFFFFC180  }
0xdb: {  	s5 =	simm.s32 $0x200;
	_ =	swait.ge [sflag:s23], $0x3E80  }
0xdc: {  	s10 =	simm.s32 $0x100;
	s13 =	rddreg [dreg:$0x4];
	[sflag:s23] =	ssyncset.done $0x0  }
.LBB2_4:
0xdd: {  	[sflag:s23] =	ssyncadd.s32 $0xFFFFC180;
	s13 =	sadd.s32 s10, s13  }
0xde: {  	[tilespmem:s2], [sflag:$0x6] =	stream.linear.gather [hbm4b:s13+s2], $0x800, $0x38;
	[tilespmem:$0x1C880] =	vst v63  }
0xdf: {  	_ =	swait.ge [sflag:s16], $0x800  }
0xe0: {  	s13 =	rddreg [dreg:$0x3];
	[sflag:s16] =	ssyncset.done $0x0  }
0xe1: {  	[sflag:s16] =	ssyncadd.s32 $0xFFFFF800;
	s13 =	sadd.s32 s10, s13  }
0xe2: {  	[tilespmem:s17], [sflag:$0x6] =	stream.linear.gather [hbm4b:s13+s2], $0x800, $0x38;
	[tilespmem:$0x1C880] =	vst v63  }
0xe3: {  	_ =	swait.ge [sflag:s16], $0x800  }
0xe4: {  	[sflag:s16] =	ssyncset.done $0x0  }
0xe5: {  	[sflag:s16] =	ssyncadd.s32 $0xFFFFF800  }
0xe6: {  	[tilespmem:s14], [sflag:$0x1] =	stream.indirect.gather [hbm4b:s4+s18], $0x80, s2, s18, $0xb8;
	[tilespmem:$0x1C880] =	vst v63  }
0xe7: {  	_ =	swait.ge [sflag:s19], $0x3E80  }
0xe8: {  	[sflag:s19] =	ssyncset.done $0x0  }
0xe9: {  	s15 =	smov.u32 s5;
	[sflag:s19] =	ssyncadd.s32 $0xFFFFC180  }
0xea: {  	[spmem:s1] =	stream.indirect.scatter.add.f32 [tilespmem:s14], [sflag:$0x3], $0x80, s17, s18, $0xb8;
	[tilespmem:$0x1C880] =	vst v63  }
0xeb: {  	s10 =	smov.u32 s15;
	s15 =	rddreg [dreg:$0x5]  }
0xec: {  	[tilespmem:s20], [sflag:$0x2] =	stream.indirect.gather [hbm4b:s4+s18], $0x80, s15, s18, $0xb8;
	[tilespmem:$0x1C880] =	vst v63  }
0xed: {  	_ =	swait.ge [sflag:s21], $0x3E80  }
0xee: {  	[sflag:s21] =	ssyncset.done $0x0  }
0xef: {  	s15 =	rddreg [dreg:$0x6];
	[sflag:s21] =	ssyncadd.s32 $0xFFFFC180  }
0xf0: {  	[spmem:s1] =	stream.indirect.scatter.add.f32 [tilespmem:s20], [sflag:$0x4], $0x80, s15, s18, $0xb8;
	[tilespmem:$0x1C880] =	vst v63  }
0xf1: {  	_ =	swait.ge [sflag:s22], $0x3E80  }
0xf2: {  	[sflag:s22] =	ssyncset.done $0x0  }
0xf3: {  	s15 =	rddreg [dreg:$0x7];
	[sflag:s22] =	ssyncadd.s32 $0xFFFFC180  }
0xf4: {  	[tilespmem:s14], [sflag:$0x1] =	stream.indirect.gather [hbm4b:s4+s18], $0x80, s15, s18, $0xb8;
	[tilespmem:$0x1C880] =	vst v63  }
0xf5: {  	_ =	swait.ge [sflag:s19], $0x3E80  }
0xf6: {  	[sflag:s19] =	ssyncset.done $0x0  }
0xf7: {  	s15 =	rddreg [dreg:$0x8];
	[sflag:s19] =	ssyncadd.s32 $0xFFFFC180  }
0xf8: {  	[spmem:s1] =	stream.indirect.scatter.add.f32 [tilespmem:s14], [sflag:$0x3], $0x80, s15, s18, $0xb8;
	[tilespmem:$0x1C880] =	vst v63  }
0xf9: {  	_ =	swait.ge [sflag:s23], $0x3E80  }
0xfa: {  	[sflag:s23] =	ssyncset.done $0x0  }
0xfb: {  	s15 =	rddreg [dreg:$0x9];
	[sflag:s23] =	ssyncadd.s32 $0xFFFFC180  }
0xfc: {  	[tilespmem:s20], [sflag:$0x2] =	stream.indirect.gather [hbm4b:s4+s18], $0x80, s15, s18, $0xb8;
	[tilespmem:$0x1C880] =	vst v63  }
0xfd: {  	_ =	swait.ge [sflag:s21], $0x3E80  }
0xfe: {  	[sflag:s21] =	ssyncset.done $0x0  }
0xff: {  	s15 =	rddreg [dreg:$0xa];
	[sflag:s21] =	ssyncadd.s32 $0xFFFFC180  }
0x100: {  	[spmem:s1] =	stream.indirect.scatter.add.f32 [tilespmem:s20], [sflag:$0x4], $0x80, s15, s18, $0xb8;
	[tilespmem:$0x1C880] =	vst v63  }
0x101: {  	_ =	swait.ge [sflag:s22], $0x3E80  }
0x102: {  	[sflag:s22] =	ssyncset.done $0x0  }
0x103: {  	s15 =	rddreg [dreg:$0xb];
	[sflag:s22] =	ssyncadd.s32 $0xFFFFC180  }
0x104: {  	[tilespmem:s14], [sflag:$0x1] =	stream.indirect.gather [hbm4b:s4+s18], $0x80, s15, s18, $0xb8;
	[tilespmem:$0x1C880] =	vst v63  }
0x105: {  	_ =	swait.ge [sflag:s19], $0x3E80  }
0x106: {  	[sflag:s19] =	ssyncset.done $0x0  }
0x107: {  	s15 =	rddreg [dreg:$0xc];
	[sflag:s19] =	ssyncadd.s32 $0xFFFFC180  }
0x108: {  	[spmem:s1] =	stream.indirect.scatter.add.f32 [tilespmem:s14], [sflag:$0x3], $0x80, s15, s18, $0xb8;
	[tilespmem:$0x1C880] =	vst v63  }
0x109: {  	_ =	swait.ge [sflag:s23], $0x3E80  }
0x10a: {  	[sflag:s23] =	ssyncset.done $0x0  }
0x10b: {  	s15 =	rddreg [dreg:$0xd];
	[sflag:s23] =	ssyncadd.s32 $0xFFFFC180  }
0x10c: {  	[tilespmem:s20], [sflag:$0x2] =	stream.indirect.gather [hbm4b:s4+s18], $0x80, s15, s18, $0xb8;
	[tilespmem:$0x1C880] =	vst v63  }
0x10d: {  	_ =	swait.ge [sflag:s21], $0x3E80  }
0x10e: {  	[sflag:s21] =	ssyncset.done $0x0  }
0x10f: {  	s15 =	rddreg [dreg:$0xe];
	[sflag:s21] =	ssyncadd.s32 $0xFFFFC180  }
0x110: {  	[spmem:s1] =	stream.indirect.scatter.add.f32 [tilespmem:s20], [sflag:$0x4], $0x80, s15, s18, $0xb8;
	[tilespmem:$0x1C880] =	vst v63  }
0x111: {  	_ =	swait.ge [sflag:s22], $0x3E80  }
0x112: {  	[sflag:s22] =	ssyncset.done $0x0  }
0x113: {  	s15 =	rddreg [dreg:$0xf];
	[sflag:s22] =	ssyncadd.s32 $0xFFFFC180  }
0x114: {  	[tilespmem:s14], [sflag:$0x1] =	stream.indirect.gather [hbm4b:s4+s18], $0x80, s15, s18, $0xb8;
	[tilespmem:$0x1C880] =	vst v63  }
0x115: {  	_ =	swait.ge [sflag:s19], $0x3E80  }
0x116: {  	[sflag:s19] =	ssyncset.done $0x0  }
0x117: {  	s15 =	rddreg [dreg:$0x10];
	[sflag:s19] =	ssyncadd.s32 $0xFFFFC180  }
0x118: {  	[spmem:s1] =	stream.indirect.scatter.add.f32 [tilespmem:s14], [sflag:$0x3], $0x80, s15, s18, $0xb8;
	[tilespmem:$0x1C880] =	vst v63  }
0x119: {  	_ =	swait.ge [sflag:s23], $0x3E80  }
0x11a: {  	[sflag:s23] =	ssyncset.done $0x0  }
0x11b: {  	s15 =	rddreg [dreg:$0x11];
	[sflag:s23] =	ssyncadd.s32 $0xFFFFC180  }
0x11c: {  	[tilespmem:s20], [sflag:$0x2] =	stream.indirect.gather [hbm4b:s4+s18], $0x80, s15, s18, $0xb8;
	[tilespmem:$0x1C880] =	vst v63  }
0x11d: {  	_ =	swait.ge [sflag:s21], $0x3E80  }
0x11e: {  	[sflag:s21] =	ssyncset.done $0x0  }
0x11f: {  	s15 =	rddreg [dreg:$0x12];
	[sflag:s21] =	ssyncadd.s32 $0xFFFFC180  }
0x120: {  	[spmem:s1] =	stream.indirect.scatter.add.f32 [tilespmem:s20], [sflag:$0x4], $0x80, s15, s18, $0xb8;
	[tilespmem:$0x1C880] =	vst v63  }
0x121: {  	_ =	swait.ge [sflag:s22], $0x3E80  }
0x122: {  	[sflag:s22] =	ssyncset.done $0x0  }
0x123: {  	s15 =	rddreg [dreg:$0x13];
	[sflag:s22] =	ssyncadd.s32 $0xFFFFC180  }
0x124: {  	[tilespmem:s14], [sflag:$0x1] =	stream.indirect.gather [hbm4b:s4+s18], $0x80, s15, s18, $0xb8;
	[tilespmem:$0x1C880] =	vst v63  }
0x125: {  	_ =	swait.ge [sflag:s19], $0x3E80  }
0x126: {  	[sflag:s19] =	ssyncset.done $0x0  }
0x127: {  	[sflag:s19] =	ssyncadd.s32 $0xFFFFC180  }
0x128: {  	[spmem:s1] =	stream.indirect.scatter.add.f32 [tilespmem:s14], [sflag:$0x3], $0x80, s24, s18, $0xb8;
	[tilespmem:$0x1C880] =	vst v63  }
0x129: {  	_ =	swait.ge [sflag:s23], $0x3E80  }
0x12a: {  	[sflag:s23] =	ssyncset.done $0x0  }
0x12b: {  	[sflag:s23] =	ssyncadd.s32 $0xFFFFC180  }
0x12c: {  	[tilespmem:s20], [sflag:$0x2] =	stream.indirect.gather [hbm4b:s4+s18], $0x80, s25, s18, $0xb8;
	[tilespmem:$0x1C880] =	vst v63  }
0x12d: {  	_ =	swait.ge [sflag:s21], $0x3E80  }
0x12e: {  	[sflag:s21] =	ssyncset.done $0x0  }
0x12f: {  	[sflag:s21] =	ssyncadd.s32 $0xFFFFC180  }
0x130: {  	[spmem:s1] =	stream.indirect.scatter.add.f32 [tilespmem:s20], [sflag:$0x4], $0x80, s26, s18, $0xb8;
	[tilespmem:$0x1C880] =	vst v63  }
0x131: {  	_ =	swait.ge [sflag:s22], $0x3E80  }
0x132: {  	[sflag:s22] =	ssyncset.done $0x0  }
0x133: {  	[sflag:s22] =	ssyncadd.s32 $0xFFFFC180  }
0x134: {  	[tilespmem:s14], [sflag:$0x1] =	stream.indirect.gather [hbm4b:s4+s18], $0x80, s28, s18, $0xb8;
	[tilespmem:$0x1C880] =	vst v63  }
0x135: {  	_ =	swait.ge [sflag:s19], $0x3E80  }
0x136: {  	[sflag:s19] =	ssyncset.done $0x0  }
0x137: {  	[sflag:s19] =	ssyncadd.s32 $0xFFFFC180  }
0x138: {  	[spmem:s1] =	stream.indirect.scatter.add.f32 [tilespmem:s14], [sflag:$0x3], $0x80, s29, s18, $0xb8;
	[tilespmem:$0x1C880] =	vst v63  }
0x139: {  	_ =	swait.ge [sflag:s23], $0x3E80  }
0x13a: {  	[sflag:s23] =	ssyncset.done $0x0  }
0x13b: {  	[sflag:s23] =	ssyncadd.s32 $0xFFFFC180  }
0x13c: {  	[tilespmem:s20], [sflag:$0x2] =	stream.indirect.gather [hbm4b:s4+s18], $0x80, s30, s18, $0xb8;
	[tilespmem:$0x1C880] =	vst v63  }
0x13d: {  	_ =	swait.ge [sflag:s21], $0x3E80  }
0x13e: {  	[sflag:s21] =	ssyncset.done $0x0  }
0x13f: {  	[sflag:s21] =	ssyncadd.s32 $0xFFFFC180  }
0x140: {  	[spmem:s1] =	stream.indirect.scatter.add.f32 [tilespmem:s20], [sflag:$0x4], $0x80, s31, s18, $0xb8;
	[tilespmem:$0x1C880] =	vst v63  }
0x141: {  	_ =	swait.ge [sflag:s22], $0x3E80  }
0x142: {  	[sflag:s22] =	ssyncset.done $0x0  }
0x143: {  	[sflag:s22] =	ssyncadd.s32 $0xFFFFC180  }
0x144: {  	[tilespmem:s14], [sflag:$0x1] =	stream.indirect.gather [hbm4b:s4+s18], $0x80, s0, s18, $0xb8;
	[tilespmem:$0x1C880] =	vst v63  }
0x145: {  	_ =	swait.ge [sflag:s19], $0x3E80  }
0x146: {  	[sflag:s19] =	ssyncset.done $0x0  }
0x147: {  	[sflag:s19] =	ssyncadd.s32 $0xFFFFC180  }
0x148: {  	[spmem:s1] =	stream.indirect.scatter.add.f32 [tilespmem:s14], [sflag:$0x3], $0x80, s3, s18, $0xb8;
	[tilespmem:$0x1C880] =	vst v63  }
0x149: {  	_ =	swait.ge [sflag:s23], $0x3E80  }
0x14a: {  	[sflag:s23] =	ssyncset.done $0x0  }
0x14b: {  	[sflag:s23] =	ssyncadd.s32 $0xFFFFC180  }
0x14c: {  	[tilespmem:s20], [sflag:$0x2] =	stream.indirect.gather [hbm4b:s4+s18], $0x80, s6, s18, $0xb8;
	[tilespmem:$0x1C880] =	vst v63  }
0x14d: {  	_ =	swait.ge [sflag:s21], $0x3E80  }
0x14e: {  	[sflag:s21] =	ssyncset.done $0x0  }
0x14f: {  	[sflag:s21] =	ssyncadd.s32 $0xFFFFC180  }
0x150: {  	[spmem:s1] =	stream.indirect.scatter.add.f32 [tilespmem:s20], [sflag:$0x4], $0x80, s7, s18, $0xb8;
	[tilespmem:$0x1C880] =	vst v63  }
0x151: {  	_ =	swait.ge [sflag:s22], $0x3E80  }
0x152: {  	[sflag:s22] =	ssyncset.done $0x0  }
0x153: {  	[sflag:s22] =	ssyncadd.s32 $0xFFFFC180  }
0x154: {  	[tilespmem:s14], [sflag:$0x1] =	stream.indirect.gather [hbm4b:s4+s18], $0x80, s8, s18, $0xb8;
	[tilespmem:$0x1C880] =	vst v63  }
0x155: {  	_ =	swait.ge [sflag:s19], $0x3E80  }
0x156: {  	[sflag:s19] =	ssyncset.done $0x0  }
0x157: {  	[sflag:s19] =	ssyncadd.s32 $0xFFFFC180  }
0x158: {  	[spmem:s1] =	stream.indirect.scatter.add.f32 [tilespmem:s14], [sflag:$0x3], $0x80, s9, s18, $0xb8;
	[tilespmem:$0x1C880] =	vst v63  }
0x159: {  	_ =	swait.ge [sflag:s23], $0x3E80  }
0x15a: {  	[sflag:s23] =	ssyncset.done $0x0  }
0x15b: {  	[sflag:s23] =	ssyncadd.s32 $0xFFFFC180  }
0x15c: {  	[tilespmem:s20], [sflag:$0x2] =	stream.indirect.gather [hbm4b:s4+s18], $0x80, s11, s18, $0xb8;
	[tilespmem:$0x1C880] =	vst v63  }
0x15d: {  	_ =	swait.ge [sflag:s21], $0x3E80  }
0x15e: {  	[sflag:s21] =	ssyncset.done $0x0  }
0x15f: {  	p1 =	sne.s32 s5, $0x400;
	[sflag:s21] =	ssyncadd.s32 $0xFFFFC180  }
0x160: {  	[spmem:s1] =	stream.indirect.scatter.add.f32 [tilespmem:s20], [sflag:$0x4], $0x80, s12, s18, $0xb8;
	[tilespmem:$0x1C880] =	vst v63  }
.Ltmp1:
0x161: {  	_ =	swait.ge [sflag:s22], $0x3E80;
	(pc) =	sbr.rel @p1 .LBB2_4-.Ltmp1, $4  }
0x162: {  	[sflag:s22] =	ssyncset.done $0x0  }
0x163: {  	[sflag:s22] =	ssyncadd.s32 $0xFFFFC180  }
0x164: {  	_ =	swait.ge [sflag:s23], $0x3E80  }
0x165: {  	s5 =	sadd.s32 $0x100, s5;
	s13 =	rddreg [dreg:$0x4];
	[sflag:s23] =	ssyncset.done $0x0  }
0x166: {  	[sflag:s23] =	ssyncadd.s32 $0xFFFFC180;
	s5 =	sadd.s32 s10, s13  }
0x167: {  	[tilespmem:s2], [sflag:$0x6] =	stream.linear.gather [hbm4b:s5+s2], $0x800, $0x38;
	[tilespmem:$0x1C880] =	vst v63  }
0x168: {  	_ =	swait.ge [sflag:s16], $0x800  }
0x169: {  	s15 =	rddreg [dreg:$0x3];
	[sflag:s16] =	ssyncset.done $0x0  }
0x16a: {  	[sflag:s16] =	ssyncadd.s32 $0xFFFFF800;
	s5 =	sadd.s32 s10, s15  }
0x16b: {  	[tilespmem:s17], [sflag:$0x6] =	stream.linear.gather [hbm4b:s5+s2], $0x800, $0x38;
	[tilespmem:$0x1C880] =	vst v63  }
0x16c: {  	_ =	swait.ge [sflag:s16], $0x800  }
0x16d: {  	[sflag:s16] =	ssyncset.done $0x0  }
0x16e: {  	[sflag:s16] =	ssyncadd.s32 $0xFFFFF800  }
0x16f: {  	[tilespmem:s14], [sflag:$0x1] =	stream.indirect.gather [hbm4b:s4+s18], $0x80, s2, s18, $0xb8;
	[tilespmem:$0x1C880] =	vst v63  }
0x170: {  	_ =	swait.ge [sflag:s19], $0x3E80  }
0x171: {  	[sflag:s19] =	ssyncset.done $0x0  }
0x172: {  	[sflag:s19] =	ssyncadd.s32 $0xFFFFC180  }
0x173: {  	[spmem:s1] =	stream.indirect.scatter.add.f32 [tilespmem:s14], [sflag:$0x3], $0x80, s17, s18, $0xb8;
	[tilespmem:$0x1C880] =	vst v63  }
0x174: {  	s13 =	rddreg [dreg:$0x5]  }
0x175: {  	[tilespmem:s20], [sflag:$0x2] =	stream.indirect.gather [hbm4b:s4+s18], $0x80, s13, s18, $0xb8;
	[tilespmem:$0x1C880] =	vst v63  }
0x176: {  	_ =	swait.ge [sflag:s21], $0x3E80  }
0x177: {  	[sflag:s21] =	ssyncset.done $0x0  }
0x178: {  	s15 =	rddreg [dreg:$0x6];
	[sflag:s21] =	ssyncadd.s32 $0xFFFFC180  }
0x179: {  	[spmem:s1] =	stream.indirect.scatter.add.f32 [tilespmem:s20], [sflag:$0x4], $0x80, s15, s18, $0xb8;
	[tilespmem:$0x1C880] =	vst v63  }
0x17a: {  	_ =	swait.ge [sflag:s22], $0x3E80  }
0x17b: {  	[sflag:s22] =	ssyncset.done $0x0  }
0x17c: {  	s10 =	rddreg [dreg:$0x7];
	[sflag:s22] =	ssyncadd.s32 $0xFFFFC180  }
0x17d: {  	[tilespmem:s14], [sflag:$0x1] =	stream.indirect.gather [hbm4b:s4+s18], $0x80, s10, s18, $0xb8;
	[tilespmem:$0x1C880] =	vst v63  }
0x17e: {  	_ =	swait.ge [sflag:s19], $0x3E80  }
0x17f: {  	[sflag:s19] =	ssyncset.done $0x0  }
0x180: {  	s13 =	rddreg [dreg:$0x8];
	[sflag:s19] =	ssyncadd.s32 $0xFFFFC180  }
0x181: {  	[spmem:s1] =	stream.indirect.scatter.add.f32 [tilespmem:s14], [sflag:$0x3], $0x80, s13, s18, $0xb8;
	[tilespmem:$0x1C880] =	vst v63  }
0x182: {  	_ =	swait.ge [sflag:s23], $0x3E80  }
0x183: {  	[sflag:s23] =	ssyncset.done $0x0  }
0x184: {  	s15 =	rddreg [dreg:$0x9];
	[sflag:s23] =	ssyncadd.s32 $0xFFFFC180  }
0x185: {  	[tilespmem:s20], [sflag:$0x2] =	stream.indirect.gather [hbm4b:s4+s18], $0x80, s15, s18, $0xb8;
	[tilespmem:$0x1C880] =	vst v63  }
0x186: {  	_ =	swait.ge [sflag:s21], $0x3E80  }
0x187: {  	[sflag:s21] =	ssyncset.done $0x0  }
0x188: {  	s10 =	rddreg [dreg:$0xa];
	[sflag:s21] =	ssyncadd.s32 $0xFFFFC180  }
0x189: {  	[spmem:s1] =	stream.indirect.scatter.add.f32 [tilespmem:s20], [sflag:$0x4], $0x80, s10, s18, $0xb8;
	[tilespmem:$0x1C880] =	vst v63  }
0x18a: {  	_ =	swait.ge [sflag:s22], $0x3E80  }
0x18b: {  	[sflag:s22] =	ssyncset.done $0x0  }
0x18c: {  	s13 =	rddreg [dreg:$0xb];
	[sflag:s22] =	ssyncadd.s32 $0xFFFFC180  }
0x18d: {  	[tilespmem:s14], [sflag:$0x1] =	stream.indirect.gather [hbm4b:s4+s18], $0x80, s13, s18, $0xb8;
	[tilespmem:$0x1C880] =	vst v63  }
0x18e: {  	_ =	swait.ge [sflag:s19], $0x3E80  }
0x18f: {  	[sflag:s19] =	ssyncset.done $0x0  }
0x190: {  	s15 =	rddreg [dreg:$0xc];
	[sflag:s19] =	ssyncadd.s32 $0xFFFFC180  }
0x191: {  	[spmem:s1] =	stream.indirect.scatter.add.f32 [tilespmem:s14], [sflag:$0x3], $0x80, s15, s18, $0xb8;
	[tilespmem:$0x1C880] =	vst v63  }
0x192: {  	_ =	swait.ge [sflag:s23], $0x3E80  }
0x193: {  	[sflag:s23] =	ssyncset.done $0x0  }
0x194: {  	s10 =	rddreg [dreg:$0xd];
	[sflag:s23] =	ssyncadd.s32 $0xFFFFC180  }
0x195: {  	[tilespmem:s20], [sflag:$0x2] =	stream.indirect.gather [hbm4b:s4+s18], $0x80, s10, s18, $0xb8;
	[tilespmem:$0x1C880] =	vst v63  }
0x196: {  	_ =	swait.ge [sflag:s21], $0x3E80  }
0x197: {  	[sflag:s21] =	ssyncset.done $0x0  }
0x198: {  	s13 =	rddreg [dreg:$0xe];
	[sflag:s21] =	ssyncadd.s32 $0xFFFFC180  }
0x199: {  	[spmem:s1] =	stream.indirect.scatter.add.f32 [tilespmem:s20], [sflag:$0x4], $0x80, s13, s18, $0xb8;
	[tilespmem:$0x1C880] =	vst v63  }
0x19a: {  	_ =	swait.ge [sflag:s22], $0x3E80  }
0x19b: {  	[sflag:s22] =	ssyncset.done $0x0  }
0x19c: {  	s15 =	rddreg [dreg:$0xf];
	[sflag:s22] =	ssyncadd.s32 $0xFFFFC180  }
0x19d: {  	[tilespmem:s14], [sflag:$0x1] =	stream.indirect.gather [hbm4b:s4+s18], $0x80, s15, s18, $0xb8;
	[tilespmem:$0x1C880] =	vst v63  }
0x19e: {  	_ =	swait.ge [sflag:s19], $0x3E80  }
0x19f: {  	[sflag:s19] =	ssyncset.done $0x0  }
0x1a0: {  	s10 =	rddreg [dreg:$0x10];
	[sflag:s19] =	ssyncadd.s32 $0xFFFFC180  }
0x1a1: {  	[spmem:s1] =	stream.indirect.scatter.add.f32 [tilespmem:s14], [sflag:$0x3], $0x80, s10, s18, $0xb8;
	[tilespmem:$0x1C880] =	vst v63  }
0x1a2: {  	_ =	swait.ge [sflag:s23], $0x3E80  }
0x1a3: {  	[sflag:s23] =	ssyncset.done $0x0  }
0x1a4: {  	s13 =	rddreg [dreg:$0x11];
	[sflag:s23] =	ssyncadd.s32 $0xFFFFC180  }
0x1a5: {  	[tilespmem:s20], [sflag:$0x2] =	stream.indirect.gather [hbm4b:s4+s18], $0x80, s13, s18, $0xb8;
	[tilespmem:$0x1C880] =	vst v63  }
0x1a6: {  	_ =	swait.ge [sflag:s21], $0x3E80  }
0x1a7: {  	[sflag:s21] =	ssyncset.done $0x0  }
0x1a8: {  	s15 =	rddreg [dreg:$0x12];
	[sflag:s21] =	ssyncadd.s32 $0xFFFFC180  }
0x1a9: {  	[spmem:s1] =	stream.indirect.scatter.add.f32 [tilespmem:s20], [sflag:$0x4], $0x80, s15, s18, $0xb8;
	[tilespmem:$0x1C880] =	vst v63  }
0x1aa: {  	_ =	swait.ge [sflag:s22], $0x3E80  }
0x1ab: {  	[sflag:s22] =	ssyncset.done $0x0  }
0x1ac: {  	s10 =	rddreg [dreg:$0x13];
	[sflag:s22] =	ssyncadd.s32 $0xFFFFC180  }
0x1ad: {  	[tilespmem:s14], [sflag:$0x1] =	stream.indirect.gather [hbm4b:s4+s18], $0x80, s10, s18, $0xb8;
	[tilespmem:$0x1C880] =	vst v63  }
0x1ae: {  	_ =	swait.ge [sflag:s19], $0x3E80  }
0x1af: {  	[sflag:s19] =	ssyncset.done $0x0  }
0x1b0: {  	[sflag:s19] =	ssyncadd.s32 $0xFFFFC180  }
0x1b1: {  	[spmem:s1] =	stream.indirect.scatter.add.f32 [tilespmem:s14], [sflag:$0x3], $0x80, s24, s18, $0xb8;
	[tilespmem:$0x1C880] =	vst v63  }
0x1b2: {  	_ =	swait.ge [sflag:s23], $0x3E80  }
0x1b3: {  	[sflag:s23] =	ssyncset.done $0x0  }
0x1b4: {  	[sflag:s23] =	ssyncadd.s32 $0xFFFFC180  }
0x1b5: {  	[tilespmem:s20], [sflag:$0x2] =	stream.indirect.gather [hbm4b:s4+s18], $0x80, s25, s18, $0xb8;
	[tilespmem:$0x1C880] =	vst v63  }
0x1b6: {  	_ =	swait.ge [sflag:s21], $0x3E80  }
0x1b7: {  	[sflag:s21] =	ssyncset.done $0x0  }
0x1b8: {  	[sflag:s21] =	ssyncadd.s32 $0xFFFFC180  }
0x1b9: {  	[spmem:s1] =	stream.indirect.scatter.add.f32 [tilespmem:s20], [sflag:$0x4], $0x80, s26, s18, $0xb8;
	[tilespmem:$0x1C880] =	vst v63  }
0x1ba: {  	_ =	swait.ge [sflag:s22], $0x3E80  }
0x1bb: {  	[sflag:s22] =	ssyncset.done $0x0  }
0x1bc: {  	[sflag:s22] =	ssyncadd.s32 $0xFFFFC180  }
0x1bd: {  	[tilespmem:s14], [sflag:$0x1] =	stream.indirect.gather [hbm4b:s4+s18], $0x80, s28, s18, $0xb8;
	[tilespmem:$0x1C880] =	vst v63  }
0x1be: {  	_ =	swait.ge [sflag:s19], $0x3E80  }
0x1bf: {  	[sflag:s19] =	ssyncset.done $0x0  }
0x1c0: {  	[sflag:s19] =	ssyncadd.s32 $0xFFFFC180  }
0x1c1: {  	[spmem:s1] =	stream.indirect.scatter.add.f32 [tilespmem:s14], [sflag:$0x3], $0x80, s29, s18, $0xb8;
	[tilespmem:$0x1C880] =	vst v63  }
0x1c2: {  	_ =	swait.ge [sflag:s23], $0x3E80  }
0x1c3: {  	[sflag:s23] =	ssyncset.done $0x0  }
0x1c4: {  	[sflag:s23] =	ssyncadd.s32 $0xFFFFC180  }
0x1c5: {  	[tilespmem:s20], [sflag:$0x2] =	stream.indirect.gather [hbm4b:s4+s18], $0x80, s30, s18, $0xb8;
	[tilespmem:$0x1C880] =	vst v63  }
0x1c6: {  	_ =	swait.ge [sflag:s21], $0x3E80  }
0x1c7: {  	[sflag:s21] =	ssyncset.done $0x0  }
0x1c8: {  	[sflag:s21] =	ssyncadd.s32 $0xFFFFC180  }
0x1c9: {  	[spmem:s1] =	stream.indirect.scatter.add.f32 [tilespmem:s20], [sflag:$0x4], $0x80, s31, s18, $0xb8;
	[tilespmem:$0x1C880] =	vst v63  }
0x1ca: {  	_ =	swait.ge [sflag:s22], $0x3E80  }
0x1cb: {  	[sflag:s22] =	ssyncset.done $0x0  }
0x1cc: {  	[sflag:s22] =	ssyncadd.s32 $0xFFFFC180  }
0x1cd: {  	[tilespmem:s14], [sflag:$0x1] =	stream.indirect.gather [hbm4b:s4+s18], $0x80, s0, s18, $0xb8;
	[tilespmem:$0x1C880] =	vst v63  }
0x1ce: {  	_ =	swait.ge [sflag:s19], $0x3E80  }
0x1cf: {  	[sflag:s19] =	ssyncset.done $0x0  }
0x1d0: {  	[sflag:s19] =	ssyncadd.s32 $0xFFFFC180  }
0x1d1: {  	[spmem:s1] =	stream.indirect.scatter.add.f32 [tilespmem:s14], [sflag:$0x3], $0x80, s3, s18, $0xb8;
	[tilespmem:$0x1C880] =	vst v63  }
0x1d2: {  	_ =	swait.ge [sflag:s23], $0x3E80  }
0x1d3: {  	[sflag:s23] =	ssyncset.done $0x0  }
0x1d4: {  	[sflag:s23] =	ssyncadd.s32 $0xFFFFC180  }
0x1d5: {  	[tilespmem:s20], [sflag:$0x2] =	stream.indirect.gather [hbm4b:s4+s18], $0x80, s6, s18, $0xb8;
	[tilespmem:$0x1C880] =	vst v63  }
0x1d6: {  	_ =	swait.ge [sflag:s21], $0x3E80  }
0x1d7: {  	[sflag:s21] =	ssyncset.done $0x0  }
0x1d8: {  	[sflag:s21] =	ssyncadd.s32 $0xFFFFC180  }
0x1d9: {  	[spmem:s1] =	stream.indirect.scatter.add.f32 [tilespmem:s20], [sflag:$0x4], $0x80, s7, s18, $0xb8;
	[tilespmem:$0x1C880] =	vst v63  }
0x1da: {  	_ =	swait.ge [sflag:s22], $0x3E80  }
0x1db: {  	[sflag:s22] =	ssyncset.done $0x0  }
0x1dc: {  	[sflag:s22] =	ssyncadd.s32 $0xFFFFC180  }
0x1dd: {  	[tilespmem:s14], [sflag:$0x1] =	stream.indirect.gather [hbm4b:s4+s18], $0x80, s8, s18, $0xb8;
	[tilespmem:$0x1C880] =	vst v63  }
0x1de: {  	_ =	swait.ge [sflag:s19], $0x3E80  }
0x1df: {  	[sflag:s19] =	ssyncset.done $0x0  }
0x1e0: {  	[sflag:s19] =	ssyncadd.s32 $0xFFFFC180  }
0x1e1: {  	[spmem:s1] =	stream.indirect.scatter.add.f32 [tilespmem:s14], [sflag:$0x3], $0x80, s9, s18, $0xb8;
	[tilespmem:$0x1C880] =	vst v63  }
0x1e2: {  	_ =	swait.ge [sflag:s23], $0x3E80  }
0x1e3: {  	[sflag:s23] =	ssyncset.done $0x0  }
0x1e4: {  	[sflag:s23] =	ssyncadd.s32 $0xFFFFC180  }
0x1e5: {  	[tilespmem:s20], [sflag:$0x2] =	stream.indirect.gather [hbm4b:s4+s18], $0x80, s11, s18, $0xb8;
	[tilespmem:$0x1C880] =	vst v63  }
0x1e6: {  	_ =	swait.ge [sflag:s21], $0x3E80  }
0x1e7: {  	[sflag:s21] =	ssyncset.done $0x0  }
0x1e8: {  	[sflag:s21] =	ssyncadd.s32 $0xFFFFC180  }
0x1e9: {  	[spmem:s1] =	stream.indirect.scatter.add.f32 [tilespmem:s20], [sflag:$0x4], $0x80, s12, s18, $0xb8;
	[tilespmem:$0x1C880] =	vst v63  }
0x1ea: {  	_ =	swait.ge [sflag:s22], $0x3E80  }
0x1eb: {  	[sflag:s22] =	ssyncset.done $0x0  }
0x1ec: {  	[sflag:s22] =	ssyncadd.s32 $0xFFFFC180  }
0x1ed: {  	_ =	swait.ge [sflag:s23], $0x3E80  }
0x1ee: {  	[sflag:s23] =	ssyncset.done $0x0  }
0x1ef: {  	[sflag:s23] =	ssyncadd.s32 $0xFFFFC180  }
0x1f0: {  	s13 =	stileid.u32;
	[bflag:$0x0] =	sbarrier.arrive $0xFFFF  }
0x1f1: {  	s5 =	sshll.u32 s13, $0x6;
	s15 =	rddreg [dreg:$0x14]  }
0x1f2: {  	s5 =	sor.u32 $0x1C06, s5;
	s10 =	sshrl.u32 s15, $0x3;
	s15 =	rddreg [dreg:$0x1a]  }
0x1f3: {  	[hbm:s15], [sflag:s5] =	dma.local [spmem:s10], $0x2700  }
0x1f4: {  	_ =	swait.ge [sflag:s16], $0x2700  }
0x1f5: {  	[sflag:s16] =	ssyncset.done $0x0;
	s15 =	rddreg [dreg:$0x19]  }
0x1f6: {  	s13 =	rddreg [dreg:$0x1b];
	[sflag:s16] =	ssyncadd.s32 $0xFFFFD900;
	s10 =	sshrl.u32 @!p0 s15, $0x3  }
0x1f7: {  	[hbm:s13], [sflag:s5] =	dma.local @!p0 [spmem:s10], $0x100  }
0x1f8: {  	s5 =	simm.s32 @!p0 $0x6  }
0x1f9: {  	_ =	swait.ge @!p0 [sflag:s5], $0x100  }
0x1fa: {  	s10 =	rddreg [dreg:$0x1d]  }
0x1fb: {  	s13 =	sadd.s32 $0x1, s10;
	s10 =	rddreg [dreg:$0x1c]  }
0x1fc: {  	p1 =	sne.s32 s13, s10  }
.Ltmp2:
0x1fd: {  	_ = 	snop;
	(pc) =	sbr.rel @p1 .LBB2_1-.Ltmp2, $3  }
0x1fe: {  	_ =	sdelay $0x1  }
0x1ff: {  	[sflag:s5] =	ssyncset.done @!p0 $0x0  }
0x200: {  	[sflag:s5] =	ssyncadd.s32 @!p0 $0xFFFFFF00  }
0x201: {  	_ =	sfence.sel $0x180000  }
0x202: {  	[bflag:$0x0] =	sbarrier.arrive $0xFFFF  }
0x203: {  	_ =	strace $0x9000004A  }
0x204: {  	[bflag:$0x2] =	sbarrier.arrive $0xFFFF  }
0x205: {  	s0 =	rddreg [dreg:$0x2]  }
0x206: {  	s0 =	sadd.s32 @!p0 $0x100000, s0  }
0x207: {  	[sflag:s0] =	ssyncadd.tile.s32 @!p0 $0x1;
	_ =	shalt  }
.Lfunc_end2:
_tile_overlayer_lowered:
.L_overlay_start_2:
0x208: {  	(tag) =	ssettag $0x2  }
0x209: {  	s0 =	rddreg [dreg:$0x0];
	s2 =	stileid.u32  }
0x20a: {  	s1 =	rddreg [dreg:$0x1];
	p0 =	sne.s32 s2, $0x0  }
0x20b: {  	s3 =	rddreg [dreg:$0x2];
	[bflag:$0x3] =	sbarrier.arrive $0xFFFF;
	s2 =	simm.s32 @!p0 $0x1C06  }
0x20c: {  	[timem:s3], [sflag:s2] =	dma.local @!p0 [hbm:s0], s1  }
0x20d: {  	s0 =	simm.s32 @!p0 $0x6  }
0x20e: {  	_ =	swait.ge @!p0 [sflag:s0], s1  }
0x20f: {  	s1 =	ssub.s32 @!p0 $0x0, s1;
	[sflag:s0] =	ssyncset.done @!p0 $0x0  }
0x210: {  	[sflag:s0] =	ssyncadd.s32 @!p0 s1  }
0x211: {  	[bflag:$0x3] =	sbarrier.arrive $0xFFFF  }
0x212: {  	_ =	shalt  }

</sc_bundles>
